<compile_context>
chip_gen: v7x
topology: tpu7x:2x2x1
jax: 0.10.2.dev20260603
libtpu: 0.0.44.dev20260713+nightly
codegen_flags: <defaults>
</compile_context>

<pallas_src>
import functools

import jax
import jax.numpy as jnp
from jax import lax
from jax.experimental import pallas as pl
from jax.experimental.pallas import tpu as pltpu
from jax.experimental.pallas import tpu_sc as plsc

N = 16384
B = 8
K = 5
R = 256
CB = 256
NR = N // R
NCB = N // CB
RC = 128
RE = 128
EPS = 1e-5
BIGI = 2 ** 30
F32 = jnp.float32
I32 = jnp.int32



def _knn_body(cs_ref, ncb_ref, lo_ref, hi_ref, sqr_ref, x_ref,
              xhbm_ref, sqhbm_ref, idx_out, xc_buf, sqc_buf,
              bestd, besti, sem, sem2):
    r = pl.program_id(0)
    x_r = x_ref[...]
    sq_r = sqr_ref[0]
    lo = lo_ref[0]
    hi = hi_ref[0]
    bestd[...] = jnp.full((R, 8), jnp.inf, F32)
    besti[...] = jnp.full((R, 8), BIGI, I32)
    c0 = cs_ref[r]
    nc = ncb_ref[r]

    def body(c, carry):
        cb = c0 + c
        cp = pltpu.make_async_copy(xhbm_ref.at[pl.ds(cb * CB, CB)], xc_buf, sem)
        cp2 = pltpu.make_async_copy(sqhbm_ref.at[cb], sqc_buf, sem2)
        cp.start()
        cp2.start()
        cp.wait()
        cp2.wait()
        xc = xc_buf[...]
        dots = lax.dot_general(x_r, xc, (((1,), (1,)), ((), ())))
        dist = (sq_r + sqc_buf[...]) - 2.0 * dots
        ids = cb * CB + lax.broadcasted_iota(I32, (R, CB), 1)
        valid = (ids >= lo) & (ids < hi)
        dist = jnp.where(valid, dist, jnp.inf)
        a = jnp.concatenate([bestd[...], dist], axis=1)
        ai = jnp.concatenate([besti[...], ids], axis=1)
        nd, ni = [], []
        for _ in range(K):
            m = jnp.min(a, axis=1, keepdims=True)
            sel = a == m
            mi = jnp.min(jnp.where(sel, ai, BIGI), axis=1, keepdims=True)
            nd.append(m)
            ni.append(mi)
            a = jnp.where(sel & (ai == mi), jnp.inf, a)
        nd.append(jnp.full((R, 8 - K), jnp.inf, F32))
        ni.append(jnp.full((R, 8 - K), BIGI, I32))
        bestd[...] = jnp.concatenate(nd, axis=1)
        besti[...] = jnp.concatenate(ni, axis=1)
        return carry

    lax.fori_loop(0, nc, body, 0)
    idx_out[...] = besti[...]


def _knn_call(x, sq3r, sq3c, lo3, hi3, cs, ncb):
    d = x.shape[1]
    return pl.pallas_call(
        _knn_body,
        grid=(NR,),
        in_specs=[
            pl.BlockSpec(memory_space=pltpu.SMEM),
            pl.BlockSpec(memory_space=pltpu.SMEM),
            pl.BlockSpec((1, R, 1), lambda r: (r, 0, 0)),
            pl.BlockSpec((1, R, 1), lambda r: (r, 0, 0)),
            pl.BlockSpec((1, R, 1), lambda r: (r, 0, 0)),
            pl.BlockSpec((R, d), lambda r: (r, 0)),
            pl.BlockSpec(memory_space=pl.ANY),
            pl.BlockSpec(memory_space=pl.ANY),
        ],
        out_specs=pl.BlockSpec((R, 8), lambda r: (r, 0)),
        out_shape=jax.ShapeDtypeStruct((N, 8), I32),
        scratch_shapes=[
            pltpu.VMEM((CB, d), F32),
            pltpu.VMEM((1, CB), F32),
            pltpu.VMEM((R, 8), F32),
            pltpu.VMEM((R, 8), I32),
            pltpu.SemaphoreType.DMA,
            pltpu.SemaphoreType.DMA,
        ],
    )(cs, ncb, lo3, hi3, sq3r, x, x, sq3c)



@functools.lru_cache(maxsize=None)
def _sc_gather_fn(m, dout):
    info = plsc.get_sparse_core_info()
    nw = info.num_cores * info.num_subcores
    b_per_w = m // nw
    ch = 128
    nch = b_per_w // ch
    mesh = plsc.VectorSubcoreMesh(core_axis_name="c", subcore_axis_name="s")

    @functools.partial(
        pl.kernel, mesh=mesh,
        out_type=jax.ShapeDtypeStruct((m, dout), F32),
        scratch_types=[
            pltpu.VMEM((ch,), I32),
            pltpu.VMEM((ch, dout), F32),
            pltpu.SemaphoreType.DMA,
        ],
    )
    def k(tab_hbm, idx_hbm, out_hbm, idx_v, rows_v, sem):
        wid = lax.axis_index("s") * info.num_cores + lax.axis_index("c")
        base = wid * b_per_w

        def body(j, carry):
            off = base + j * ch
            pltpu.sync_copy(idx_hbm.at[pl.ds(off, ch)], idx_v)
            pltpu.async_copy(tab_hbm.at[idx_v], rows_v, sem).wait()
            pltpu.sync_copy(rows_v, out_hbm.at[pl.ds(off, ch)])
            return carry

        lax.fori_loop(0, nch, body, 0)

    return k


def _sc_gather(table, idx):
    return _sc_gather_fn(idx.shape[0], table.shape[1])(table, idx)



def _edge_body(d, x_ref, xj_ref, w_ref, b_ref, m_out):
    x = x_ref[...]
    m = None
    for kk in range(K):
        e = jnp.concatenate([x, xj_ref[:, kk, :d] - x], axis=1)
        h = lax.dot_general(e, w_ref[...], (((1,), (0,)), ((), ())))
        h = jnp.maximum(h + b_ref[...], 0.0)
        m = h if kk == 0 else jnp.maximum(m, h)
    m_out[...] = m


def _edge_call(x, xj3, W, b2):
    d = x.shape[1]
    dout = W.shape[1]
    dp = xj3.shape[2]
    return pl.pallas_call(
        functools.partial(_edge_body, d),
        grid=(N // RC,),
        in_specs=[
            pl.BlockSpec((RC, d), lambda r: (r, 0)),
            pl.BlockSpec((RC, K, dp), lambda r: (r, 0, 0)),
            pl.BlockSpec((2 * d, dout), lambda r: (0, 0)),
            pl.BlockSpec((1, dout), lambda r: (0, 0)),
        ],
        out_specs=pl.BlockSpec((RC, dout), lambda r: (r, 0)),
        out_shape=jax.ShapeDtypeStruct((N, dout), F32),
    )(x, xj3, W, b2)



def _norm_body(m_ref, mu_ref, var_ref, g_ref, be_ref, o_ref):
    z = (m_ref[...] - mu_ref[...]) / jnp.sqrt(var_ref[...] + EPS)
    o_ref[...] = z * g_ref[...] + be_ref[...]


def _norm_call(m, mu, var, g2, be2):
    dout = m.shape[1]
    return pl.pallas_call(
        _norm_body,
        grid=(N // RC,),
        in_specs=[
            pl.BlockSpec((RC, dout), lambda r: (r, 0)),
            pl.BlockSpec((1, dout), lambda r: (0, 0)),
            pl.BlockSpec((1, dout), lambda r: (0, 0)),
            pl.BlockSpec((1, dout), lambda r: (0, 0)),
            pl.BlockSpec((1, dout), lambda r: (0, 0)),
        ],
        out_specs=pl.BlockSpec((RC, dout), lambda r: (r, 0)),
        out_shape=jax.ShapeDtypeStruct((N, dout), F32),
    )(m, mu, var, g2, be2)



def _pool_body(bc_ref, xc_ref, w_ref, b_ref, pool_out):
    r = pl.program_id(0)
    h = lax.dot_general(xc_ref[...], w_ref[...], (((1,), (0,)), ((), ())))
    h = jnp.maximum(h + b_ref[...], 0.0)
    bc = bc_ref[0]

    @pl.when(r == 0)
    def _():
        pool_out[...] = jnp.full_like(pool_out, -jnp.inf)

    for seg in range(B):
        sm = jnp.max(jnp.where(bc == seg, h, -jnp.inf), axis=0, keepdims=True)
        pool_out[seg:seg + 1, :] = jnp.maximum(pool_out[seg:seg + 1, :], sm)


def _pool_call(bc3, xc, W5, b52):
    co = W5.shape[1]
    return pl.pallas_call(
        _pool_body,
        grid=(N // RE,),
        in_specs=[
            pl.BlockSpec((1, RE, 1), lambda r: (r, 0, 0)),
            pl.BlockSpec((RE, 512), lambda r: (r, 0)),
            pl.BlockSpec((512, co), lambda r: (0, 0)),
            pl.BlockSpec((1, co), lambda r: (0, 0)),
        ],
        out_specs=pl.BlockSpec((B, co), lambda r: (0, 0)),
        out_shape=jax.ShapeDtypeStruct((B, co), F32),
    )(bc3, xc, W5, b52)



def _head_body(p_ref, mu5_ref, var5_ref, g5_ref, be5_ref, w6a_ref, b6a_ref,
               g6a_ref, be6a_ref, w6b_ref, b6b_ref, g6b_ref, be6b_ref,
               wf_ref, bf_ref, o_ref):
    h = (p_ref[...] - mu5_ref[...]) / jnp.sqrt(var5_ref[...] + EPS)
    h = h * g5_ref[...] + be5_ref[...]

    def mlp_bn(h, w, b, g, be):
        h = lax.dot_general(h, w[...], (((1,), (0,)), ((), ())))
        h = jnp.maximum(h + b[...], 0.0)
        mu = jnp.mean(h, axis=0, keepdims=True)
        hc = h - mu
        var = jnp.mean(hc * hc, axis=0, keepdims=True)
        hn = hc / jnp.sqrt(var + EPS)
        return hn * g[...] + be[...]

    h = mlp_bn(h, w6a_ref, b6a_ref, g6a_ref, be6a_ref)
    h = mlp_bn(h, w6b_ref, b6b_ref, g6b_ref, be6b_ref)
    o_ref[...] = lax.dot_general(h, wf_ref[...], (((1,), (0,)), ((), ())),
                                 ) + bf_ref[...]


def _head_call(pool, mu5, var5, g52, be52, W6a, b6a2, g6a2, be6a2,
               W6b, b6b2, g6b2, be6b2, Wf, bf2):
    return pl.pallas_call(
        _head_body,
        out_shape=jax.ShapeDtypeStruct((B, Wf.shape[1]), F32),
    )(pool, mu5, var5, g52, be52, W6a, b6a2, g6a2, be6a2,
      W6b, b6b2, g6b2, be6b2, Wf, bf2)



def _edge_layer(x, lo3, hi3, cs, ncb, W, b, g, be):
    d = x.shape[1]
    dout = W.shape[1]
    dp = max(d, 128)
    sq = jnp.sum(x * x, axis=1)
    sq3r = sq.reshape(NR, R, 1)
    sq3c = sq.reshape(NCB, 1, CB)
    idx8 = _knn_call(x, sq3r, sq3c, lo3, hi3, cs, ncb)
    idx = idx8[:, :K].reshape(-1)
    xp = jnp.pad(x, ((0, 0), (0, dp - d))) if dp != d else x
    xj = _sc_gather(xp, idx)
    xj3 = xj.reshape(N, K, dp)
    m = _edge_call(x, xj3, W, b.reshape(1, dout))
    xbc = jnp.broadcast_to(x[:, None, :], (N, K, d))
    e2 = jnp.concatenate([xbc, xj3[:, :, :d] - xbc], axis=-1).reshape(N * K, 2 * d)
    h2 = jnp.maximum(e2 @ W + b, 0.0)
    mu = jnp.mean(h2, axis=0)
    var = jnp.var(h2, axis=0)
    return _norm_call(m, mu.reshape(1, dout), var.reshape(1, dout),
                      g.reshape(1, dout), be.reshape(1, dout))


def kernel(x, pos, batch, W1, b1, g1, be1, W2, b2, g2, be2, W3, b3, g3, be3,
           W4, b4, g4, be4, W5, b5, g5, be5, W6a, b6a, g6a, be6a,
           W6b, b6b, g6b, be6b, Wf, bf):
    batch = batch.astype(I32)
    x0 = jnp.concatenate([x, pos], axis=1)
    bvals = jnp.arange(B, dtype=I32)
    starts = jnp.searchsorted(batch, bvals, side="left").astype(I32)
    ends = jnp.searchsorted(batch, bvals, side="right").astype(I32)
    lo = starts[batch]
    hi = ends[batch]
    lo3 = lo.reshape(NR, R, 1)
    hi3 = hi.reshape(NR, R, 1)
    col_lo = starts[batch[::R]]
    col_hi = ends[batch[R - 1::R]]
    cs = (col_lo // CB).astype(I32)
    ncb = ((col_hi + CB - 1) // CB - cs).astype(I32)

    x1 = _edge_layer(x0, lo3, hi3, cs, ncb, W1, b1, g1, be1)
    x2 = _edge_layer(x1, lo3, hi3, cs, ncb, W2, b2, g2, be2)
    x3 = _edge_layer(x2, lo3, hi3, cs, ncb, W3, b3, g3, be3)
    x4 = _edge_layer(x3, lo3, hi3, cs, ncb, W4, b4, g4, be4)

    bc3 = batch.reshape(N // RE, RE, 1)
    xc = jnp.concatenate([x1, x2, x3, x4], axis=1)
    pool = _pool_call(bc3, xc, W5, b5.reshape(1, -1))
    h5 = jnp.maximum(xc @ W5 + b5, 0.0)
    mu5 = jnp.mean(h5, axis=0)
    var5 = jnp.var(h5, axis=0)
    co = W5.shape[1]
    return _head_call(pool, mu5.reshape(1, co), var5.reshape(1, co),
                      g5.reshape(1, co), be5.reshape(1, co),
                      W6a, b6a.reshape(1, -1), g6a.reshape(1, -1),
                      be6a.reshape(1, -1), W6b, b6b.reshape(1, -1),
                      g6b.reshape(1, -1), be6b.reshape(1, -1),
                      Wf, bf.reshape(1, -1))

# --- scband reference (transcript-rebuilt; emitter-appended) ---
"""Pipeline reference for scband-edge-net-40656160424625 (READ-ONLY COPY).

The authoritative reference and input builder live on the scoring server;
editing this copy changes nothing except your own understanding.
"""

import jax, jax.numpy as jnp
import numpy as np

_EPS = 1e-5

def _mlp_layer(h, W, b, g, be):
    h = h @ W + b
    h = jax.nn.relu(h)
    mu = jnp.mean(h, axis=0)
    var = jnp.var(h, axis=0)
    h = (h - mu) / jnp.sqrt(var + _EPS)
    return h * g + be

def _dyn_edge_conv(x, batch, k, W, b, g, be):
    # kNN in current feature space, restricted to same-graph (batch) nodes, self included
    sq = jnp.sum(x * x, axis=1)
    d2 = sq[:, None] + sq[None, :] - 2.0 * (x @ x.T)
    d2 = jnp.where(batch[:, None] != batch[None, :], jnp.inf, d2)
    _, idx = jax.lax.top_k(-d2, k)  # [N, k] nearest neighbors per node
    x_j = x[idx]                    # gather neighbor features [N, k, d]
    x_i = jnp.broadcast_to(x[:, None, :], x_j.shape)
    e = jnp.concatenate([x_i, x_j - x_i], axis=-1)  # [N, k, 2d]
    N, K, F = e.shape
    h = _mlp_layer(e.reshape(N * K, F), W, b, g, be)
    return jnp.max(h.reshape(N, K, -1), axis=1)  # max aggregation

def setup_inputs(seed: int = 0) -> dict:
    key = jax.random.key(seed)
    ks = jax.random.split(key, 16)
    N = 16384; B = 8; IC = 13; CH = 64; NC = 10
    inp = {}
    inp['x'] = jax.random.normal(ks[0], (N, IC), dtype=jnp.float32)
    inp['pos'] = jax.random.normal(ks[1], (N, 3), dtype=jnp.float32)
    inp['batch'] = jnp.sort(jax.random.randint(ks[2], (N,), 0, B, dtype=jnp.int32))
    dims = [(2 * (IC + 3), CH), (2 * CH, CH), (2 * CH, 2 * CH), (4 * CH, 4 * CH), (8 * CH, 16 * CH), (16 * CH, 8 * CH), (8 * CH, 4 * CH)]
    names = ['1', '2', '3', '4', '5', '6a', '6b']
    for i, (din, dout) in enumerate(dims):
        inp['W' + names[i]] = jax.random.normal(ks[3 + i], (din, dout), dtype=jnp.float32) * (1.0 / np.sqrt(din))
        inp['b' + names[i]] = jnp.zeros((dout,), jnp.float32)
        inp['g' + names[i]] = jnp.ones((dout,), jnp.float32)
        inp['be' + names[i]] = jnp.zeros((dout,), jnp.float32)
    inp['Wf'] = jax.random.normal(ks[10], (4 * CH, NC), dtype=jnp.float32) * (1.0 / np.sqrt(4 * CH))
    inp['bf'] = jnp.zeros((NC,), jnp.float32)
    return inp

def reference(x, pos, batch, W1, b1, g1, be1, W2, b2, g2, be2, W3, b3, g3, be3, W4, b4, g4, be4, W5, b5, g5, be5, W6a, b6a, g6a, be6a, W6b, b6b, g6b, be6b, Wf, bf):
    k = 5
    x0 = jnp.concatenate([x, pos], axis=-1)
    x1 = _dyn_edge_conv(x0, batch, k, W1, b1, g1, be1)
    x2 = _dyn_edge_conv(x1, batch, k, W2, b2, g2, be2)
    x3 = _dyn_edge_conv(x2, batch, k, W3, b3, g3, be3)
    x4 = _dyn_edge_conv(x3, batch, k, W4, b4, g4, be4)
    xc = jnp.concatenate([x1, x2, x3, x4], axis=-1)  # [N, 512]
    h = _mlp_layer(xc, W5, b5, g5, be5)              # [N, 1024]
    pooled = jax.ops.segment_max(h, batch, num_segments=8)  # global_max_pool -> [8, 1024]
    h = _mlp_layer(pooled, W6a, b6a, g6a, be6a)
    h = _mlp_layer(h, W6b, b6b, g6b, be6b)
    return h @ Wf + bf  # [8, 10]

if __name__ == "__main__":
    import jax
    _d = setup_inputs()
    print(jax.jit(kernel)(*tuple(_d.values())))

</pallas_src>

<mosaic_0001>
#map = affine_map<(d0, d1) -> (0, 0)>
#map1 = affine_map<(d0, d1) -> (0)>
module attributes {stable_mosaic.version = 14 : i64} {
  func.func @k(%arg0: i32, %arg1: i32, %arg2: memref<16384x128xf32, #tpu.memory_space<hbm>>, %arg3: memref<81920xi32, #tpu.memory_space<hbm>>, %arg4: memref<81920x128xf32, #tpu.memory_space<hbm>>, %arg5: memref<128xi32, #tpu.memory_space<vmem>>, %arg6: memref<128x128xf32, #tpu.memory_space<vmem>>, %arg7: memref<!tpu.dma_semaphore, #tpu.memory_space<semaphore_mem>>) attributes {dimension_semantics = [#tpu.dimension_semantics<core_parallel>, #tpu.dimension_semantics<subcore_parallel>], iteration_bounds = array<i64: 2, 16>, scalar_prefetch = 0 : i64, scratch_operands = 3 : i64, tpu.core_type = #tpu.core_type<sc_vector_subcore>, window_params = [{transform_indices = #map}, {transform_indices = #map1}, {transform_indices = #map}]} {
    %mul3A = arith.constant 2 : i32
    %mul3A_0 = arith.muli %arg1, %mul3A : i32
    %add3A = arith.addi %mul3A_0, %arg0 : i32
    %mul3A_1 = arith.constant 2560 : i32
    %mul3A_2 = arith.muli %add3A, %mul3A_1 : i32
    %scan3A = arith.constant 0 : i32
    %scan3A_3 = arith.constant 0 : i32
    %scan3A_4 = arith.constant 20 : i32
    %scan3A_5 = arith.addi %scan3A_3, %scan3A_4 : i32
    %scan3A_6 = arith.constant 1 : i32
    scf.for %scan3A_8 = %scan3A_3 to %scan3A_5 step %scan3A_6  : i32 {
      %mul3A_9 = arith.constant 128 : i32
      %mul3A_10 = arith.muli %scan3A_8, %mul3A_9 : i32
      %add3A_11 = arith.addi %mul3A_2, %mul3A_10 : i32
      "tpu.region"() ({
        %run_scoped3A = tpu.sem_alloc : memref<!tpu.dma_semaphore, #tpu.memory_space<semaphore_mem>>
        %dma_start3A_16 = tpu.memref_slice %arg3[%add3A_11] : memref<81920xi32, #tpu.memory_space<hbm>> -> memref<128xi32, #tpu.memory_space<hbm>>
        %dma_start3A_17 = tpu.memref_slice %arg3[%add3A_11] : memref<81920xi32, #tpu.memory_space<hbm>> -> memref<128xi32, #tpu.memory_space<hbm>>
        tpu.enqueue_dma source(%dma_start3A_17 : memref<128xi32, #tpu.memory_space<hbm>>) target(%arg5 : memref<128xi32, #tpu.memory_space<vmem>>) target_semaphore(%run_scoped3A : memref<!tpu.dma_semaphore, #tpu.memory_space<semaphore_mem>>)
        %dma_wait3A_18 = tpu.memref_slice %arg3[%add3A_11] : memref<81920xi32, #tpu.memory_space<hbm>> -> memref<128xi32, #tpu.memory_space<hbm>>
        %dma_wait3A_19 = tpu.memref_slice %arg3[%add3A_11] : memref<81920xi32, #tpu.memory_space<hbm>> -> memref<128xi32, #tpu.memory_space<hbm>>
        tpu.wait_dma2 semaphore(%run_scoped3A : memref<!tpu.dma_semaphore, #tpu.memory_space<semaphore_mem>>) src(%dma_wait3A_19 : memref<128xi32, #tpu.memory_space<hbm>>) dst(%arg5 : memref<128xi32, #tpu.memory_space<vmem>>)
        tpu.yield
      }) : () -> ()
      %dma_start3A = arith.constant 0 : i32
      %dma_start3A_12 = arith.constant 0 : i32
      %dma_start3A_13 = tpu.memref_slice %arg2[%dma_start3A, %dma_start3A_12] : memref<16384x128xf32, #tpu.memory_space<hbm>> -> memref<16384x128xf32, #tpu.memory_space<hbm>>
      tpu.enqueue_indirect_dma source(%dma_start3A_13 : memref<16384x128xf32, #tpu.memory_space<hbm>>) target(%arg6 : memref<128x128xf32, #tpu.memory_space<vmem>>) offsets(%arg5 : memref<128xi32, #tpu.memory_space<vmem>>) semaphore(%arg7 : memref<!tpu.dma_semaphore, #tpu.memory_space<semaphore_mem>>)
      %dma_wait3A = arith.constant 0 : i32
      %dma_wait3A_14 = arith.constant 0 : i32
      %dma_wait3A_15 = tpu.memref_slice %arg2[%dma_wait3A, %dma_wait3A_14] : memref<16384x128xf32, #tpu.memory_space<hbm>> -> memref<16384x128xf32, #tpu.memory_space<hbm>>
      tpu.wait_indirect_dma semaphore(%arg7 : memref<!tpu.dma_semaphore, #tpu.memory_space<semaphore_mem>>) src(%dma_wait3A_15 : memref<16384x128xf32, #tpu.memory_space<hbm>>) dst(%arg6 : memref<128x128xf32, #tpu.memory_space<vmem>>)
      "tpu.region"() ({
        %run_scoped3A = tpu.sem_alloc : memref<!tpu.dma_semaphore, #tpu.memory_space<semaphore_mem>>
        %dma_start3A_16 = arith.constant 0 : i32
        %dma_start3A_17 = tpu.memref_slice %arg4[%add3A_11, %dma_start3A_16] : memref<81920x128xf32, #tpu.memory_space<hbm>> -> memref<128x128xf32, #tpu.memory_space<hbm>>
        %dma_start3A_18 = arith.constant 0 : i32
        %dma_start3A_19 = tpu.memref_slice %arg4[%add3A_11, %dma_start3A_18] : memref<81920x128xf32, #tpu.memory_space<hbm>> -> memref<128x128xf32, #tpu.memory_space<hbm>>
        tpu.enqueue_dma source(%arg6 : memref<128x128xf32, #tpu.memory_space<vmem>>) target(%dma_start3A_19 : memref<128x128xf32, #tpu.memory_space<hbm>>) target_semaphore(%run_scoped3A : memref<!tpu.dma_semaphore, #tpu.memory_space<semaphore_mem>>)
        %dma_wait3A_20 = arith.constant 0 : i32
        %dma_wait3A_21 = tpu.memref_slice %arg4[%add3A_11, %dma_wait3A_20] : memref<81920x128xf32, #tpu.memory_space<hbm>> -> memref<128x128xf32, #tpu.memory_space<hbm>>
        %dma_wait3A_22 = arith.constant 0 : i32
        %dma_wait3A_23 = tpu.memref_slice %arg4[%add3A_11, %dma_wait3A_22] : memref<81920x128xf32, #tpu.memory_space<hbm>> -> memref<128x128xf32, #tpu.memory_space<hbm>>
        tpu.wait_dma2 semaphore(%run_scoped3A : memref<!tpu.dma_semaphore, #tpu.memory_space<semaphore_mem>>) src(%arg6 : memref<128x128xf32, #tpu.memory_space<vmem>>) dst(%dma_wait3A_23 : memref<128x128xf32, #tpu.memory_space<hbm>>)
        tpu.yield
      }) : () -> ()
    }
    %scan3A_7 = arith.constant 20 : i32
    return
  }
}

#map = affine_map<(d0, d1) -> (0, 0)>
#map1 = affine_map<(d0, d1) -> (0)>
module attributes {stable_mosaic.version = 14 : i64} {
  func.func @k(%arg0: i32, %arg1: i32, %arg2: memref<16384x128xf32, #tpu.memory_space<hbm>>, %arg3: memref<81920xi32, #tpu.memory_space<hbm>>, %arg4: memref<81920x128xf32, #tpu.memory_space<hbm>>, %arg5: memref<128xi32, #tpu.memory_space<vmem>>, %arg6: memref<128x128xf32, #tpu.memory_space<vmem>>, %arg7: memref<!tpu.dma_semaphore, #tpu.memory_space<semaphore_mem>>) attributes {dimension_semantics = [#tpu.dimension_semantics<core_parallel>, #tpu.dimension_semantics<subcore_parallel>], iteration_bounds = array<i64: 2, 16>, scalar_prefetch = 0 : i64, scratch_operands = 3 : i64, tpu.core_type = #tpu.core_type<sc_vector_subcore>, window_params = [{transform_indices = #map}, {transform_indices = #map1}, {transform_indices = #map}]} {
    %mul3A = arith.constant 2 : i32
    %mul3A_0 = arith.muli %arg1, %mul3A : i32
    %add3A = arith.addi %mul3A_0, %arg0 : i32
    %mul3A_1 = arith.constant 2560 : i32
    %mul3A_2 = arith.muli %add3A, %mul3A_1 : i32
    %scan3A = arith.constant 0 : i32
    %scan3A_3 = arith.constant 0 : i32
    %scan3A_4 = arith.constant 20 : i32
    %scan3A_5 = arith.addi %scan3A_3, %scan3A_4 : i32
    %scan3A_6 = arith.constant 1 : i32
    scf.for %scan3A_8 = %scan3A_3 to %scan3A_5 step %scan3A_6  : i32 {
      %mul3A_9 = arith.constant 128 : i32
      %mul3A_10 = arith.muli %scan3A_8, %mul3A_9 : i32
      %add3A_11 = arith.addi %mul3A_2, %mul3A_10 : i32
      "tpu.region"() ({
        %run_scoped3A = tpu.sem_alloc : memref<!tpu.dma_semaphore, #tpu.memory_space<semaphore_mem>>
        %dma_start3A_16 = tpu.memref_slice %arg3[%add3A_11] : memref<81920xi32, #tpu.memory_space<hbm>> -> memref<128xi32, #tpu.memory_space<hbm>>
        %dma_start3A_17 = tpu.memref_slice %arg3[%add3A_11] : memref<81920xi32, #tpu.memory_space<hbm>> -> memref<128xi32, #tpu.memory_space<hbm>>
        tpu.enqueue_dma source(%dma_start3A_17 : memref<128xi32, #tpu.memory_space<hbm>>) target(%arg5 : memref<128xi32, #tpu.memory_space<vmem>>) target_semaphore(%run_scoped3A : memref<!tpu.dma_semaphore, #tpu.memory_space<semaphore_mem>>)
        %dma_wait3A_18 = tpu.memref_slice %arg3[%add3A_11] : memref<81920xi32, #tpu.memory_space<hbm>> -> memref<128xi32, #tpu.memory_space<hbm>>
        %dma_wait3A_19 = tpu.memref_slice %arg3[%add3A_11] : memref<81920xi32, #tpu.memory_space<hbm>> -> memref<128xi32, #tpu.memory_space<hbm>>
        tpu.wait_dma2 semaphore(%run_scoped3A : memref<!tpu.dma_semaphore, #tpu.memory_space<semaphore_mem>>) src(%dma_wait3A_19 : memref<128xi32, #tpu.memory_space<hbm>>) dst(%arg5 : memref<128xi32, #tpu.memory_space<vmem>>)
        tpu.yield
      }) : () -> ()
      %dma_start3A = arith.constant 0 : i32
      %dma_start3A_12 = arith.constant 0 : i32
      %dma_start3A_13 = tpu.memref_slice %arg2[%dma_start3A, %dma_start3A_12] : memref<16384x128xf32, #tpu.memory_space<hbm>> -> memref<16384x128xf32, #tpu.memory_space<hbm>>
      tpu.enqueue_indirect_dma source(%dma_start3A_13 : memref<16384x128xf32, #tpu.memory_space<hbm>>) target(%arg6 : memref<128x128xf32, #tpu.memory_space<vmem>>) offsets(%arg5 : memref<128xi32, #tpu.memory_space<vmem>>) semaphore(%arg7 : memref<!tpu.dma_semaphore, #tpu.memory_space<semaphore_mem>>)
      %dma_wait3A = arith.constant 0 : i32
      %dma_wait3A_14 = arith.constant 0 : i32
      %dma_wait3A_15 = tpu.memref_slice %arg2[%dma_wait3A, %dma_wait3A_14] : memref<16384x128xf32, #tpu.memory_space<hbm>> -> memref<16384x128xf32, #tpu.memory_space<hbm>>
      tpu.wait_indirect_dma semaphore(%arg7 : memref<!tpu.dma_semaphore, #tpu.memory_space<semaphore_mem>>) src(%dma_wait3A_15 : memref<16384x128xf32, #tpu.memory_space<hbm>>) dst(%arg6 : memref<128x128xf32, #tpu.memory_space<vmem>>)
      "tpu.region"() ({
        %run_scoped3A = tpu.sem_alloc : memref<!tpu.dma_semaphore, #tpu.memory_space<semaphore_mem>>
        %dma_start3A_16 = arith.constant 0 : i32
        %dma_start3A_17 = tpu.memref_slice %arg4[%add3A_11, %dma_start3A_16] : memref<81920x128xf32, #tpu.memory_space<hbm>> -> memref<128x128xf32, #tpu.memory_space<hbm>>
        %dma_start3A_18 = arith.constant 0 : i32
        %dma_start3A_19 = tpu.memref_slice %arg4[%add3A_11, %dma_start3A_18] : memref<81920x128xf32, #tpu.memory_space<hbm>> -> memref<128x128xf32, #tpu.memory_space<hbm>>
        tpu.enqueue_dma source(%arg6 : memref<128x128xf32, #tpu.memory_space<vmem>>) target(%dma_start3A_19 : memref<128x128xf32, #tpu.memory_space<hbm>>) target_semaphore(%run_scoped3A : memref<!tpu.dma_semaphore, #tpu.memory_space<semaphore_mem>>)
        %dma_wait3A_20 = arith.constant 0 : i32
        %dma_wait3A_21 = tpu.memref_slice %arg4[%add3A_11, %dma_wait3A_20] : memref<81920x128xf32, #tpu.memory_space<hbm>> -> memref<128x128xf32, #tpu.memory_space<hbm>>
        %dma_wait3A_22 = arith.constant 0 : i32
        %dma_wait3A_23 = tpu.memref_slice %arg4[%add3A_11, %dma_wait3A_22] : memref<81920x128xf32, #tpu.memory_space<hbm>> -> memref<128x128xf32, #tpu.memory_space<hbm>>
        tpu.wait_dma2 semaphore(%run_scoped3A : memref<!tpu.dma_semaphore, #tpu.memory_space<semaphore_mem>>) src(%arg6 : memref<128x128xf32, #tpu.memory_space<vmem>>) dst(%dma_wait3A_23 : memref<128x128xf32, #tpu.memory_space<hbm>>)
        tpu.yield
      }) : () -> ()
    }
    %scan3A_7 = arith.constant 20 : i32
    return
  }
}

#map = affine_map<(d0, d1) -> (0, 0)>
#map1 = affine_map<(d0, d1) -> (0)>
module attributes {stable_mosaic.version = 14 : i64} {
  func.func @k(%arg0: i32, %arg1: i32, %arg2: memref<16384x128xf32, #tpu.memory_space<hbm>>, %arg3: memref<81920xi32, #tpu.memory_space<hbm>>, %arg4: memref<81920x128xf32, #tpu.memory_space<hbm>>, %arg5: memref<128xi32, #tpu.memory_space<vmem>>, %arg6: memref<128x128xf32, #tpu.memory_space<vmem>>, %arg7: memref<!tpu.dma_semaphore, #tpu.memory_space<semaphore_mem>>) attributes {dimension_semantics = [#tpu.dimension_semantics<core_parallel>, #tpu.dimension_semantics<subcore_parallel>], iteration_bounds = array<i64: 2, 16>, scalar_prefetch = 0 : i64, scratch_operands = 3 : i64, tpu.core_type = #tpu.core_type<sc_vector_subcore>, window_params = [{transform_indices = #map}, {transform_indices = #map1}, {transform_indices = #map}]} {
    %mul3A = arith.constant 2 : i32
    %mul3A_0 = arith.muli %arg1, %mul3A : i32
    %add3A = arith.addi %mul3A_0, %arg0 : i32
    %mul3A_1 = arith.constant 2560 : i32
    %mul3A_2 = arith.muli %add3A, %mul3A_1 : i32
    %scan3A = arith.constant 0 : i32
    %scan3A_3 = arith.constant 0 : i32
    %scan3A_4 = arith.constant 20 : i32
    %scan3A_5 = arith.addi %scan3A_3, %scan3A_4 : i32
    %scan3A_6 = arith.constant 1 : i32
    scf.for %scan3A_8 = %scan3A_3 to %scan3A_5 step %scan3A_6  : i32 {
      %mul3A_9 = arith.constant 128 : i32
      %mul3A_10 = arith.muli %scan3A_8, %mul3A_9 : i32
      %add3A_11 = arith.addi %mul3A_2, %mul3A_10 : i32
      "tpu.region"() ({
        %run_scoped3A = tpu.sem_alloc : memref<!tpu.dma_semaphore, #tpu.memory_space<semaphore_mem>>
        %dma_start3A_16 = tpu.memref_slice %arg3[%add3A_11] : memref<81920xi32, #tpu.memory_space<hbm>> -> memref<128xi32, #tpu.memory_space<hbm>>
        %dma_start3A_17 = tpu.memref_slice %arg3[%add3A_11] : memref<81920xi32, #tpu.memory_space<hbm>> -> memref<128xi32, #tpu.memory_space<hbm>>
        tpu.enqueue_dma source(%dma_start3A_17 : memref<128xi32, #tpu.memory_space<hbm>>) target(%arg5 : memref<128xi32, #tpu.memory_space<vmem>>) target_semaphore(%run_scoped3A : memref<!tpu.dma_semaphore, #tpu.memory_space<semaphore_mem>>)
        %dma_wait3A_18 = tpu.memref_slice %arg3[%add3A_11] : memref<81920xi32, #tpu.memory_space<hbm>> -> memref<128xi32, #tpu.memory_space<hbm>>
        %dma_wait3A_19 = tpu.memref_slice %arg3[%add3A_11] : memref<81920xi32, #tpu.memory_space<hbm>> -> memref<128xi32, #tpu.memory_space<hbm>>
        tpu.wait_dma2 semaphore(%run_scoped3A : memref<!tpu.dma_semaphore, #tpu.memory_space<semaphore_mem>>) src(%dma_wait3A_19 : memref<128xi32, #tpu.memory_space<hbm>>) dst(%arg5 : memref<128xi32, #tpu.memory_space<vmem>>)
        tpu.yield
      }) : () -> ()
      %dma_start3A = arith.constant 0 : i32
      %dma_start3A_12 = arith.constant 0 : i32
      %dma_start3A_13 = tpu.memref_slice %arg2[%dma_start3A, %dma_start3A_12] : memref<16384x128xf32, #tpu.memory_space<hbm>> -> memref<16384x128xf32, #tpu.memory_space<hbm>>
      tpu.enqueue_indirect_dma source(%dma_start3A_13 : memref<16384x128xf32, #tpu.memory_space<hbm>>) target(%arg6 : memref<128x128xf32, #tpu.memory_space<vmem>>) offsets(%arg5 : memref<128xi32, #tpu.memory_space<vmem>>) semaphore(%arg7 : memref<!tpu.dma_semaphore, #tpu.memory_space<semaphore_mem>>)
      %dma_wait3A = arith.constant 0 : i32
      %dma_wait3A_14 = arith.constant 0 : i32
      %dma_wait3A_15 = tpu.memref_slice %arg2[%dma_wait3A, %dma_wait3A_14] : memref<16384x128xf32, #tpu.memory_space<hbm>> -> memref<16384x128xf32, #tpu.memory_space<hbm>>
      tpu.wait_indirect_dma semaphore(%arg7 : memref<!tpu.dma_semaphore, #tpu.memory_space<semaphore_mem>>) src(%dma_wait3A_15 : memref<16384x128xf32, #tpu.memory_space<hbm>>) dst(%arg6 : memref<128x128xf32, #tpu.memory_space<vmem>>)
      "tpu.region"() ({
        %run_scoped3A = tpu.sem_alloc : memref<!tpu.dma_semaphore, #tpu.memory_space<semaphore_mem>>
        %dma_start3A_16 = arith.constant 0 : i32
        %dma_start3A_17 = tpu.memref_slice %arg4[%add3A_11, %dma_start3A_16] : memref<81920x128xf32, #tpu.memory_space<hbm>> -> memref<128x128xf32, #tpu.memory_space<hbm>>
        %dma_start3A_18 = arith.constant 0 : i32
        %dma_start3A_19 = tpu.memref_slice %arg4[%add3A_11, %dma_start3A_18] : memref<81920x128xf32, #tpu.memory_space<hbm>> -> memref<128x128xf32, #tpu.memory_space<hbm>>
        tpu.enqueue_dma source(%arg6 : memref<128x128xf32, #tpu.memory_space<vmem>>) target(%dma_start3A_19 : memref<128x128xf32, #tpu.memory_space<hbm>>) target_semaphore(%run_scoped3A : memref<!tpu.dma_semaphore, #tpu.memory_space<semaphore_mem>>)
        %dma_wait3A_20 = arith.constant 0 : i32
        %dma_wait3A_21 = tpu.memref_slice %arg4[%add3A_11, %dma_wait3A_20] : memref<81920x128xf32, #tpu.memory_space<hbm>> -> memref<128x128xf32, #tpu.memory_space<hbm>>
        %dma_wait3A_22 = arith.constant 0 : i32
        %dma_wait3A_23 = tpu.memref_slice %arg4[%add3A_11, %dma_wait3A_22] : memref<81920x128xf32, #tpu.memory_space<hbm>> -> memref<128x128xf32, #tpu.memory_space<hbm>>
        tpu.wait_dma2 semaphore(%run_scoped3A : memref<!tpu.dma_semaphore, #tpu.memory_space<semaphore_mem>>) src(%arg6 : memref<128x128xf32, #tpu.memory_space<vmem>>) dst(%dma_wait3A_23 : memref<128x128xf32, #tpu.memory_space<hbm>>)
        tpu.yield
      }) : () -> ()
    }
    %scan3A_7 = arith.constant 20 : i32
    return
  }
}

#map = affine_map<(d0, d1) -> (0, 0)>
#map1 = affine_map<(d0, d1) -> (0)>
module attributes {stable_mosaic.version = 14 : i64} {
  func.func @k(%arg0: i32, %arg1: i32, %arg2: memref<16384x128xf32, #tpu.memory_space<hbm>>, %arg3: memref<81920xi32, #tpu.memory_space<hbm>>, %arg4: memref<81920x128xf32, #tpu.memory_space<hbm>>, %arg5: memref<128xi32, #tpu.memory_space<vmem>>, %arg6: memref<128x128xf32, #tpu.memory_space<vmem>>, %arg7: memref<!tpu.dma_semaphore, #tpu.memory_space<semaphore_mem>>) attributes {dimension_semantics = [#tpu.dimension_semantics<core_parallel>, #tpu.dimension_semantics<subcore_parallel>], iteration_bounds = array<i64: 2, 16>, scalar_prefetch = 0 : i64, scratch_operands = 3 : i64, tpu.core_type = #tpu.core_type<sc_vector_subcore>, window_params = [{transform_indices = #map}, {transform_indices = #map1}, {transform_indices = #map}]} {
    %mul3A = arith.constant 2 : i32
    %mul3A_0 = arith.muli %arg1, %mul3A : i32
    %add3A = arith.addi %mul3A_0, %arg0 : i32
    %mul3A_1 = arith.constant 2560 : i32
    %mul3A_2 = arith.muli %add3A, %mul3A_1 : i32
    %scan3A = arith.constant 0 : i32
    %scan3A_3 = arith.constant 0 : i32
    %scan3A_4 = arith.constant 20 : i32
    %scan3A_5 = arith.addi %scan3A_3, %scan3A_4 : i32
    %scan3A_6 = arith.constant 1 : i32
    scf.for %scan3A_8 = %scan3A_3 to %scan3A_5 step %scan3A_6  : i32 {
      %mul3A_9 = arith.constant 128 : i32
      %mul3A_10 = arith.muli %scan3A_8, %mul3A_9 : i32
      %add3A_11 = arith.addi %mul3A_2, %mul3A_10 : i32
      "tpu.region"() ({
        %run_scoped3A = tpu.sem_alloc : memref<!tpu.dma_semaphore, #tpu.memory_space<semaphore_mem>>
        %dma_start3A_16 = tpu.memref_slice %arg3[%add3A_11] : memref<81920xi32, #tpu.memory_space<hbm>> -> memref<128xi32, #tpu.memory_space<hbm>>
        %dma_start3A_17 = tpu.memref_slice %arg3[%add3A_11] : memref<81920xi32, #tpu.memory_space<hbm>> -> memref<128xi32, #tpu.memory_space<hbm>>
        tpu.enqueue_dma source(%dma_start3A_17 : memref<128xi32, #tpu.memory_space<hbm>>) target(%arg5 : memref<128xi32, #tpu.memory_space<vmem>>) target_semaphore(%run_scoped3A : memref<!tpu.dma_semaphore, #tpu.memory_space<semaphore_mem>>)
        %dma_wait3A_18 = tpu.memref_slice %arg3[%add3A_11] : memref<81920xi32, #tpu.memory_space<hbm>> -> memref<128xi32, #tpu.memory_space<hbm>>
        %dma_wait3A_19 = tpu.memref_slice %arg3[%add3A_11] : memref<81920xi32, #tpu.memory_space<hbm>> -> memref<128xi32, #tpu.memory_space<hbm>>
        tpu.wait_dma2 semaphore(%run_scoped3A : memref<!tpu.dma_semaphore, #tpu.memory_space<semaphore_mem>>) src(%dma_wait3A_19 : memref<128xi32, #tpu.memory_space<hbm>>) dst(%arg5 : memref<128xi32, #tpu.memory_space<vmem>>)
        tpu.yield
      }) : () -> ()
      %dma_start3A = arith.constant 0 : i32
      %dma_start3A_12 = arith.constant 0 : i32
      %dma_start3A_13 = tpu.memref_slice %arg2[%dma_start3A, %dma_start3A_12] : memref<16384x128xf32, #tpu.memory_space<hbm>> -> memref<16384x128xf32, #tpu.memory_space<hbm>>
      tpu.enqueue_indirect_dma source(%dma_start3A_13 : memref<16384x128xf32, #tpu.memory_space<hbm>>) target(%arg6 : memref<128x128xf32, #tpu.memory_space<vmem>>) offsets(%arg5 : memref<128xi32, #tpu.memory_space<vmem>>) semaphore(%arg7 : memref<!tpu.dma_semaphore, #tpu.memory_space<semaphore_mem>>)
      %dma_wait3A = arith.constant 0 : i32
      %dma_wait3A_14 = arith.constant 0 : i32
      %dma_wait3A_15 = tpu.memref_slice %arg2[%dma_wait3A, %dma_wait3A_14] : memref<16384x128xf32, #tpu.memory_space<hbm>> -> memref<16384x128xf32, #tpu.memory_space<hbm>>
      tpu.wait_indirect_dma semaphore(%arg7 : memref<!tpu.dma_semaphore, #tpu.memory_space<semaphore_mem>>) src(%dma_wait3A_15 : memref<16384x128xf32, #tpu.memory_space<hbm>>) dst(%arg6 : memref<128x128xf32, #tpu.memory_space<vmem>>)
      "tpu.region"() ({
        %run_scoped3A = tpu.sem_alloc : memref<!tpu.dma_semaphore, #tpu.memory_space<semaphore_mem>>
        %dma_start3A_16 = arith.constant 0 : i32
        %dma_start3A_17 = tpu.memref_slice %arg4[%add3A_11, %dma_start3A_16] : memref<81920x128xf32, #tpu.memory_space<hbm>> -> memref<128x128xf32, #tpu.memory_space<hbm>>
        %dma_start3A_18 = arith.constant 0 : i32
        %dma_start3A_19 = tpu.memref_slice %arg4[%add3A_11, %dma_start3A_18] : memref<81920x128xf32, #tpu.memory_space<hbm>> -> memref<128x128xf32, #tpu.memory_space<hbm>>
        tpu.enqueue_dma source(%arg6 : memref<128x128xf32, #tpu.memory_space<vmem>>) target(%dma_start3A_19 : memref<128x128xf32, #tpu.memory_space<hbm>>) target_semaphore(%run_scoped3A : memref<!tpu.dma_semaphore, #tpu.memory_space<semaphore_mem>>)
        %dma_wait3A_20 = arith.constant 0 : i32
        %dma_wait3A_21 = tpu.memref_slice %arg4[%add3A_11, %dma_wait3A_20] : memref<81920x128xf32, #tpu.memory_space<hbm>> -> memref<128x128xf32, #tpu.memory_space<hbm>>
        %dma_wait3A_22 = arith.constant 0 : i32
        %dma_wait3A_23 = tpu.memref_slice %arg4[%add3A_11, %dma_wait3A_22] : memref<81920x128xf32, #tpu.memory_space<hbm>> -> memref<128x128xf32, #tpu.memory_space<hbm>>
        tpu.wait_dma2 semaphore(%run_scoped3A : memref<!tpu.dma_semaphore, #tpu.memory_space<semaphore_mem>>) src(%arg6 : memref<128x128xf32, #tpu.memory_space<vmem>>) dst(%dma_wait3A_23 : memref<128x128xf32, #tpu.memory_space<hbm>>)
        tpu.yield
      }) : () -> ()
    }
    %scan3A_7 = arith.constant 20 : i32
    return
  }
}

module attributes {stable_mosaic.version = 14 : i64} {
  func.func @_knn_body(%arg0: i32, %arg1: memref<64xi32, #tpu.memory_space<smem>>, %arg2: memref<64xi32, #tpu.memory_space<smem>>, %arg3: memref<1x256x1xi32, #tpu.memory_space<vmem>>, %arg4: memref<1x256x1xi32, #tpu.memory_space<vmem>>, %arg5: memref<1x256x1xf32, #tpu.memory_space<vmem>>, %arg6: memref<256x16xf32, #tpu.memory_space<vmem>>, %arg7: memref<16384x16xf32, #tpu.memory_space<any>>, %arg8: memref<64x1x256xf32, #tpu.memory_space<any>>, %arg9: memref<256x8xi32, #tpu.memory_space<vmem>>, %arg10: memref<256x16xf32, #tpu.memory_space<vmem>>, %arg11: memref<1x256xf32, #tpu.memory_space<vmem>>, %arg12: memref<256x8xf32, #tpu.memory_space<vmem>>, %arg13: memref<256x8xi32, #tpu.memory_space<vmem>>, %arg14: memref<!tpu.dma_semaphore, #tpu.memory_space<semaphore_mem>>, %arg15: memref<!tpu.dma_semaphore, #tpu.memory_space<semaphore_mem>>) attributes {dimension_semantics = [#tpu.dimension_semantics<arbitrary>], iteration_bounds = array<i64: 64>, scalar_prefetch = 0 : i64, scratch_operands = 6 : i64, tpu.core_type = #tpu.core_type<tc>, window_params = [{transform_indices = @transform_0, window_bounds = array<i64: 64>}, {transform_indices = @transform_1, window_bounds = array<i64: 64>}, {transform_indices = @transform_2, window_bounds = array<i64: 1, 256, 1>}, {transform_indices = @transform_3, window_bounds = array<i64: 1, 256, 1>}, {transform_indices = @transform_4, window_bounds = array<i64: 1, 256, 1>}, {transform_indices = @transform_5, window_bounds = array<i64: 256, 16>}, {}, {}, {transform_indices = @transform_8, window_bounds = array<i64: 256, 8>}]} {
    %get3A = arith.constant 0 : index
    %get3A_0 = arith.constant 0 : index
    %get3A_1 = vector.load %arg6[%get3A, %get3A_0] : memref<256x16xf32, #tpu.memory_space<vmem>>, vector<256x16xf32>
    %get3A_2 = arith.constant 0 : index
    %get3A_3 = arith.constant 0 : index
    %get3A_4 = arith.constant 0 : index
    %get3A_5 = vector.load %arg5[%get3A_2, %get3A_3, %get3A_4] : memref<1x256x1xf32, #tpu.memory_space<vmem>>, vector<1x256x1xf32>
    %get3A_6 = vector.shape_cast %get3A_5 : vector<1x256x1xf32> to vector<256x1xf32>
    %get3A_7 = arith.constant 0 : index
    %get3A_8 = arith.constant 0 : index
    %get3A_9 = arith.constant 0 : index
    %get3A_10 = vector.load %arg3[%get3A_7, %get3A_8, %get3A_9] : memref<1x256x1xi32, #tpu.memory_space<vmem>>, vector<1x256x1xi32>
    %get3A_11 = vector.shape_cast %get3A_10 : vector<1x256x1xi32> to vector<256x1xi32>
    %get3A_12 = arith.constant 0 : index
    %get3A_13 = arith.constant 0 : index
    %get3A_14 = arith.constant 0 : index
    %get3A_15 = vector.load %arg4[%get3A_12, %get3A_13, %get3A_14] : memref<1x256x1xi32, #tpu.memory_space<vmem>>, vector<1x256x1xi32>
    %get3A_16 = vector.shape_cast %get3A_15 : vector<1x256x1xi32> to vector<256x1xi32>
    %broadcast_in_dim3A = arith.constant 0x7F800000 : f32
    %broadcast_in_dim3A_17 = vector.broadcast %broadcast_in_dim3A : f32 to vector<256x8xf32>
    %swap3A = arith.constant 0 : index
    %swap3A_18 = arith.constant 0 : index
    %swap3A_19 = vector.load %arg12[%swap3A, %swap3A_18] : memref<256x8xf32, #tpu.memory_space<vmem>>, vector<256x8xf32>
    tpu.vector_store %arg12[%swap3A, %swap3A_18], %broadcast_in_dim3A_17 {strides = array<i32>} : memref<256x8xf32, #tpu.memory_space<vmem>>, vector<256x8xf32>,
    %broadcast_in_dim3A_20 = arith.constant 1073741824 : i32
    %broadcast_in_dim3A_21 = vector.broadcast %broadcast_in_dim3A_20 : i32 to vector<256x8xi32>
    %swap3A_22 = arith.constant 0 : index
    %swap3A_23 = arith.constant 0 : index
    %swap3A_24 = vector.load %arg13[%swap3A_22, %swap3A_23] : memref<256x8xi32, #tpu.memory_space<vmem>>, vector<256x8xi32>
    tpu.vector_store %arg13[%swap3A_22, %swap3A_23], %broadcast_in_dim3A_21 {strides = array<i32>} : memref<256x8xi32, #tpu.memory_space<vmem>>, vector<256x8xi32>,
    %get3A_25 = arith.index_cast %arg0 : i32 to index
    %get3A_26 = memref.load %arg1[%get3A_25] : memref<64xi32, #tpu.memory_space<smem>>
    %get3A_27 = arith.index_cast %arg0 : i32 to index
    %get3A_28 = memref.load %arg2[%get3A_27] : memref<64xi32, #tpu.memory_space<smem>>
    %while3A = arith.constant 0 : i32
    %while3A_29 = arith.constant 0 : i32
    %while3A_30 = arith.subi %get3A_28, %while3A_29 : i32
    %while3A_31 = arith.addi %while3A_29, %while3A_30 : i32
    %while3A_32 = arith.constant 1 : i32
    %while3A_33 = arith.divsi %while3A_30, %while3A_32 : i32
    %while3A_34 = arith.muli %while3A_33, %while3A_32 : i32
    %while3A_35 = arith.addi %while3A_29, %while3A_34 : i32
    %while3A_36 = arith.constant 1 : i32
    scf.for %while3A_44 = %while3A_29 to %while3A_35 step %while3A_36  : i32 {
      %add3A = arith.addi %get3A_26, %while3A_44 : i32
      %mul3A = arith.constant 256 : i32
      %mul3A_45 = arith.muli %add3A, %mul3A : i32
      %dma_start3A = arith.constant 0 : i32
      %dma_start3A_46 = tpu.memref_slice %arg7[%mul3A_45, %dma_start3A] : memref<16384x16xf32, #tpu.memory_space<any>> -> memref<256x16xf32, #tpu.memory_space<any>>
      tpu.enqueue_dma source(%dma_start3A_46 : memref<256x16xf32, #tpu.memory_space<any>>) target(%arg10 : memref<256x16xf32, #tpu.memory_space<vmem>>) target_semaphore(%arg14 : memref<!tpu.dma_semaphore, #tpu.memory_space<semaphore_mem>>)
      %dma_start3A_47 = arith.constant 0 : i32
      %dma_start3A_48 = arith.constant 0 : i32
      %dma_start3A_49 = tpu.memref_slice %arg8[%add3A, %dma_start3A_47, %dma_start3A_48] : memref<64x1x256xf32, #tpu.memory_space<any>> -> memref<1x1x256xf32, #tpu.memory_space<any>>
      %dma_start3A_50 = tpu.memref_squeeze %dma_start3A_49 : memref<1x1x256xf32, #tpu.memory_space<any>> -> memref<1x256xf32, #tpu.memory_space<any>>
      tpu.enqueue_dma source(%dma_start3A_50 : memref<1x256xf32, #tpu.memory_space<any>>) target(%arg11 : memref<1x256xf32, #tpu.memory_space<vmem>>) target_semaphore(%arg15 : memref<!tpu.dma_semaphore, #tpu.memory_space<semaphore_mem>>)
      %dma_wait3A = arith.constant 0 : i32
      %dma_wait3A_51 = tpu.memref_slice %arg7[%mul3A_45, %dma_wait3A] : memref<16384x16xf32, #tpu.memory_space<any>> -> memref<256x16xf32, #tpu.memory_space<any>>
      tpu.wait_dma2 semaphore(%arg14 : memref<!tpu.dma_semaphore, #tpu.memory_space<semaphore_mem>>) src(%dma_wait3A_51 : memref<256x16xf32, #tpu.memory_space<any>>) dst(%arg10 : memref<256x16xf32, #tpu.memory_space<vmem>>)
      %dma_wait3A_52 = arith.constant 0 : i32
      %dma_wait3A_53 = arith.constant 0 : i32
      %dma_wait3A_54 = tpu.memref_slice %arg8[%add3A, %dma_wait3A_52, %dma_wait3A_53] : memref<64x1x256xf32, #tpu.memory_space<any>> -> memref<1x1x256xf32, #tpu.memory_space<any>>
      %dma_wait3A_55 = tpu.memref_squeeze %dma_wait3A_54 : memref<1x1x256xf32, #tpu.memory_space<any>> -> memref<1x256xf32, #tpu.memory_space<any>>
      tpu.wait_dma2 semaphore(%arg15 : memref<!tpu.dma_semaphore, #tpu.memory_space<semaphore_mem>>) src(%dma_wait3A_55 : memref<1x256xf32, #tpu.memory_space<any>>) dst(%arg11 : memref<1x256xf32, #tpu.memory_space<vmem>>)
      %get3A_56 = arith.constant 0 : index
      %get3A_57 = arith.constant 0 : index
      %get3A_58 = vector.load %arg10[%get3A_56, %get3A_57] : memref<256x16xf32, #tpu.memory_space<vmem>>, vector<256x16xf32>
      %dot_general3A = arith.constant dense<0.000000e+00> : vector<256x256xf32>
      %dot_general3A_59 = tpu.matmul %get3A_1, %get3A_58, %dot_general3A {dimension_numbers = #tpu.dot_dimension_numbers<[1], [1], [0], [0], [0, 0, 1, 0], [], []>, transpose_lhs_hint = false} : vector<256x16xf32>, vector<256x16xf32>, vector<256x256xf32> -> vector<256x256xf32>
      %get3A_60 = arith.constant 0 : index
      %get3A_61 = arith.constant 0 : index
      %get3A_62 = vector.load %arg11[%get3A_60, %get3A_61] : memref<1x256xf32, #tpu.memory_space<vmem>>, vector<1x256xf32>
      %add3A_63 = vector.broadcast %get3A_6 : vector<256x1xf32> to vector<256x256xf32>
      %add3A_64 = vector.broadcast %get3A_62 : vector<1x256xf32> to vector<256x256xf32>
      %add3A_65 = arith.addf %add3A_63, %add3A_64 : vector<256x256xf32>
      %mul3A_66 = arith.constant 2.000000e+00 : f32
      %mul3A_67 = vector.broadcast %mul3A_66 : f32 to vector<256x256xf32>
      %mul3A_68 = arith.mulf %mul3A_67, %dot_general3A_59 : vector<256x256xf32>
      %sub3A = arith.subf %add3A_65, %mul3A_68 : vector<256x256xf32>
      %mul3A_69 = arith.constant 256 : i32
      %mul3A_70 = arith.muli %add3A, %mul3A_69 : i32
      %iota3A = tpu.iota {dimensions = array<i32: 1>} : vector<256x256xi32>
      %add3A_71 = vector.broadcast %mul3A_70 : i32 to vector<256x256xi32>
      %add3A_72 = arith.addi %add3A_71, %iota3A : vector<256x256xi32>
      %ge3A = vector.broadcast %get3A_11 : vector<256x1xi32> to vector<256x256xi32>
      %ge3A_73 = arith.cmpi sge, %add3A_72, %ge3A : vector<256x256xi32>
      %lt3A = vector.broadcast %get3A_16 : vector<256x1xi32> to vector<256x256xi32>
      %lt3A_74 = arith.cmpi slt, %add3A_72, %lt3A : vector<256x256xi32>
      %and3A = arith.andi %ge3A_73, %lt3A_74 : vector<256x256xi1>
      %jit3A = arith.constant 0x7F800000 : f32
      %broadcast_in_dim3A_75 = vector.broadcast %jit3A : f32 to vector<256x256xf32>
      %select_n3A = arith.select %and3A, %sub3A, %broadcast_in_dim3A_75 : vector<256x256xi1>, vector<256x256xf32>
      %get3A_76 = arith.constant 0 : index
      %get3A_77 = arith.constant 0 : index
      %get3A_78 = vector.load %arg12[%get3A_76, %get3A_77] : memref<256x8xf32, #tpu.memory_space<vmem>>, vector<256x8xf32>
      %concatenate3A = tpu.concatenate %get3A_78, %select_n3A in 1 : vector<256x8xf32>, vector<256x256xf32> -> vector<256x264xf32>
      %get3A_79 = arith.constant 0 : index
      %get3A_80 = arith.constant 0 : index
      %get3A_81 = vector.load %arg13[%get3A_79, %get3A_80] : memref<256x8xi32, #tpu.memory_space<vmem>>, vector<256x8xi32>
      %concatenate3A_82 = tpu.concatenate %get3A_81, %add3A_72 in 1 : vector<256x8xi32>, vector<256x256xi32> -> vector<256x264xi32>
      %reduce_min3A = arith.constant dense<0x7F800000> : vector<256xf32>
      %reduce_min3A_83 = vector.multi_reduction <minimumf>, %concatenate3A, %reduce_min3A [1] : vector<256x264xf32> to vector<256xf32>
      %broadcast_in_dim3A_84 = vector.shape_cast %reduce_min3A_83 : vector<256xf32> to vector<256x1xf32>
      %eq3A = vector.broadcast %broadcast_in_dim3A_84 : vector<256x1xf32> to vector<256x264xf32>
      %eq3A_85 = arith.cmpf oeq, %concatenate3A, %eq3A : vector<256x264xf32>
      %jit3A_86 = arith.constant 1073741824 : i32
      %broadcast_in_dim3A_87 = vector.broadcast %jit3A_86 : i32 to vector<256x264xi32>
      %select_n3A_88 = arith.select %eq3A_85, %concatenate3A_82, %broadcast_in_dim3A_87 : vector<256x264xi1>, vector<256x264xi32>
      %reduce_min3A_89 = arith.constant dense<2147483647> : vector<256xi32>
      %reduce_min3A_90 = vector.multi_reduction <minsi>, %select_n3A_88, %reduce_min3A_89 [1] : vector<256x264xi32> to vector<256xi32>
      %broadcast_in_dim3A_91 = vector.shape_cast %reduce_min3A_90 : vector<256xi32> to vector<256x1xi32>
      %eq3A_92 = vector.broadcast %broadcast_in_dim3A_91 : vector<256x1xi32> to vector<256x264xi32>
      %eq3A_93 = arith.cmpi eq, %concatenate3A_82, %eq3A_92 : vector<256x264xi32>
      %and3A_94 = arith.andi %eq3A_85, %eq3A_93 : vector<256x264xi1>
      %jit3A_95 = arith.constant 0x7F800000 : f32
      %broadcast_in_dim3A_96 = vector.broadcast %jit3A_95 : f32 to vector<256x264xf32>
      %select_n3A_97 = arith.select %and3A_94, %broadcast_in_dim3A_96, %concatenate3A : vector<256x264xi1>, vector<256x264xf32>
      %reduce_min3A_98 = arith.constant dense<0x7F800000> : vector<256xf32>
      %reduce_min3A_99 = vector.multi_reduction <minimumf>, %select_n3A_97, %reduce_min3A_98 [1] : vector<256x264xf32> to vector<256xf32>
      %broadcast_in_dim3A_100 = vector.shape_cast %reduce_min3A_99 : vector<256xf32> to vector<256x1xf32>
      %eq3A_101 = vector.broadcast %broadcast_in_dim3A_100 : vector<256x1xf32> to vector<256x264xf32>
      %eq3A_102 = arith.cmpf oeq, %select_n3A_97, %eq3A_101 : vector<256x264xf32>
      %jit3A_103 = arith.constant 1073741824 : i32
      %broadcast_in_dim3A_104 = vector.broadcast %jit3A_103 : i32 to vector<256x264xi32>
      %select_n3A_105 = arith.select %eq3A_102, %concatenate3A_82, %broadcast_in_dim3A_104 : vector<256x264xi1>, vector<256x264xi32>
      %reduce_min3A_106 = arith.constant dense<2147483647> : vector<256xi32>
      %reduce_min3A_107 = vector.multi_reduction <minsi>, %select_n3A_105, %reduce_min3A_106 [1] : vector<256x264xi32> to vector<256xi32>
      %broadcast_in_dim3A_108 = vector.shape_cast %reduce_min3A_107 : vector<256xi32> to vector<256x1xi32>
      %eq3A_109 = vector.broadcast %broadcast_in_dim3A_108 : vector<256x1xi32> to vector<256x264xi32>
      %eq3A_110 = arith.cmpi eq, %concatenate3A_82, %eq3A_109 : vector<256x264xi32>
      %and3A_111 = arith.andi %eq3A_102, %eq3A_110 : vector<256x264xi1>
      %jit3A_112 = arith.constant 0x7F800000 : f32
      %broadcast_in_dim3A_113 = vector.broadcast %jit3A_112 : f32 to vector<256x264xf32>
      %select_n3A_114 = arith.select %and3A_111, %broadcast_in_dim3A_113, %select_n3A_97 : vector<256x264xi1>, vector<256x264xf32>
      %reduce_min3A_115 = arith.constant dense<0x7F800000> : vector<256xf32>
      %reduce_min3A_116 = vector.multi_reduction <minimumf>, %select_n3A_114, %reduce_min3A_115 [1] : vector<256x264xf32> to vector<256xf32>
      %broadcast_in_dim3A_117 = vector.shape_cast %reduce_min3A_116 : vector<256xf32> to vector<256x1xf32>
      %eq3A_118 = vector.broadcast %broadcast_in_dim3A_117 : vector<256x1xf32> to vector<256x264xf32>
      %eq3A_119 = arith.cmpf oeq, %select_n3A_114, %eq3A_118 : vector<256x264xf32>
      %jit3A_120 = arith.constant 1073741824 : i32
      %broadcast_in_dim3A_121 = vector.broadcast %jit3A_120 : i32 to vector<256x264xi32>
      %select_n3A_122 = arith.select %eq3A_119, %concatenate3A_82, %broadcast_in_dim3A_121 : vector<256x264xi1>, vector<256x264xi32>
      %reduce_min3A_123 = arith.constant dense<2147483647> : vector<256xi32>
      %reduce_min3A_124 = vector.multi_reduction <minsi>, %select_n3A_122, %reduce_min3A_123 [1] : vector<256x264xi32> to vector<256xi32>
      %broadcast_in_dim3A_125 = vector.shape_cast %reduce_min3A_124 : vector<256xi32> to vector<256x1xi32>
      %eq3A_126 = vector.broadcast %broadcast_in_dim3A_125 : vector<256x1xi32> to vector<256x264xi32>
      %eq3A_127 = arith.cmpi eq, %concatenate3A_82, %eq3A_126 : vector<256x264xi32>
      %and3A_128 = arith.andi %eq3A_119, %eq3A_127 : vector<256x264xi1>
      %jit3A_129 = arith.constant 0x7F800000 : f32
      %broadcast_in_dim3A_130 = vector.broadcast %jit3A_129 : f32 to vector<256x264xf32>
      %select_n3A_131 = arith.select %and3A_128, %broadcast_in_dim3A_130, %select_n3A_114 : vector<256x264xi1>, vector<256x264xf32>
      %reduce_min3A_132 = arith.constant dense<0x7F800000> : vector<256xf32>
      %reduce_min3A_133 = vector.multi_reduction <minimumf>, %select_n3A_131, %reduce_min3A_132 [1] : vector<256x264xf32> to vector<256xf32>
      %broadcast_in_dim3A_134 = vector.shape_cast %reduce_min3A_133 : vector<256xf32> to vector<256x1xf32>
      %eq3A_135 = vector.broadcast %broadcast_in_dim3A_134 : vector<256x1xf32> to vector<256x264xf32>
      %eq3A_136 = arith.cmpf oeq, %select_n3A_131, %eq3A_135 : vector<256x264xf32>
      %jit3A_137 = arith.constant 1073741824 : i32
      %broadcast_in_dim3A_138 = vector.broadcast %jit3A_137 : i32 to vector<256x264xi32>
      %select_n3A_139 = arith.select %eq3A_136, %concatenate3A_82, %broadcast_in_dim3A_138 : vector<256x264xi1>, vector<256x264xi32>
      %reduce_min3A_140 = arith.constant dense<2147483647> : vector<256xi32>
      %reduce_min3A_141 = vector.multi_reduction <minsi>, %select_n3A_139, %reduce_min3A_140 [1] : vector<256x264xi32> to vector<256xi32>
      %broadcast_in_dim3A_142 = vector.shape_cast %reduce_min3A_141 : vector<256xi32> to vector<256x1xi32>
      %eq3A_143 = vector.broadcast %broadcast_in_dim3A_142 : vector<256x1xi32> to vector<256x264xi32>
      %eq3A_144 = arith.cmpi eq, %concatenate3A_82, %eq3A_143 : vector<256x264xi32>
      %and3A_145 = arith.andi %eq3A_136, %eq3A_144 : vector<256x264xi1>
      %jit3A_146 = arith.constant 0x7F800000 : f32
      %broadcast_in_dim3A_147 = vector.broadcast %jit3A_146 : f32 to vector<256x264xf32>
      %select_n3A_148 = arith.select %and3A_145, %broadcast_in_dim3A_147, %select_n3A_131 : vector<256x264xi1>, vector<256x264xf32>
      %reduce_min3A_149 = arith.constant dense<0x7F800000> : vector<256xf32>
      %reduce_min3A_150 = vector.multi_reduction <minimumf>, %select_n3A_148, %reduce_min3A_149 [1] : vector<256x264xf32> to vector<256xf32>
      %broadcast_in_dim3A_151 = vector.shape_cast %reduce_min3A_150 : vector<256xf32> to vector<256x1xf32>
      %eq3A_152 = vector.broadcast %broadcast_in_dim3A_151 : vector<256x1xf32> to vector<256x264xf32>
      %eq3A_153 = arith.cmpf oeq, %select_n3A_148, %eq3A_152 : vector<256x264xf32>
      %jit3A_154 = arith.constant 1073741824 : i32
      %broadcast_in_dim3A_155 = vector.broadcast %jit3A_154 : i32 to vector<256x264xi32>
      %select_n3A_156 = arith.select %eq3A_153, %concatenate3A_82, %broadcast_in_dim3A_155 : vector<256x264xi1>, vector<256x264xi32>
      %reduce_min3A_157 = arith.constant dense<2147483647> : vector<256xi32>
      %reduce_min3A_158 = vector.multi_reduction <minsi>, %select_n3A_156, %reduce_min3A_157 [1] : vector<256x264xi32> to vector<256xi32>
      %broadcast_in_dim3A_159 = vector.shape_cast %reduce_min3A_158 : vector<256xi32> to vector<256x1xi32>
      %eq3A_160 = vector.broadcast %broadcast_in_dim3A_159 : vector<256x1xi32> to vector<256x264xi32>
      %eq3A_161 = arith.cmpi eq, %concatenate3A_82, %eq3A_160 : vector<256x264xi32>
      %and3A_162 = arith.andi %eq3A_153, %eq3A_161 : vector<256x264xi1>
      %jit3A_163 = arith.constant 0x7F800000 : f32
      %broadcast_in_dim3A_164 = vector.broadcast %jit3A_163 : f32 to vector<256x264xf32>
      %select_n3A_165 = arith.select %and3A_162, %broadcast_in_dim3A_164, %select_n3A_148 : vector<256x264xi1>, vector<256x264xf32>
      %broadcast_in_dim3A_166 = arith.constant 0x7F800000 : f32
      %broadcast_in_dim3A_167 = vector.broadcast %broadcast_in_dim3A_166 : f32 to vector<256x3xf32>
      %broadcast_in_dim3A_168 = arith.constant 1073741824 : i32
      %broadcast_in_dim3A_169 = vector.broadcast %broadcast_in_dim3A_168 : i32 to vector<256x3xi32>
      %concatenate3A_170 = tpu.concatenate %broadcast_in_dim3A_84, %broadcast_in_dim3A_100, %broadcast_in_dim3A_117, %broadcast_in_dim3A_134, %broadcast_in_dim3A_151, %broadcast_in_dim3A_167 in 1 : vector<256x1xf32>, vector<256x1xf32>, vector<256x1xf32>, vector<256x1xf32>, vector<256x1xf32>, vector<256x3xf32> -> vector<256x8xf32>
      %swap3A_171 = arith.constant 0 : index
      %swap3A_172 = arith.constant 0 : index
      %swap3A_173 = vector.load %arg12[%swap3A_171, %swap3A_172] : memref<256x8xf32, #tpu.memory_space<vmem>>, vector<256x8xf32>
      tpu.vector_store %arg12[%swap3A_171, %swap3A_172], %concatenate3A_170 {strides = array<i32>} : memref<256x8xf32, #tpu.memory_space<vmem>>, vector<256x8xf32>,
      %concatenate3A_174 = tpu.concatenate %broadcast_in_dim3A_91, %broadcast_in_dim3A_108, %broadcast_in_dim3A_125, %broadcast_in_dim3A_142, %broadcast_in_dim3A_159, %broadcast_in_dim3A_169 in 1 : vector<256x1xi32>, vector<256x1xi32>, vector<256x1xi32>, vector<256x1xi32>, vector<256x1xi32>, vector<256x3xi32> -> vector<256x8xi32>
      %swap3A_175 = arith.constant 0 : index
      %swap3A_176 = arith.constant 0 : index
      %swap3A_177 = vector.load %arg13[%swap3A_175, %swap3A_176] : memref<256x8xi32, #tpu.memory_space<vmem>>, vector<256x8xi32>
      tpu.vector_store %arg13[%swap3A_175, %swap3A_176], %concatenate3A_174 {strides = array<i32>} : memref<256x8xi32, #tpu.memory_space<vmem>>, vector<256x8xi32>,
    }
    %while3A_37 = arith.constant 1 : i32
    scf.for %while3A_44 = %while3A_35 to %while3A_31 step %while3A_37  : i32 {
      %add3A = arith.addi %get3A_26, %while3A_44 : i32
      %mul3A = arith.constant 256 : i32
      %mul3A_45 = arith.muli %add3A, %mul3A : i32
      %dma_start3A = arith.constant 0 : i32
      %dma_start3A_46 = tpu.memref_slice %arg7[%mul3A_45, %dma_start3A] : memref<16384x16xf32, #tpu.memory_space<any>> -> memref<256x16xf32, #tpu.memory_space<any>>
      tpu.enqueue_dma source(%dma_start3A_46 : memref<256x16xf32, #tpu.memory_space<any>>) target(%arg10 : memref<256x16xf32, #tpu.memory_space<vmem>>) target_semaphore(%arg14 : memref<!tpu.dma_semaphore, #tpu.memory_space<semaphore_mem>>)
      %dma_start3A_47 = arith.constant 0 : i32
      %dma_start3A_48 = arith.constant 0 : i32
      %dma_start3A_49 = tpu.memref_slice %arg8[%add3A, %dma_start3A_47, %dma_start3A_48] : memref<64x1x256xf32, #tpu.memory_space<any>> -> memref<1x1x256xf32, #tpu.memory_space<any>>
      %dma_start3A_50 = tpu.memref_squeeze %dma_start3A_49 : memref<1x1x256xf32, #tpu.memory_space<any>> -> memref<1x256xf32, #tpu.memory_space<any>>
      tpu.enqueue_dma source(%dma_start3A_50 : memref<1x256xf32, #tpu.memory_space<any>>) target(%arg11 : memref<1x256xf32, #tpu.memory_space<vmem>>) target_semaphore(%arg15 : memref<!tpu.dma_semaphore, #tpu.memory_space<semaphore_mem>>)
      %dma_wait3A = arith.constant 0 : i32
      %dma_wait3A_51 = tpu.memref_slice %arg7[%mul3A_45, %dma_wait3A] : memref<16384x16xf32, #tpu.memory_space<any>> -> memref<256x16xf32, #tpu.memory_space<any>>
      tpu.wait_dma2 semaphore(%arg14 : memref<!tpu.dma_semaphore, #tpu.memory_space<semaphore_mem>>) src(%dma_wait3A_51 : memref<256x16xf32, #tpu.memory_space<any>>) dst(%arg10 : memref<256x16xf32, #tpu.memory_space<vmem>>)
      %dma_wait3A_52 = arith.constant 0 : i32
      %dma_wait3A_53 = arith.constant 0 : i32
      %dma_wait3A_54 = tpu.memref_slice %arg8[%add3A, %dma_wait3A_52, %dma_wait3A_53] : memref<64x1x256xf32, #tpu.memory_space<any>> -> memref<1x1x256xf32, #tpu.memory_space<any>>
      %dma_wait3A_55 = tpu.memref_squeeze %dma_wait3A_54 : memref<1x1x256xf32, #tpu.memory_space<any>> -> memref<1x256xf32, #tpu.memory_space<any>>
      tpu.wait_dma2 semaphore(%arg15 : memref<!tpu.dma_semaphore, #tpu.memory_space<semaphore_mem>>) src(%dma_wait3A_55 : memref<1x256xf32, #tpu.memory_space<any>>) dst(%arg11 : memref<1x256xf32, #tpu.memory_space<vmem>>)
      %get3A_56 = arith.constant 0 : index
      %get3A_57 = arith.constant 0 : index
      %get3A_58 = vector.load %arg10[%get3A_56, %get3A_57] : memref<256x16xf32, #tpu.memory_space<vmem>>, vector<256x16xf32>
      %dot_general3A = arith.constant dense<0.000000e+00> : vector<256x256xf32>
      %dot_general3A_59 = tpu.matmul %get3A_1, %get3A_58, %dot_general3A {dimension_numbers = #tpu.dot_dimension_numbers<[1], [1], [0], [0], [0, 0, 1, 0], [], []>, transpose_lhs_hint = false} : vector<256x16xf32>, vector<256x16xf32>, vector<256x256xf32> -> vector<256x256xf32>
      %get3A_60 = arith.constant 0 : index
      %get3A_61 = arith.constant 0 : index
      %get3A_62 = vector.load %arg11[%get3A_60, %get3A_61] : memref<1x256xf32, #tpu.memory_space<vmem>>, vector<1x256xf32>
      %add3A_63 = vector.broadcast %get3A_6 : vector<256x1xf32> to vector<256x256xf32>
      %add3A_64 = vector.broadcast %get3A_62 : vector<1x256xf32> to vector<256x256xf32>
      %add3A_65 = arith.addf %add3A_63, %add3A_64 : vector<256x256xf32>
      %mul3A_66 = arith.constant 2.000000e+00 : f32
      %mul3A_67 = vector.broadcast %mul3A_66 : f32 to vector<256x256xf32>
      %mul3A_68 = arith.mulf %mul3A_67, %dot_general3A_59 : vector<256x256xf32>
      %sub3A = arith.subf %add3A_65, %mul3A_68 : vector<256x256xf32>
      %mul3A_69 = arith.constant 256 : i32
      %mul3A_70 = arith.muli %add3A, %mul3A_69 : i32
      %iota3A = tpu.iota {dimensions = array<i32: 1>} : vector<256x256xi32>
      %add3A_71 = vector.broadcast %mul3A_70 : i32 to vector<256x256xi32>
      %add3A_72 = arith.addi %add3A_71, %iota3A : vector<256x256xi32>
      %ge3A = vector.broadcast %get3A_11 : vector<256x1xi32> to vector<256x256xi32>
      %ge3A_73 = arith.cmpi sge, %add3A_72, %ge3A : vector<256x256xi32>
      %lt3A = vector.broadcast %get3A_16 : vector<256x1xi32> to vector<256x256xi32>
      %lt3A_74 = arith.cmpi slt, %add3A_72, %lt3A : vector<256x256xi32>
      %and3A = arith.andi %ge3A_73, %lt3A_74 : vector<256x256xi1>
      %jit3A = arith.constant 0x7F800000 : f32
      %broadcast_in_dim3A_75 = vector.broadcast %jit3A : f32 to vector<256x256xf32>
      %select_n3A = arith.select %and3A, %sub3A, %broadcast_in_dim3A_75 : vector<256x256xi1>, vector<256x256xf32>
      %get3A_76 = arith.constant 0 : index
      %get3A_77 = arith.constant 0 : index
      %get3A_78 = vector.load %arg12[%get3A_76, %get3A_77] : memref<256x8xf32, #tpu.memory_space<vmem>>, vector<256x8xf32>
      %concatenate3A = tpu.concatenate %get3A_78, %select_n3A in 1 : vector<256x8xf32>, vector<256x256xf32> -> vector<256x264xf32>
      %get3A_79 = arith.constant 0 : index
      %get3A_80 = arith.constant 0 : index
      %get3A_81 = vector.load %arg13[%get3A_79, %get3A_80] : memref<256x8xi32, #tpu.memory_space<vmem>>, vector<256x8xi32>
      %concatenate3A_82 = tpu.concatenate %get3A_81, %add3A_72 in 1 : vector<256x8xi32>, vector<256x256xi32> -> vector<256x264xi32>
      %reduce_min3A = arith.constant dense<0x7F800000> : vector<256xf32>
      %reduce_min3A_83 = vector.multi_reduction <minimumf>, %concatenate3A, %reduce_min3A [1] : vector<256x264xf32> to vector<256xf32>
      %broadcast_in_dim3A_84 = vector.shape_cast %reduce_min3A_83 : vector<256xf32> to vector<256x1xf32>
      %eq3A = vector.broadcast %broadcast_in_dim3A_84 : vector<256x1xf32> to vector<256x264xf32>
      %eq3A_85 = arith.cmpf oeq, %concatenate3A, %eq3A : vector<256x264xf32>
      %jit3A_86 = arith.constant 1073741824 : i32
      %broadcast_in_dim3A_87 = vector.broadcast %jit3A_86 : i32 to vector<256x264xi32>
      %select_n3A_88 = arith.select %eq3A_85, %concatenate3A_82, %broadcast_in_dim3A_87 : vector<256x264xi1>, vector<256x264xi32>
      %reduce_min3A_89 = arith.constant dense<2147483647> : vector<256xi32>
      %reduce_min3A_90 = vector.multi_reduction <minsi>, %select_n3A_88, %reduce_min3A_89 [1] : vector<256x264xi32> to vector<256xi32>
      %broadcast_in_dim3A_91 = vector.shape_cast %reduce_min3A_90 : vector<256xi32> to vector<256x1xi32>
      %eq3A_92 = vector.broadcast %broadcast_in_dim3A_91 : vector<256x1xi32> to vector<256x264xi32>
      %eq3A_93 = arith.cmpi eq, %concatenate3A_82, %eq3A_92 : vector<256x264xi32>
      %and3A_94 = arith.andi %eq3A_85, %eq3A_93 : vector<256x264xi1>
      %jit3A_95 = arith.constant 0x7F800000 : f32
      %broadcast_in_dim3A_96 = vector.broadcast %jit3A_95 : f32 to vector<256x264xf32>
      %select_n3A_97 = arith.select %and3A_94, %broadcast_in_dim3A_96, %concatenate3A : vector<256x264xi1>, vector<256x264xf32>
      %reduce_min3A_98 = arith.constant dense<0x7F800000> : vector<256xf32>
      %reduce_min3A_99 = vector.multi_reduction <minimumf>, %select_n3A_97, %reduce_min3A_98 [1] : vector<256x264xf32> to vector<256xf32>
      %broadcast_in_dim3A_100 = vector.shape_cast %reduce_min3A_99 : vector<256xf32> to vector<256x1xf32>
      %eq3A_101 = vector.broadcast %broadcast_in_dim3A_100 : vector<256x1xf32> to vector<256x264xf32>
      %eq3A_102 = arith.cmpf oeq, %select_n3A_97, %eq3A_101 : vector<256x264xf32>
      %jit3A_103 = arith.constant 1073741824 : i32
      %broadcast_in_dim3A_104 = vector.broadcast %jit3A_103 : i32 to vector<256x264xi32>
      %select_n3A_105 = arith.select %eq3A_102, %concatenate3A_82, %broadcast_in_dim3A_104 : vector<256x264xi1>, vector<256x264xi32>
      %reduce_min3A_106 = arith.constant dense<2147483647> : vector<256xi32>
      %reduce_min3A_107 = vector.multi_reduction <minsi>, %select_n3A_105, %reduce_min3A_106 [1] : vector<256x264xi32> to vector<256xi32>
      %broadcast_in_dim3A_108 = vector.shape_cast %reduce_min3A_107 : vector<256xi32> to vector<256x1xi32>
      %eq3A_109 = vector.broadcast %broadcast_in_dim3A_108 : vector<256x1xi32> to vector<256x264xi32>
      %eq3A_110 = arith.cmpi eq, %concatenate3A_82, %eq3A_109 : vector<256x264xi32>
      %and3A_111 = arith.andi %eq3A_102, %eq3A_110 : vector<256x264xi1>
      %jit3A_112 = arith.constant 0x7F800000 : f32
      %broadcast_in_dim3A_113 = vector.broadcast %jit3A_112 : f32 to vector<256x264xf32>
      %select_n3A_114 = arith.select %and3A_111, %broadcast_in_dim3A_113, %select_n3A_97 : vector<256x264xi1>, vector<256x264xf32>
      %reduce_min3A_115 = arith.constant dense<0x7F800000> : vector<256xf32>
      %reduce_min3A_116 = vector.multi_reduction <minimumf>, %select_n3A_114, %reduce_min3A_115 [1] : vector<256x264xf32> to vector<256xf32>
      %broadcast_in_dim3A_117 = vector.shape_cast %reduce_min3A_116 : vector<256xf32> to vector<256x1xf32>
      %eq3A_118 = vector.broadcast %broadcast_in_dim3A_117 : vector<256x1xf32> to vector<256x264xf32>
      %eq3A_119 = arith.cmpf oeq, %select_n3A_114, %eq3A_118 : vector<256x264xf32>
      %jit3A_120 = arith.constant 1073741824 : i32
      %broadcast_in_dim3A_121 = vector.broadcast %jit3A_120 : i32 to vector<256x264xi32>
      %select_n3A_122 = arith.select %eq3A_119, %concatenate3A_82, %broadcast_in_dim3A_121 : vector<256x264xi1>, vector<256x264xi32>
      %reduce_min3A_123 = arith.constant dense<2147483647> : vector<256xi32>
      %reduce_min3A_124 = vector.multi_reduction <minsi>, %select_n3A_122, %reduce_min3A_123 [1] : vector<256x264xi32> to vector<256xi32>
      %broadcast_in_dim3A_125 = vector.shape_cast %reduce_min3A_124 : vector<256xi32> to vector<256x1xi32>
      %eq3A_126 = vector.broadcast %broadcast_in_dim3A_125 : vector<256x1xi32> to vector<256x264xi32>
      %eq3A_127 = arith.cmpi eq, %concatenate3A_82, %eq3A_126 : vector<256x264xi32>
      %and3A_128 = arith.andi %eq3A_119, %eq3A_127 : vector<256x264xi1>
      %jit3A_129 = arith.constant 0x7F800000 : f32
      %broadcast_in_dim3A_130 = vector.broadcast %jit3A_129 : f32 to vector<256x264xf32>
      %select_n3A_131 = arith.select %and3A_128, %broadcast_in_dim3A_130, %select_n3A_114 : vector<256x264xi1>, vector<256x264xf32>
      %reduce_min3A_132 = arith.constant dense<0x7F800000> : vector<256xf32>
      %reduce_min3A_133 = vector.multi_reduction <minimumf>, %select_n3A_131, %reduce_min3A_132 [1] : vector<256x264xf32> to vector<256xf32>
      %broadcast_in_dim3A_134 = vector.shape_cast %reduce_min3A_133 : vector<256xf32> to vector<256x1xf32>
      %eq3A_135 = vector.broadcast %broadcast_in_dim3A_134 : vector<256x1xf32> to vector<256x264xf32>
      %eq3A_136 = arith.cmpf oeq, %select_n3A_131, %eq3A_135 : vector<256x264xf32>
      %jit3A_137 = arith.constant 1073741824 : i32
      %broadcast_in_dim3A_138 = vector.broadcast %jit3A_137 : i32 to vector<256x264xi32>
      %select_n3A_139 = arith.select %eq3A_136, %concatenate3A_82, %broadcast_in_dim3A_138 : vector<256x264xi1>, vector<256x264xi32>
      %reduce_min3A_140 = arith.constant dense<2147483647> : vector<256xi32>
      %reduce_min3A_141 = vector.multi_reduction <minsi>, %select_n3A_139, %reduce_min3A_140 [1] : vector<256x264xi32> to vector<256xi32>
      %broadcast_in_dim3A_142 = vector.shape_cast %reduce_min3A_141 : vector<256xi32> to vector<256x1xi32>
      %eq3A_143 = vector.broadcast %broadcast_in_dim3A_142 : vector<256x1xi32> to vector<256x264xi32>
      %eq3A_144 = arith.cmpi eq, %concatenate3A_82, %eq3A_143 : vector<256x264xi32>
      %and3A_145 = arith.andi %eq3A_136, %eq3A_144 : vector<256x264xi1>
      %jit3A_146 = arith.constant 0x7F800000 : f32
      %broadcast_in_dim3A_147 = vector.broadcast %jit3A_146 : f32 to vector<256x264xf32>
      %select_n3A_148 = arith.select %and3A_145, %broadcast_in_dim3A_147, %select_n3A_131 : vector<256x264xi1>, vector<256x264xf32>
      %reduce_min3A_149 = arith.constant dense<0x7F800000> : vector<256xf32>
      %reduce_min3A_150 = vector.multi_reduction <minimumf>, %select_n3A_148, %reduce_min3A_149 [1] : vector<256x264xf32> to vector<256xf32>
      %broadcast_in_dim3A_151 = vector.shape_cast %reduce_min3A_150 : vector<256xf32> to vector<256x1xf32>
      %eq3A_152 = vector.broadcast %broadcast_in_dim3A_151 : vector<256x1xf32> to vector<256x264xf32>
      %eq3A_153 = arith.cmpf oeq, %select_n3A_148, %eq3A_152 : vector<256x264xf32>
      %jit3A_154 = arith.constant 1073741824 : i32
      %broadcast_in_dim3A_155 = vector.broadcast %jit3A_154 : i32 to vector<256x264xi32>
      %select_n3A_156 = arith.select %eq3A_153, %concatenate3A_82, %broadcast_in_dim3A_155 : vector<256x264xi1>, vector<256x264xi32>
      %reduce_min3A_157 = arith.constant dense<2147483647> : vector<256xi32>
      %reduce_min3A_158 = vector.multi_reduction <minsi>, %select_n3A_156, %reduce_min3A_157 [1] : vector<256x264xi32> to vector<256xi32>
      %broadcast_in_dim3A_159 = vector.shape_cast %reduce_min3A_158 : vector<256xi32> to vector<256x1xi32>
      %eq3A_160 = vector.broadcast %broadcast_in_dim3A_159 : vector<256x1xi32> to vector<256x264xi32>
      %eq3A_161 = arith.cmpi eq, %concatenate3A_82, %eq3A_160 : vector<256x264xi32>
      %and3A_162 = arith.andi %eq3A_153, %eq3A_161 : vector<256x264xi1>
      %jit3A_163 = arith.constant 0x7F800000 : f32
      %broadcast_in_dim3A_164 = vector.broadcast %jit3A_163 : f32 to vector<256x264xf32>
      %select_n3A_165 = arith.select %and3A_162, %broadcast_in_dim3A_164, %select_n3A_148 : vector<256x264xi1>, vector<256x264xf32>
      %broadcast_in_dim3A_166 = arith.constant 0x7F800000 : f32
      %broadcast_in_dim3A_167 = vector.broadcast %broadcast_in_dim3A_166 : f32 to vector<256x3xf32>
      %broadcast_in_dim3A_168 = arith.constant 1073741824 : i32
      %broadcast_in_dim3A_169 = vector.broadcast %broadcast_in_dim3A_168 : i32 to vector<256x3xi32>
      %concatenate3A_170 = tpu.concatenate %broadcast_in_dim3A_84, %broadcast_in_dim3A_100, %broadcast_in_dim3A_117, %broadcast_in_dim3A_134, %broadcast_in_dim3A_151, %broadcast_in_dim3A_167 in 1 : vector<256x1xf32>, vector<256x1xf32>, vector<256x1xf32>, vector<256x1xf32>, vector<256x1xf32>, vector<256x3xf32> -> vector<256x8xf32>
      %swap3A_171 = arith.constant 0 : index
      %swap3A_172 = arith.constant 0 : index
      %swap3A_173 = vector.load %arg12[%swap3A_171, %swap3A_172] : memref<256x8xf32, #tpu.memory_space<vmem>>, vector<256x8xf32>
      tpu.vector_store %arg12[%swap3A_171, %swap3A_172], %concatenate3A_170 {strides = array<i32>} : memref<256x8xf32, #tpu.memory_space<vmem>>, vector<256x8xf32>,
      %concatenate3A_174 = tpu.concatenate %broadcast_in_dim3A_91, %broadcast_in_dim3A_108, %broadcast_in_dim3A_125, %broadcast_in_dim3A_142, %broadcast_in_dim3A_159, %broadcast_in_dim3A_169 in 1 : vector<256x1xi32>, vector<256x1xi32>, vector<256x1xi32>, vector<256x1xi32>, vector<256x1xi32>, vector<256x3xi32> -> vector<256x8xi32>
      %swap3A_175 = arith.constant 0 : index
      %swap3A_176 = arith.constant 0 : index
      %swap3A_177 = vector.load %arg13[%swap3A_175, %swap3A_176] : memref<256x8xi32, #tpu.memory_space<vmem>>, vector<256x8xi32>
      tpu.vector_store %arg13[%swap3A_175, %swap3A_176], %concatenate3A_174 {strides = array<i32>} : memref<256x8xi32, #tpu.memory_space<vmem>>, vector<256x8xi32>,
    }
    %get3A_38 = arith.constant 0 : index
    %get3A_39 = arith.constant 0 : index
    %get3A_40 = vector.load %arg13[%get3A_38, %get3A_39] : memref<256x8xi32, #tpu.memory_space<vmem>>, vector<256x8xi32>
    %swap3A_41 = arith.constant 0 : index
    %swap3A_42 = arith.constant 0 : index
    %swap3A_43 = vector.load %arg9[%swap3A_41, %swap3A_42] : memref<256x8xi32, #tpu.memory_space<vmem>>, vector<256x8xi32>
    tpu.vector_store %arg9[%swap3A_41, %swap3A_42], %get3A_40 {strides = array<i32>} : memref<256x8xi32, #tpu.memory_space<vmem>>, vector<256x8xi32>,
    return
  }
  func.func @transform_0(%arg0: i32) -> i32 {
    %c0_i32 = arith.constant 0 : i32
    %c0_i32_0 = arith.constant 0 : i32
    return %c0_i32 : i32
  }
  func.func @transform_1(%arg0: i32) -> i32 {
    %c0_i32 = arith.constant 0 : i32
    %c0_i32_0 = arith.constant 0 : i32
    return %c0_i32 : i32
  }
  func.func @transform_2(%arg0: i32) -> (i32, i32, i32) {
    %c0_i32 = arith.constant 0 : i32
    %c0_i32_0 = arith.constant 0 : i32
    %c0_i32_1 = arith.constant 0 : i32
    return %arg0, %c0_i32, %c0_i32_0 : i32, i32, i32
  }
  func.func @transform_3(%arg0: i32) -> (i32, i32, i32) {
    %c0_i32 = arith.constant 0 : i32
    %c0_i32_0 = arith.constant 0 : i32
    %c0_i32_1 = arith.constant 0 : i32
    return %arg0, %c0_i32, %c0_i32_0 : i32, i32, i32
  }
  func.func @transform_4(%arg0: i32) -> (i32, i32, i32) {
    %c0_i32 = arith.constant 0 : i32
    %c0_i32_0 = arith.constant 0 : i32
    %c0_i32_1 = arith.constant 0 : i32
    return %arg0, %c0_i32, %c0_i32_0 : i32, i32, i32
  }
  func.func @transform_5(%arg0: i32) -> (i32, i32) {
    %c0_i32 = arith.constant 0 : i32
    %c0_i32_0 = arith.constant 0 : i32
    return %arg0, %c0_i32 : i32, i32
  }
  func.func @transform_8(%arg0: i32) -> (i32, i32) {
    %c0_i32 = arith.constant 0 : i32
    %c0_i32_0 = arith.constant 0 : i32
    return %arg0, %c0_i32 : i32, i32
  }
}

module attributes {stable_mosaic.version = 14 : i64} {
  func.func @_edge_body(%arg0: i32, %arg1: memref<128x16xf32, #tpu.memory_space<vmem>>, %arg2: memref<128x5x128xf32, #tpu.memory_space<vmem>>, %arg3: memref<32x64xf32, #tpu.memory_space<vmem>>, %arg4: memref<1x64xf32, #tpu.memory_space<vmem>>, %arg5: memref<128x64xf32, #tpu.memory_space<vmem>>) attributes {dimension_semantics = [#tpu.dimension_semantics<arbitrary>], iteration_bounds = array<i64: 128>, scalar_prefetch = 0 : i64, scratch_operands = 0 : i64, tpu.core_type = #tpu.core_type<tc>, window_params = [{transform_indices = @transform_0, window_bounds = array<i64: 128, 16>}, {transform_indices = @transform_1, window_bounds = array<i64: 128, 5, 128>}, {pipeline_mode = #tpu.pipeline_mode<synchronous>, transform_indices = @transform_2, window_bounds = array<i64: 32, 64>}, {pipeline_mode = #tpu.pipeline_mode<synchronous>, transform_indices = @transform_3, window_bounds = array<i64: 1, 64>}, {transform_indices = @transform_4, window_bounds = array<i64: 128, 64>}]} {
    %get3A = arith.constant 0 : index
    %get3A_0 = arith.constant 0 : index
    %get3A_1 = vector.load %arg1[%get3A, %get3A_0] : memref<128x16xf32, #tpu.memory_space<vmem>>, vector<128x16xf32>
    %get3A_2 = arith.constant 0 : index
    %get3A_3 = arith.constant 0 : index
    %get3A_4 = arith.constant 0 : index
    %get3A_5 = vector.load %arg2[%get3A_2, %get3A_3, %get3A_4] : memref<128x5x128xf32, #tpu.memory_space<vmem>>, vector<128x1x16xf32>
    %get3A_6 = vector.shape_cast %get3A_5 : vector<128x1x16xf32> to vector<128x16xf32>
    %sub3A = arith.subf %get3A_6, %get3A_1 : vector<128x16xf32>
    %concatenate3A = tpu.concatenate %get3A_1, %sub3A in 1 : vector<128x16xf32>, vector<128x16xf32> -> vector<128x32xf32>
    %get3A_7 = arith.constant 0 : index
    %get3A_8 = arith.constant 0 : index
    %get3A_9 = vector.load %arg3[%get3A_7, %get3A_8] : memref<32x64xf32, #tpu.memory_space<vmem>>, vector<32x64xf32>
    %dot_general3A = arith.constant dense<0.000000e+00> : vector<128x64xf32>
    %dot_general3A_10 = tpu.matmul %concatenate3A, %get3A_9, %dot_general3A {dimension_numbers = #tpu.dot_dimension_numbers<[1], [0], [0], [1], [0, 0, 1, 1], [], []>, transpose_lhs_hint = false} : vector<128x32xf32>, vector<32x64xf32>, vector<128x64xf32> -> vector<128x64xf32>
    %get3A_11 = arith.constant 0 : index
    %get3A_12 = arith.constant 0 : index
    %get3A_13 = vector.load %arg4[%get3A_11, %get3A_12] : memref<1x64xf32, #tpu.memory_space<vmem>>, vector<1x64xf32>
    %add3A = vector.broadcast %get3A_13 : vector<1x64xf32> to vector<128x64xf32>
    %add3A_14 = arith.addf %dot_general3A_10, %add3A : vector<128x64xf32>
    %max3A = arith.constant 0.000000e+00 : f32
    %max3A_15 = vector.broadcast %max3A : f32 to vector<128x64xf32>
    %max3A_16 = arith.maximumf %add3A_14, %max3A_15 : vector<128x64xf32>
    %get3A_17 = arith.constant 0 : index
    %get3A_18 = arith.constant 1 : index
    %get3A_19 = arith.constant 0 : index
    %get3A_20 = vector.load %arg2[%get3A_17, %get3A_18, %get3A_19] : memref<128x5x128xf32, #tpu.memory_space<vmem>>, vector<128x1x16xf32>
    %get3A_21 = vector.shape_cast %get3A_20 : vector<128x1x16xf32> to vector<128x16xf32>
    %sub3A_22 = arith.subf %get3A_21, %get3A_1 : vector<128x16xf32>
    %concatenate3A_23 = tpu.concatenate %get3A_1, %sub3A_22 in 1 : vector<128x16xf32>, vector<128x16xf32> -> vector<128x32xf32>
    %get3A_24 = arith.constant 0 : index
    %get3A_25 = arith.constant 0 : index
    %get3A_26 = vector.load %arg3[%get3A_24, %get3A_25] : memref<32x64xf32, #tpu.memory_space<vmem>>, vector<32x64xf32>
    %dot_general3A_27 = arith.constant dense<0.000000e+00> : vector<128x64xf32>
    %dot_general3A_28 = tpu.matmul %concatenate3A_23, %get3A_26, %dot_general3A_27 {dimension_numbers = #tpu.dot_dimension_numbers<[1], [0], [0], [1], [0, 0, 1, 1], [], []>, transpose_lhs_hint = false} : vector<128x32xf32>, vector<32x64xf32>, vector<128x64xf32> -> vector<128x64xf32>
    %get3A_29 = arith.constant 0 : index
    %get3A_30 = arith.constant 0 : index
    %get3A_31 = vector.load %arg4[%get3A_29, %get3A_30] : memref<1x64xf32, #tpu.memory_space<vmem>>, vector<1x64xf32>
    %add3A_32 = vector.broadcast %get3A_31 : vector<1x64xf32> to vector<128x64xf32>
    %add3A_33 = arith.addf %dot_general3A_28, %add3A_32 : vector<128x64xf32>
    %max3A_34 = arith.constant 0.000000e+00 : f32
    %max3A_35 = vector.broadcast %max3A_34 : f32 to vector<128x64xf32>
    %max3A_36 = arith.maximumf %add3A_33, %max3A_35 : vector<128x64xf32>
    %max3A_37 = arith.maximumf %max3A_16, %max3A_36 : vector<128x64xf32>
    %get3A_38 = arith.constant 0 : index
    %get3A_39 = arith.constant 2 : index
    %get3A_40 = arith.constant 0 : index
    %get3A_41 = vector.load %arg2[%get3A_38, %get3A_39, %get3A_40] : memref<128x5x128xf32, #tpu.memory_space<vmem>>, vector<128x1x16xf32>
    %get3A_42 = vector.shape_cast %get3A_41 : vector<128x1x16xf32> to vector<128x16xf32>
    %sub3A_43 = arith.subf %get3A_42, %get3A_1 : vector<128x16xf32>
    %concatenate3A_44 = tpu.concatenate %get3A_1, %sub3A_43 in 1 : vector<128x16xf32>, vector<128x16xf32> -> vector<128x32xf32>
    %get3A_45 = arith.constant 0 : index
    %get3A_46 = arith.constant 0 : index
    %get3A_47 = vector.load %arg3[%get3A_45, %get3A_46] : memref<32x64xf32, #tpu.memory_space<vmem>>, vector<32x64xf32>
    %dot_general3A_48 = arith.constant dense<0.000000e+00> : vector<128x64xf32>
    %dot_general3A_49 = tpu.matmul %concatenate3A_44, %get3A_47, %dot_general3A_48 {dimension_numbers = #tpu.dot_dimension_numbers<[1], [0], [0], [1], [0, 0, 1, 1], [], []>, transpose_lhs_hint = false} : vector<128x32xf32>, vector<32x64xf32>, vector<128x64xf32> -> vector<128x64xf32>
    %get3A_50 = arith.constant 0 : index
    %get3A_51 = arith.constant 0 : index
    %get3A_52 = vector.load %arg4[%get3A_50, %get3A_51] : memref<1x64xf32, #tpu.memory_space<vmem>>, vector<1x64xf32>
    %add3A_53 = vector.broadcast %get3A_52 : vector<1x64xf32> to vector<128x64xf32>
    %add3A_54 = arith.addf %dot_general3A_49, %add3A_53 : vector<128x64xf32>
    %max3A_55 = arith.constant 0.000000e+00 : f32
    %max3A_56 = vector.broadcast %max3A_55 : f32 to vector<128x64xf32>
    %max3A_57 = arith.maximumf %add3A_54, %max3A_56 : vector<128x64xf32>
    %max3A_58 = arith.maximumf %max3A_37, %max3A_57 : vector<128x64xf32>
    %get3A_59 = arith.constant 0 : index
    %get3A_60 = arith.constant 3 : index
    %get3A_61 = arith.constant 0 : index
    %get3A_62 = vector.load %arg2[%get3A_59, %get3A_60, %get3A_61] : memref<128x5x128xf32, #tpu.memory_space<vmem>>, vector<128x1x16xf32>
    %get3A_63 = vector.shape_cast %get3A_62 : vector<128x1x16xf32> to vector<128x16xf32>
    %sub3A_64 = arith.subf %get3A_63, %get3A_1 : vector<128x16xf32>
    %concatenate3A_65 = tpu.concatenate %get3A_1, %sub3A_64 in 1 : vector<128x16xf32>, vector<128x16xf32> -> vector<128x32xf32>
    %get3A_66 = arith.constant 0 : index
    %get3A_67 = arith.constant 0 : index
    %get3A_68 = vector.load %arg3[%get3A_66, %get3A_67] : memref<32x64xf32, #tpu.memory_space<vmem>>, vector<32x64xf32>
    %dot_general3A_69 = arith.constant dense<0.000000e+00> : vector<128x64xf32>
    %dot_general3A_70 = tpu.matmul %concatenate3A_65, %get3A_68, %dot_general3A_69 {dimension_numbers = #tpu.dot_dimension_numbers<[1], [0], [0], [1], [0, 0, 1, 1], [], []>, transpose_lhs_hint = false} : vector<128x32xf32>, vector<32x64xf32>, vector<128x64xf32> -> vector<128x64xf32>
    %get3A_71 = arith.constant 0 : index
    %get3A_72 = arith.constant 0 : index
    %get3A_73 = vector.load %arg4[%get3A_71, %get3A_72] : memref<1x64xf32, #tpu.memory_space<vmem>>, vector<1x64xf32>
    %add3A_74 = vector.broadcast %get3A_73 : vector<1x64xf32> to vector<128x64xf32>
    %add3A_75 = arith.addf %dot_general3A_70, %add3A_74 : vector<128x64xf32>
    %max3A_76 = arith.constant 0.000000e+00 : f32
    %max3A_77 = vector.broadcast %max3A_76 : f32 to vector<128x64xf32>
    %max3A_78 = arith.maximumf %add3A_75, %max3A_77 : vector<128x64xf32>
    %max3A_79 = arith.maximumf %max3A_58, %max3A_78 : vector<128x64xf32>
    %get3A_80 = arith.constant 0 : index
    %get3A_81 = arith.constant 4 : index
    %get3A_82 = arith.constant 0 : index
    %get3A_83 = vector.load %arg2[%get3A_80, %get3A_81, %get3A_82] : memref<128x5x128xf32, #tpu.memory_space<vmem>>, vector<128x1x16xf32>
    %get3A_84 = vector.shape_cast %get3A_83 : vector<128x1x16xf32> to vector<128x16xf32>
    %sub3A_85 = arith.subf %get3A_84, %get3A_1 : vector<128x16xf32>
    %concatenate3A_86 = tpu.concatenate %get3A_1, %sub3A_85 in 1 : vector<128x16xf32>, vector<128x16xf32> -> vector<128x32xf32>
    %get3A_87 = arith.constant 0 : index
    %get3A_88 = arith.constant 0 : index
    %get3A_89 = vector.load %arg3[%get3A_87, %get3A_88] : memref<32x64xf32, #tpu.memory_space<vmem>>, vector<32x64xf32>
    %dot_general3A_90 = arith.constant dense<0.000000e+00> : vector<128x64xf32>
    %dot_general3A_91 = tpu.matmul %concatenate3A_86, %get3A_89, %dot_general3A_90 {dimension_numbers = #tpu.dot_dimension_numbers<[1], [0], [0], [1], [0, 0, 1, 1], [], []>, transpose_lhs_hint = false} : vector<128x32xf32>, vector<32x64xf32>, vector<128x64xf32> -> vector<128x64xf32>
    %get3A_92 = arith.constant 0 : index
    %get3A_93 = arith.constant 0 : index
    %get3A_94 = vector.load %arg4[%get3A_92, %get3A_93] : memref<1x64xf32, #tpu.memory_space<vmem>>, vector<1x64xf32>
    %add3A_95 = vector.broadcast %get3A_94 : vector<1x64xf32> to vector<128x64xf32>
    %add3A_96 = arith.addf %dot_general3A_91, %add3A_95 : vector<128x64xf32>
    %max3A_97 = arith.constant 0.000000e+00 : f32
    %max3A_98 = vector.broadcast %max3A_97 : f32 to vector<128x64xf32>
    %max3A_99 = arith.maximumf %add3A_96, %max3A_98 : vector<128x64xf32>
    %max3A_100 = arith.maximumf %max3A_79, %max3A_99 : vector<128x64xf32>
    %swap3A = arith.constant 0 : index
    %swap3A_101 = arith.constant 0 : index
    %swap3A_102 = vector.load %arg5[%swap3A, %swap3A_101] : memref<128x64xf32, #tpu.memory_space<vmem>>, vector<128x64xf32>
    tpu.vector_store %arg5[%swap3A, %swap3A_101], %max3A_100 {strides = array<i32>} : memref<128x64xf32, #tpu.memory_space<vmem>>, vector<128x64xf32>,
    return
  }
  func.func @transform_0(%arg0: i32) -> (i32, i32) {
    %c0_i32 = arith.constant 0 : i32
    %c0_i32_0 = arith.constant 0 : i32
    return %arg0, %c0_i32 : i32, i32
  }
  func.func @transform_1(%arg0: i32) -> (i32, i32, i32) {
    %c0_i32 = arith.constant 0 : i32
    %c0_i32_0 = arith.constant 0 : i32
    %c0_i32_1 = arith.constant 0 : i32
    return %arg0, %c0_i32, %c0_i32_0 : i32, i32, i32
  }
  func.func @transform_2(%arg0: i32) -> (i32, i32) {
    %c0_i32 = arith.constant 0 : i32
    %c0_i32_0 = arith.constant 0 : i32
    %c0_i32_1 = arith.constant 0 : i32
    return %c0_i32, %c0_i32_0 : i32, i32
  }
  func.func @transform_3(%arg0: i32) -> (i32, i32) {
    %c0_i32 = arith.constant 0 : i32
    %c0_i32_0 = arith.constant 0 : i32
    %c0_i32_1 = arith.constant 0 : i32
    return %c0_i32, %c0_i32_0 : i32, i32
  }
  func.func @transform_4(%arg0: i32) -> (i32, i32) {
    %c0_i32 = arith.constant 0 : i32
    %c0_i32_0 = arith.constant 0 : i32
    return %arg0, %c0_i32 : i32, i32
  }
}

module attributes {stable_mosaic.version = 14 : i64} {
  func.func @_norm_body(%arg0: i32, %arg1: memref<128x64xf32, #tpu.memory_space<vmem>>, %arg2: memref<1x64xf32, #tpu.memory_space<vmem>>, %arg3: memref<1x64xf32, #tpu.memory_space<vmem>>, %arg4: memref<1x64xf32, #tpu.memory_space<vmem>>, %arg5: memref<1x64xf32, #tpu.memory_space<vmem>>, %arg6: memref<128x64xf32, #tpu.memory_space<vmem>>) attributes {dimension_semantics = [#tpu.dimension_semantics<arbitrary>], iteration_bounds = array<i64: 128>, scalar_prefetch = 0 : i64, scratch_operands = 0 : i64, tpu.core_type = #tpu.core_type<tc>, window_params = [{transform_indices = @transform_0, window_bounds = array<i64: 128, 64>}, {pipeline_mode = #tpu.pipeline_mode<synchronous>, transform_indices = @transform_1, window_bounds = array<i64: 1, 64>}, {pipeline_mode = #tpu.pipeline_mode<synchronous>, transform_indices = @transform_2, window_bounds = array<i64: 1, 64>}, {pipeline_mode = #tpu.pipeline_mode<synchronous>, transform_indices = @transform_3, window_bounds = array<i64: 1, 64>}, {pipeline_mode = #tpu.pipeline_mode<synchronous>, transform_indices = @transform_4, window_bounds = array<i64: 1, 64>}, {transform_indices = @transform_5, window_bounds = array<i64: 128, 64>}]} {
    %get3A = arith.constant 0 : index
    %get3A_0 = arith.constant 0 : index
    %get3A_1 = vector.load %arg1[%get3A, %get3A_0] : memref<128x64xf32, #tpu.memory_space<vmem>>, vector<128x64xf32>
    %get3A_2 = arith.constant 0 : index
    %get3A_3 = arith.constant 0 : index
    %get3A_4 = vector.load %arg2[%get3A_2, %get3A_3] : memref<1x64xf32, #tpu.memory_space<vmem>>, vector<1x64xf32>
    %sub3A = vector.broadcast %get3A_4 : vector<1x64xf32> to vector<128x64xf32>
    %sub3A_5 = arith.subf %get3A_1, %sub3A : vector<128x64xf32>
    %get3A_6 = arith.constant 0 : index
    %get3A_7 = arith.constant 0 : index
    %get3A_8 = vector.load %arg3[%get3A_6, %get3A_7] : memref<1x64xf32, #tpu.memory_space<vmem>>, vector<1x64xf32>
    %add3A = arith.constant 9.99999974E-6 : f32
    %add3A_9 = vector.broadcast %add3A : f32 to vector<1x64xf32>
    %add3A_10 = arith.addf %get3A_8, %add3A_9 : vector<1x64xf32>
    %sqrt3A = math.sqrt %add3A_10 : vector<1x64xf32>
    %div3A = vector.broadcast %sqrt3A : vector<1x64xf32> to vector<128x64xf32>
    %div3A_11 = arith.divf %sub3A_5, %div3A : vector<128x64xf32>
    %get3A_12 = arith.constant 0 : index
    %get3A_13 = arith.constant 0 : index
    %get3A_14 = vector.load %arg4[%get3A_12, %get3A_13] : memref<1x64xf32, #tpu.memory_space<vmem>>, vector<1x64xf32>
    %mul3A = vector.broadcast %get3A_14 : vector<1x64xf32> to vector<128x64xf32>
    %mul3A_15 = arith.mulf %div3A_11, %mul3A : vector<128x64xf32>
    %get3A_16 = arith.constant 0 : index
    %get3A_17 = arith.constant 0 : index
    %get3A_18 = vector.load %arg5[%get3A_16, %get3A_17] : memref<1x64xf32, #tpu.memory_space<vmem>>, vector<1x64xf32>
    %add3A_19 = vector.broadcast %get3A_18 : vector<1x64xf32> to vector<128x64xf32>
    %add3A_20 = arith.addf %mul3A_15, %add3A_19 : vector<128x64xf32>
    %swap3A = arith.constant 0 : index
    %swap3A_21 = arith.constant 0 : index
    %swap3A_22 = vector.load %arg6[%swap3A, %swap3A_21] : memref<128x64xf32, #tpu.memory_space<vmem>>, vector<128x64xf32>
    tpu.vector_store %arg6[%swap3A, %swap3A_21], %add3A_20 {strides = array<i32>} : memref<128x64xf32, #tpu.memory_space<vmem>>, vector<128x64xf32>,
    return
  }
  func.func @transform_0(%arg0: i32) -> (i32, i32) {
    %c0_i32 = arith.constant 0 : i32
    %c0_i32_0 = arith.constant 0 : i32
    return %arg0, %c0_i32 : i32, i32
  }
  func.func @transform_1(%arg0: i32) -> (i32, i32) {
    %c0_i32 = arith.constant 0 : i32
    %c0_i32_0 = arith.constant 0 : i32
    %c0_i32_1 = arith.constant 0 : i32
    return %c0_i32, %c0_i32_0 : i32, i32
  }
  func.func @transform_2(%arg0: i32) -> (i32, i32) {
    %c0_i32 = arith.constant 0 : i32
    %c0_i32_0 = arith.constant 0 : i32
    %c0_i32_1 = arith.constant 0 : i32
    return %c0_i32, %c0_i32_0 : i32, i32
  }
  func.func @transform_3(%arg0: i32) -> (i32, i32) {
    %c0_i32 = arith.constant 0 : i32
    %c0_i32_0 = arith.constant 0 : i32
    %c0_i32_1 = arith.constant 0 : i32
    return %c0_i32, %c0_i32_0 : i32, i32
  }
  func.func @transform_4(%arg0: i32) -> (i32, i32) {
    %c0_i32 = arith.constant 0 : i32
    %c0_i32_0 = arith.constant 0 : i32
    %c0_i32_1 = arith.constant 0 : i32
    return %c0_i32, %c0_i32_0 : i32, i32
  }
  func.func @transform_5(%arg0: i32) -> (i32, i32) {
    %c0_i32 = arith.constant 0 : i32
    %c0_i32_0 = arith.constant 0 : i32
    return %arg0, %c0_i32 : i32, i32
  }
}

module attributes {stable_mosaic.version = 14 : i64} {
  func.func @_knn_body(%arg0: i32, %arg1: memref<64xi32, #tpu.memory_space<smem>>, %arg2: memref<64xi32, #tpu.memory_space<smem>>, %arg3: memref<1x256x1xi32, #tpu.memory_space<vmem>>, %arg4: memref<1x256x1xi32, #tpu.memory_space<vmem>>, %arg5: memref<1x256x1xf32, #tpu.memory_space<vmem>>, %arg6: memref<256x64xf32, #tpu.memory_space<vmem>>, %arg7: memref<16384x64xf32, #tpu.memory_space<any>>, %arg8: memref<64x1x256xf32, #tpu.memory_space<any>>, %arg9: memref<256x8xi32, #tpu.memory_space<vmem>>, %arg10: memref<256x64xf32, #tpu.memory_space<vmem>>, %arg11: memref<1x256xf32, #tpu.memory_space<vmem>>, %arg12: memref<256x8xf32, #tpu.memory_space<vmem>>, %arg13: memref<256x8xi32, #tpu.memory_space<vmem>>, %arg14: memref<!tpu.dma_semaphore, #tpu.memory_space<semaphore_mem>>, %arg15: memref<!tpu.dma_semaphore, #tpu.memory_space<semaphore_mem>>) attributes {dimension_semantics = [#tpu.dimension_semantics<arbitrary>], iteration_bounds = array<i64: 64>, scalar_prefetch = 0 : i64, scratch_operands = 6 : i64, tpu.core_type = #tpu.core_type<tc>, window_params = [{transform_indices = @transform_0, window_bounds = array<i64: 64>}, {transform_indices = @transform_1, window_bounds = array<i64: 64>}, {transform_indices = @transform_2, window_bounds = array<i64: 1, 256, 1>}, {transform_indices = @transform_3, window_bounds = array<i64: 1, 256, 1>}, {transform_indices = @transform_4, window_bounds = array<i64: 1, 256, 1>}, {transform_indices = @transform_5, window_bounds = array<i64: 256, 64>}, {}, {}, {transform_indices = @transform_8, window_bounds = array<i64: 256, 8>}]} {
    %get3A = arith.constant 0 : index
    %get3A_0 = arith.constant 0 : index
    %get3A_1 = vector.load %arg6[%get3A, %get3A_0] : memref<256x64xf32, #tpu.memory_space<vmem>>, vector<256x64xf32>
    %get3A_2 = arith.constant 0 : index
    %get3A_3 = arith.constant 0 : index
    %get3A_4 = arith.constant 0 : index
    %get3A_5 = vector.load %arg5[%get3A_2, %get3A_3, %get3A_4] : memref<1x256x1xf32, #tpu.memory_space<vmem>>, vector<1x256x1xf32>
    %get3A_6 = vector.shape_cast %get3A_5 : vector<1x256x1xf32> to vector<256x1xf32>
    %get3A_7 = arith.constant 0 : index
    %get3A_8 = arith.constant 0 : index
    %get3A_9 = arith.constant 0 : index
    %get3A_10 = vector.load %arg3[%get3A_7, %get3A_8, %get3A_9] : memref<1x256x1xi32, #tpu.memory_space<vmem>>, vector<1x256x1xi32>
    %get3A_11 = vector.shape_cast %get3A_10 : vector<1x256x1xi32> to vector<256x1xi32>
    %get3A_12 = arith.constant 0 : index
    %get3A_13 = arith.constant 0 : index
    %get3A_14 = arith.constant 0 : index
    %get3A_15 = vector.load %arg4[%get3A_12, %get3A_13, %get3A_14] : memref<1x256x1xi32, #tpu.memory_space<vmem>>, vector<1x256x1xi32>
    %get3A_16 = vector.shape_cast %get3A_15 : vector<1x256x1xi32> to vector<256x1xi32>
    %broadcast_in_dim3A = arith.constant 0x7F800000 : f32
    %broadcast_in_dim3A_17 = vector.broadcast %broadcast_in_dim3A : f32 to vector<256x8xf32>
    %swap3A = arith.constant 0 : index
    %swap3A_18 = arith.constant 0 : index
    %swap3A_19 = vector.load %arg12[%swap3A, %swap3A_18] : memref<256x8xf32, #tpu.memory_space<vmem>>, vector<256x8xf32>
    tpu.vector_store %arg12[%swap3A, %swap3A_18], %broadcast_in_dim3A_17 {strides = array<i32>} : memref<256x8xf32, #tpu.memory_space<vmem>>, vector<256x8xf32>,
    %broadcast_in_dim3A_20 = arith.constant 1073741824 : i32
    %broadcast_in_dim3A_21 = vector.broadcast %broadcast_in_dim3A_20 : i32 to vector<256x8xi32>
    %swap3A_22 = arith.constant 0 : index
    %swap3A_23 = arith.constant 0 : index
    %swap3A_24 = vector.load %arg13[%swap3A_22, %swap3A_23] : memref<256x8xi32, #tpu.memory_space<vmem>>, vector<256x8xi32>
    tpu.vector_store %arg13[%swap3A_22, %swap3A_23], %broadcast_in_dim3A_21 {strides = array<i32>} : memref<256x8xi32, #tpu.memory_space<vmem>>, vector<256x8xi32>,
    %get3A_25 = arith.index_cast %arg0 : i32 to index
    %get3A_26 = memref.load %arg1[%get3A_25] : memref<64xi32, #tpu.memory_space<smem>>
    %get3A_27 = arith.index_cast %arg0 : i32 to index
    %get3A_28 = memref.load %arg2[%get3A_27] : memref<64xi32, #tpu.memory_space<smem>>
    %while3A = arith.constant 0 : i32
    %while3A_29 = arith.constant 0 : i32
    %while3A_30 = arith.subi %get3A_28, %while3A_29 : i32
    %while3A_31 = arith.addi %while3A_29, %while3A_30 : i32
    %while3A_32 = arith.constant 1 : i32
    %while3A_33 = arith.divsi %while3A_30, %while3A_32 : i32
    %while3A_34 = arith.muli %while3A_33, %while3A_32 : i32
    %while3A_35 = arith.addi %while3A_29, %while3A_34 : i32
    %while3A_36 = arith.constant 1 : i32
    scf.for %while3A_44 = %while3A_29 to %while3A_35 step %while3A_36  : i32 {
      %add3A = arith.addi %get3A_26, %while3A_44 : i32
      %mul3A = arith.constant 256 : i32
      %mul3A_45 = arith.muli %add3A, %mul3A : i32
      %dma_start3A = arith.constant 0 : i32
      %dma_start3A_46 = tpu.memref_slice %arg7[%mul3A_45, %dma_start3A] : memref<16384x64xf32, #tpu.memory_space<any>> -> memref<256x64xf32, #tpu.memory_space<any>>
      tpu.enqueue_dma source(%dma_start3A_46 : memref<256x64xf32, #tpu.memory_space<any>>) target(%arg10 : memref<256x64xf32, #tpu.memory_space<vmem>>) target_semaphore(%arg14 : memref<!tpu.dma_semaphore, #tpu.memory_space<semaphore_mem>>)
      %dma_start3A_47 = arith.constant 0 : i32
      %dma_start3A_48 = arith.constant 0 : i32
      %dma_start3A_49 = tpu.memref_slice %arg8[%add3A, %dma_start3A_47, %dma_start3A_48] : memref<64x1x256xf32, #tpu.memory_space<any>> -> memref<1x1x256xf32, #tpu.memory_space<any>>
      %dma_start3A_50 = tpu.memref_squeeze %dma_start3A_49 : memref<1x1x256xf32, #tpu.memory_space<any>> -> memref<1x256xf32, #tpu.memory_space<any>>
      tpu.enqueue_dma source(%dma_start3A_50 : memref<1x256xf32, #tpu.memory_space<any>>) target(%arg11 : memref<1x256xf32, #tpu.memory_space<vmem>>) target_semaphore(%arg15 : memref<!tpu.dma_semaphore, #tpu.memory_space<semaphore_mem>>)
      %dma_wait3A = arith.constant 0 : i32
      %dma_wait3A_51 = tpu.memref_slice %arg7[%mul3A_45, %dma_wait3A] : memref<16384x64xf32, #tpu.memory_space<any>> -> memref<256x64xf32, #tpu.memory_space<any>>
      tpu.wait_dma2 semaphore(%arg14 : memref<!tpu.dma_semaphore, #tpu.memory_space<semaphore_mem>>) src(%dma_wait3A_51 : memref<256x64xf32, #tpu.memory_space<any>>) dst(%arg10 : memref<256x64xf32, #tpu.memory_space<vmem>>)
      %dma_wait3A_52 = arith.constant 0 : i32
      %dma_wait3A_53 = arith.constant 0 : i32
      %dma_wait3A_54 = tpu.memref_slice %arg8[%add3A, %dma_wait3A_52, %dma_wait3A_53] : memref<64x1x256xf32, #tpu.memory_space<any>> -> memref<1x1x256xf32, #tpu.memory_space<any>>
      %dma_wait3A_55 = tpu.memref_squeeze %dma_wait3A_54 : memref<1x1x256xf32, #tpu.memory_space<any>> -> memref<1x256xf32, #tpu.memory_space<any>>
      tpu.wait_dma2 semaphore(%arg15 : memref<!tpu.dma_semaphore, #tpu.memory_space<semaphore_mem>>) src(%dma_wait3A_55 : memref<1x256xf32, #tpu.memory_space<any>>) dst(%arg11 : memref<1x256xf32, #tpu.memory_space<vmem>>)
      %get3A_56 = arith.constant 0 : index
      %get3A_57 = arith.constant 0 : index
      %get3A_58 = vector.load %arg10[%get3A_56, %get3A_57] : memref<256x64xf32, #tpu.memory_space<vmem>>, vector<256x64xf32>
      %dot_general3A = arith.constant dense<0.000000e+00> : vector<256x256xf32>
      %dot_general3A_59 = tpu.matmul %get3A_1, %get3A_58, %dot_general3A {dimension_numbers = #tpu.dot_dimension_numbers<[1], [1], [0], [0], [0, 0, 1, 0], [], []>, transpose_lhs_hint = false} : vector<256x64xf32>, vector<256x64xf32>, vector<256x256xf32> -> vector<256x256xf32>
      %get3A_60 = arith.constant 0 : index
      %get3A_61 = arith.constant 0 : index
      %get3A_62 = vector.load %arg11[%get3A_60, %get3A_61] : memref<1x256xf32, #tpu.memory_space<vmem>>, vector<1x256xf32>
      %add3A_63 = vector.broadcast %get3A_6 : vector<256x1xf32> to vector<256x256xf32>
      %add3A_64 = vector.broadcast %get3A_62 : vector<1x256xf32> to vector<256x256xf32>
      %add3A_65 = arith.addf %add3A_63, %add3A_64 : vector<256x256xf32>
      %mul3A_66 = arith.constant 2.000000e+00 : f32
      %mul3A_67 = vector.broadcast %mul3A_66 : f32 to vector<256x256xf32>
      %mul3A_68 = arith.mulf %mul3A_67, %dot_general3A_59 : vector<256x256xf32>
      %sub3A = arith.subf %add3A_65, %mul3A_68 : vector<256x256xf32>
      %mul3A_69 = arith.constant 256 : i32
      %mul3A_70 = arith.muli %add3A, %mul3A_69 : i32
      %iota3A = tpu.iota {dimensions = array<i32: 1>} : vector<256x256xi32>
      %add3A_71 = vector.broadcast %mul3A_70 : i32 to vector<256x256xi32>
      %add3A_72 = arith.addi %add3A_71, %iota3A : vector<256x256xi32>
      %ge3A = vector.broadcast %get3A_11 : vector<256x1xi32> to vector<256x256xi32>
      %ge3A_73 = arith.cmpi sge, %add3A_72, %ge3A : vector<256x256xi32>
      %lt3A = vector.broadcast %get3A_16 : vector<256x1xi32> to vector<256x256xi32>
      %lt3A_74 = arith.cmpi slt, %add3A_72, %lt3A : vector<256x256xi32>
      %and3A = arith.andi %ge3A_73, %lt3A_74 : vector<256x256xi1>
      %jit3A = arith.constant 0x7F800000 : f32
      %broadcast_in_dim3A_75 = vector.broadcast %jit3A : f32 to vector<256x256xf32>
      %select_n3A = arith.select %and3A, %sub3A, %broadcast_in_dim3A_75 : vector<256x256xi1>, vector<256x256xf32>
      %get3A_76 = arith.constant 0 : index
      %get3A_77 = arith.constant 0 : index
      %get3A_78 = vector.load %arg12[%get3A_76, %get3A_77] : memref<256x8xf32, #tpu.memory_space<vmem>>, vector<256x8xf32>
      %concatenate3A = tpu.concatenate %get3A_78, %select_n3A in 1 : vector<256x8xf32>, vector<256x256xf32> -> vector<256x264xf32>
      %get3A_79 = arith.constant 0 : index
      %get3A_80 = arith.constant 0 : index
      %get3A_81 = vector.load %arg13[%get3A_79, %get3A_80] : memref<256x8xi32, #tpu.memory_space<vmem>>, vector<256x8xi32>
      %concatenate3A_82 = tpu.concatenate %get3A_81, %add3A_72 in 1 : vector<256x8xi32>, vector<256x256xi32> -> vector<256x264xi32>
      %reduce_min3A = arith.constant dense<0x7F800000> : vector<256xf32>
      %reduce_min3A_83 = vector.multi_reduction <minimumf>, %concatenate3A, %reduce_min3A [1] : vector<256x264xf32> to vector<256xf32>
      %broadcast_in_dim3A_84 = vector.shape_cast %reduce_min3A_83 : vector<256xf32> to vector<256x1xf32>
      %eq3A = vector.broadcast %broadcast_in_dim3A_84 : vector<256x1xf32> to vector<256x264xf32>
      %eq3A_85 = arith.cmpf oeq, %concatenate3A, %eq3A : vector<256x264xf32>
      %jit3A_86 = arith.constant 1073741824 : i32
      %broadcast_in_dim3A_87 = vector.broadcast %jit3A_86 : i32 to vector<256x264xi32>
      %select_n3A_88 = arith.select %eq3A_85, %concatenate3A_82, %broadcast_in_dim3A_87 : vector<256x264xi1>, vector<256x264xi32>
      %reduce_min3A_89 = arith.constant dense<2147483647> : vector<256xi32>
      %reduce_min3A_90 = vector.multi_reduction <minsi>, %select_n3A_88, %reduce_min3A_89 [1] : vector<256x264xi32> to vector<256xi32>
      %broadcast_in_dim3A_91 = vector.shape_cast %reduce_min3A_90 : vector<256xi32> to vector<256x1xi32>
      %eq3A_92 = vector.broadcast %broadcast_in_dim3A_91 : vector<256x1xi32> to vector<256x264xi32>
      %eq3A_93 = arith.cmpi eq, %concatenate3A_82, %eq3A_92 : vector<256x264xi32>
      %and3A_94 = arith.andi %eq3A_85, %eq3A_93 : vector<256x264xi1>
      %jit3A_95 = arith.constant 0x7F800000 : f32
      %broadcast_in_dim3A_96 = vector.broadcast %jit3A_95 : f32 to vector<256x264xf32>
      %select_n3A_97 = arith.select %and3A_94, %broadcast_in_dim3A_96, %concatenate3A : vector<256x264xi1>, vector<256x264xf32>
      %reduce_min3A_98 = arith.constant dense<0x7F800000> : vector<256xf32>
      %reduce_min3A_99 = vector.multi_reduction <minimumf>, %select_n3A_97, %reduce_min3A_98 [1] : vector<256x264xf32> to vector<256xf32>
      %broadcast_in_dim3A_100 = vector.shape_cast %reduce_min3A_99 : vector<256xf32> to vector<256x1xf32>
      %eq3A_101 = vector.broadcast %broadcast_in_dim3A_100 : vector<256x1xf32> to vector<256x264xf32>
      %eq3A_102 = arith.cmpf oeq, %select_n3A_97, %eq3A_101 : vector<256x264xf32>
      %jit3A_103 = arith.constant 1073741824 : i32
      %broadcast_in_dim3A_104 = vector.broadcast %jit3A_103 : i32 to vector<256x264xi32>
      %select_n3A_105 = arith.select %eq3A_102, %concatenate3A_82, %broadcast_in_dim3A_104 : vector<256x264xi1>, vector<256x264xi32>
      %reduce_min3A_106 = arith.constant dense<2147483647> : vector<256xi32>
      %reduce_min3A_107 = vector.multi_reduction <minsi>, %select_n3A_105, %reduce_min3A_106 [1] : vector<256x264xi32> to vector<256xi32>
      %broadcast_in_dim3A_108 = vector.shape_cast %reduce_min3A_107 : vector<256xi32> to vector<256x1xi32>
      %eq3A_109 = vector.broadcast %broadcast_in_dim3A_108 : vector<256x1xi32> to vector<256x264xi32>
      %eq3A_110 = arith.cmpi eq, %concatenate3A_82, %eq3A_109 : vector<256x264xi32>
      %and3A_111 = arith.andi %eq3A_102, %eq3A_110 : vector<256x264xi1>
      %jit3A_112 = arith.constant 0x7F800000 : f32
      %broadcast_in_dim3A_113 = vector.broadcast %jit3A_112 : f32 to vector<256x264xf32>
      %select_n3A_114 = arith.select %and3A_111, %broadcast_in_dim3A_113, %select_n3A_97 : vector<256x264xi1>, vector<256x264xf32>
      %reduce_min3A_115 = arith.constant dense<0x7F800000> : vector<256xf32>
      %reduce_min3A_116 = vector.multi_reduction <minimumf>, %select_n3A_114, %reduce_min3A_115 [1] : vector<256x264xf32> to vector<256xf32>
      %broadcast_in_dim3A_117 = vector.shape_cast %reduce_min3A_116 : vector<256xf32> to vector<256x1xf32>
      %eq3A_118 = vector.broadcast %broadcast_in_dim3A_117 : vector<256x1xf32> to vector<256x264xf32>
      %eq3A_119 = arith.cmpf oeq, %select_n3A_114, %eq3A_118 : vector<256x264xf32>
      %jit3A_120 = arith.constant 1073741824 : i32
      %broadcast_in_dim3A_121 = vector.broadcast %jit3A_120 : i32 to vector<256x264xi32>
      %select_n3A_122 = arith.select %eq3A_119, %concatenate3A_82, %broadcast_in_dim3A_121 : vector<256x264xi1>, vector<256x264xi32>
      %reduce_min3A_123 = arith.constant dense<2147483647> : vector<256xi32>
      %reduce_min3A_124 = vector.multi_reduction <minsi>, %select_n3A_122, %reduce_min3A_123 [1] : vector<256x264xi32> to vector<256xi32>
      %broadcast_in_dim3A_125 = vector.shape_cast %reduce_min3A_124 : vector<256xi32> to vector<256x1xi32>
      %eq3A_126 = vector.broadcast %broadcast_in_dim3A_125 : vector<256x1xi32> to vector<256x264xi32>
      %eq3A_127 = arith.cmpi eq, %concatenate3A_82, %eq3A_126 : vector<256x264xi32>
      %and3A_128 = arith.andi %eq3A_119, %eq3A_127 : vector<256x264xi1>
      %jit3A_129 = arith.constant 0x7F800000 : f32
      %broadcast_in_dim3A_130 = vector.broadcast %jit3A_129 : f32 to vector<256x264xf32>
      %select_n3A_131 = arith.select %and3A_128, %broadcast_in_dim3A_130, %select_n3A_114 : vector<256x264xi1>, vector<256x264xf32>
      %reduce_min3A_132 = arith.constant dense<0x7F800000> : vector<256xf32>
      %reduce_min3A_133 = vector.multi_reduction <minimumf>, %select_n3A_131, %reduce_min3A_132 [1] : vector<256x264xf32> to vector<256xf32>
      %broadcast_in_dim3A_134 = vector.shape_cast %reduce_min3A_133 : vector<256xf32> to vector<256x1xf32>
      %eq3A_135 = vector.broadcast %broadcast_in_dim3A_134 : vector<256x1xf32> to vector<256x264xf32>
      %eq3A_136 = arith.cmpf oeq, %select_n3A_131, %eq3A_135 : vector<256x264xf32>
      %jit3A_137 = arith.constant 1073741824 : i32
      %broadcast_in_dim3A_138 = vector.broadcast %jit3A_137 : i32 to vector<256x264xi32>
      %select_n3A_139 = arith.select %eq3A_136, %concatenate3A_82, %broadcast_in_dim3A_138 : vector<256x264xi1>, vector<256x264xi32>
      %reduce_min3A_140 = arith.constant dense<2147483647> : vector<256xi32>
      %reduce_min3A_141 = vector.multi_reduction <minsi>, %select_n3A_139, %reduce_min3A_140 [1] : vector<256x264xi32> to vector<256xi32>
      %broadcast_in_dim3A_142 = vector.shape_cast %reduce_min3A_141 : vector<256xi32> to vector<256x1xi32>
      %eq3A_143 = vector.broadcast %broadcast_in_dim3A_142 : vector<256x1xi32> to vector<256x264xi32>
      %eq3A_144 = arith.cmpi eq, %concatenate3A_82, %eq3A_143 : vector<256x264xi32>
      %and3A_145 = arith.andi %eq3A_136, %eq3A_144 : vector<256x264xi1>
      %jit3A_146 = arith.constant 0x7F800000 : f32
      %broadcast_in_dim3A_147 = vector.broadcast %jit3A_146 : f32 to vector<256x264xf32>
      %select_n3A_148 = arith.select %and3A_145, %broadcast_in_dim3A_147, %select_n3A_131 : vector<256x264xi1>, vector<256x264xf32>
      %reduce_min3A_149 = arith.constant dense<0x7F800000> : vector<256xf32>
      %reduce_min3A_150 = vector.multi_reduction <minimumf>, %select_n3A_148, %reduce_min3A_149 [1] : vector<256x264xf32> to vector<256xf32>
      %broadcast_in_dim3A_151 = vector.shape_cast %reduce_min3A_150 : vector<256xf32> to vector<256x1xf32>
      %eq3A_152 = vector.broadcast %broadcast_in_dim3A_151 : vector<256x1xf32> to vector<256x264xf32>
      %eq3A_153 = arith.cmpf oeq, %select_n3A_148, %eq3A_152 : vector<256x264xf32>
      %jit3A_154 = arith.constant 1073741824 : i32
      %broadcast_in_dim3A_155 = vector.broadcast %jit3A_154 : i32 to vector<256x264xi32>
      %select_n3A_156 = arith.select %eq3A_153, %concatenate3A_82, %broadcast_in_dim3A_155 : vector<256x264xi1>, vector<256x264xi32>
      %reduce_min3A_157 = arith.constant dense<2147483647> : vector<256xi32>
      %reduce_min3A_158 = vector.multi_reduction <minsi>, %select_n3A_156, %reduce_min3A_157 [1] : vector<256x264xi32> to vector<256xi32>
      %broadcast_in_dim3A_159 = vector.shape_cast %reduce_min3A_158 : vector<256xi32> to vector<256x1xi32>
      %eq3A_160 = vector.broadcast %broadcast_in_dim3A_159 : vector<256x1xi32> to vector<256x264xi32>
      %eq3A_161 = arith.cmpi eq, %concatenate3A_82, %eq3A_160 : vector<256x264xi32>
      %and3A_162 = arith.andi %eq3A_153, %eq3A_161 : vector<256x264xi1>
      %jit3A_163 = arith.constant 0x7F800000 : f32
      %broadcast_in_dim3A_164 = vector.broadcast %jit3A_163 : f32 to vector<256x264xf32>
      %select_n3A_165 = arith.select %and3A_162, %broadcast_in_dim3A_164, %select_n3A_148 : vector<256x264xi1>, vector<256x264xf32>
      %broadcast_in_dim3A_166 = arith.constant 0x7F800000 : f32
      %broadcast_in_dim3A_167 = vector.broadcast %broadcast_in_dim3A_166 : f32 to vector<256x3xf32>
      %broadcast_in_dim3A_168 = arith.constant 1073741824 : i32
      %broadcast_in_dim3A_169 = vector.broadcast %broadcast_in_dim3A_168 : i32 to vector<256x3xi32>
      %concatenate3A_170 = tpu.concatenate %broadcast_in_dim3A_84, %broadcast_in_dim3A_100, %broadcast_in_dim3A_117, %broadcast_in_dim3A_134, %broadcast_in_dim3A_151, %broadcast_in_dim3A_167 in 1 : vector<256x1xf32>, vector<256x1xf32>, vector<256x1xf32>, vector<256x1xf32>, vector<256x1xf32>, vector<256x3xf32> -> vector<256x8xf32>
      %swap3A_171 = arith.constant 0 : index
      %swap3A_172 = arith.constant 0 : index
      %swap3A_173 = vector.load %arg12[%swap3A_171, %swap3A_172] : memref<256x8xf32, #tpu.memory_space<vmem>>, vector<256x8xf32>
      tpu.vector_store %arg12[%swap3A_171, %swap3A_172], %concatenate3A_170 {strides = array<i32>} : memref<256x8xf32, #tpu.memory_space<vmem>>, vector<256x8xf32>,
      %concatenate3A_174 = tpu.concatenate %broadcast_in_dim3A_91, %broadcast_in_dim3A_108, %broadcast_in_dim3A_125, %broadcast_in_dim3A_142, %broadcast_in_dim3A_159, %broadcast_in_dim3A_169 in 1 : vector<256x1xi32>, vector<256x1xi32>, vector<256x1xi32>, vector<256x1xi32>, vector<256x1xi32>, vector<256x3xi32> -> vector<256x8xi32>
      %swap3A_175 = arith.constant 0 : index
      %swap3A_176 = arith.constant 0 : index
      %swap3A_177 = vector.load %arg13[%swap3A_175, %swap3A_176] : memref<256x8xi32, #tpu.memory_space<vmem>>, vector<256x8xi32>
      tpu.vector_store %arg13[%swap3A_175, %swap3A_176], %concatenate3A_174 {strides = array<i32>} : memref<256x8xi32, #tpu.memory_space<vmem>>, vector<256x8xi32>,
    }
    %while3A_37 = arith.constant 1 : i32
    scf.for %while3A_44 = %while3A_35 to %while3A_31 step %while3A_37  : i32 {
      %add3A = arith.addi %get3A_26, %while3A_44 : i32
      %mul3A = arith.constant 256 : i32
      %mul3A_45 = arith.muli %add3A, %mul3A : i32
      %dma_start3A = arith.constant 0 : i32
      %dma_start3A_46 = tpu.memref_slice %arg7[%mul3A_45, %dma_start3A] : memref<16384x64xf32, #tpu.memory_space<any>> -> memref<256x64xf32, #tpu.memory_space<any>>
      tpu.enqueue_dma source(%dma_start3A_46 : memref<256x64xf32, #tpu.memory_space<any>>) target(%arg10 : memref<256x64xf32, #tpu.memory_space<vmem>>) target_semaphore(%arg14 : memref<!tpu.dma_semaphore, #tpu.memory_space<semaphore_mem>>)
      %dma_start3A_47 = arith.constant 0 : i32
      %dma_start3A_48 = arith.constant 0 : i32
      %dma_start3A_49 = tpu.memref_slice %arg8[%add3A, %dma_start3A_47, %dma_start3A_48] : memref<64x1x256xf32, #tpu.memory_space<any>> -> memref<1x1x256xf32, #tpu.memory_space<any>>
      %dma_start3A_50 = tpu.memref_squeeze %dma_start3A_49 : memref<1x1x256xf32, #tpu.memory_space<any>> -> memref<1x256xf32, #tpu.memory_space<any>>
      tpu.enqueue_dma source(%dma_start3A_50 : memref<1x256xf32, #tpu.memory_space<any>>) target(%arg11 : memref<1x256xf32, #tpu.memory_space<vmem>>) target_semaphore(%arg15 : memref<!tpu.dma_semaphore, #tpu.memory_space<semaphore_mem>>)
      %dma_wait3A = arith.constant 0 : i32
      %dma_wait3A_51 = tpu.memref_slice %arg7[%mul3A_45, %dma_wait3A] : memref<16384x64xf32, #tpu.memory_space<any>> -> memref<256x64xf32, #tpu.memory_space<any>>
      tpu.wait_dma2 semaphore(%arg14 : memref<!tpu.dma_semaphore, #tpu.memory_space<semaphore_mem>>) src(%dma_wait3A_51 : memref<256x64xf32, #tpu.memory_space<any>>) dst(%arg10 : memref<256x64xf32, #tpu.memory_space<vmem>>)
      %dma_wait3A_52 = arith.constant 0 : i32
      %dma_wait3A_53 = arith.constant 0 : i32
      %dma_wait3A_54 = tpu.memref_slice %arg8[%add3A, %dma_wait3A_52, %dma_wait3A_53] : memref<64x1x256xf32, #tpu.memory_space<any>> -> memref<1x1x256xf32, #tpu.memory_space<any>>
      %dma_wait3A_55 = tpu.memref_squeeze %dma_wait3A_54 : memref<1x1x256xf32, #tpu.memory_space<any>> -> memref<1x256xf32, #tpu.memory_space<any>>
      tpu.wait_dma2 semaphore(%arg15 : memref<!tpu.dma_semaphore, #tpu.memory_space<semaphore_mem>>) src(%dma_wait3A_55 : memref<1x256xf32, #tpu.memory_space<any>>) dst(%arg11 : memref<1x256xf32, #tpu.memory_space<vmem>>)
      %get3A_56 = arith.constant 0 : index
      %get3A_57 = arith.constant 0 : index
      %get3A_58 = vector.load %arg10[%get3A_56, %get3A_57] : memref<256x64xf32, #tpu.memory_space<vmem>>, vector<256x64xf32>
      %dot_general3A = arith.constant dense<0.000000e+00> : vector<256x256xf32>
      %dot_general3A_59 = tpu.matmul %get3A_1, %get3A_58, %dot_general3A {dimension_numbers = #tpu.dot_dimension_numbers<[1], [1], [0], [0], [0, 0, 1, 0], [], []>, transpose_lhs_hint = false} : vector<256x64xf32>, vector<256x64xf32>, vector<256x256xf32> -> vector<256x256xf32>
      %get3A_60 = arith.constant 0 : index
      %get3A_61 = arith.constant 0 : index
      %get3A_62 = vector.load %arg11[%get3A_60, %get3A_61] : memref<1x256xf32, #tpu.memory_space<vmem>>, vector<1x256xf32>
      %add3A_63 = vector.broadcast %get3A_6 : vector<256x1xf32> to vector<256x256xf32>
      %add3A_64 = vector.broadcast %get3A_62 : vector<1x256xf32> to vector<256x256xf32>
      %add3A_65 = arith.addf %add3A_63, %add3A_64 : vector<256x256xf32>
      %mul3A_66 = arith.constant 2.000000e+00 : f32
      %mul3A_67 = vector.broadcast %mul3A_66 : f32 to vector<256x256xf32>
      %mul3A_68 = arith.mulf %mul3A_67, %dot_general3A_59 : vector<256x256xf32>
      %sub3A = arith.subf %add3A_65, %mul3A_68 : vector<256x256xf32>
      %mul3A_69 = arith.constant 256 : i32
      %mul3A_70 = arith.muli %add3A, %mul3A_69 : i32
      %iota3A = tpu.iota {dimensions = array<i32: 1>} : vector<256x256xi32>
      %add3A_71 = vector.broadcast %mul3A_70 : i32 to vector<256x256xi32>
      %add3A_72 = arith.addi %add3A_71, %iota3A : vector<256x256xi32>
      %ge3A = vector.broadcast %get3A_11 : vector<256x1xi32> to vector<256x256xi32>
      %ge3A_73 = arith.cmpi sge, %add3A_72, %ge3A : vector<256x256xi32>
      %lt3A = vector.broadcast %get3A_16 : vector<256x1xi32> to vector<256x256xi32>
      %lt3A_74 = arith.cmpi slt, %add3A_72, %lt3A : vector<256x256xi32>
      %and3A = arith.andi %ge3A_73, %lt3A_74 : vector<256x256xi1>
      %jit3A = arith.constant 0x7F800000 : f32
      %broadcast_in_dim3A_75 = vector.broadcast %jit3A : f32 to vector<256x256xf32>
      %select_n3A = arith.select %and3A, %sub3A, %broadcast_in_dim3A_75 : vector<256x256xi1>, vector<256x256xf32>
      %get3A_76 = arith.constant 0 : index
      %get3A_77 = arith.constant 0 : index
      %get3A_78 = vector.load %arg12[%get3A_76, %get3A_77] : memref<256x8xf32, #tpu.memory_space<vmem>>, vector<256x8xf32>
      %concatenate3A = tpu.concatenate %get3A_78, %select_n3A in 1 : vector<256x8xf32>, vector<256x256xf32> -> vector<256x264xf32>
      %get3A_79 = arith.constant 0 : index
      %get3A_80 = arith.constant 0 : index
      %get3A_81 = vector.load %arg13[%get3A_79, %get3A_80] : memref<256x8xi32, #tpu.memory_space<vmem>>, vector<256x8xi32>
      %concatenate3A_82 = tpu.concatenate %get3A_81, %add3A_72 in 1 : vector<256x8xi32>, vector<256x256xi32> -> vector<256x264xi32>
      %reduce_min3A = arith.constant dense<0x7F800000> : vector<256xf32>
      %reduce_min3A_83 = vector.multi_reduction <minimumf>, %concatenate3A, %reduce_min3A [1] : vector<256x264xf32> to vector<256xf32>
      %broadcast_in_dim3A_84 = vector.shape_cast %reduce_min3A_83 : vector<256xf32> to vector<256x1xf32>
      %eq3A = vector.broadcast %broadcast_in_dim3A_84 : vector<256x1xf32> to vector<256x264xf32>
      %eq3A_85 = arith.cmpf oeq, %concatenate3A, %eq3A : vector<256x264xf32>
      %jit3A_86 = arith.constant 1073741824 : i32
      %broadcast_in_dim3A_87 = vector.broadcast %jit3A_86 : i32 to vector<256x264xi32>
      %select_n3A_88 = arith.select %eq3A_85, %concatenate3A_82, %broadcast_in_dim3A_87 : vector<256x264xi1>, vector<256x264xi32>
      %reduce_min3A_89 = arith.constant dense<2147483647> : vector<256xi32>
      %reduce_min3A_90 = vector.multi_reduction <minsi>, %select_n3A_88, %reduce_min3A_89 [1] : vector<256x264xi32> to vector<256xi32>
      %broadcast_in_dim3A_91 = vector.shape_cast %reduce_min3A_90 : vector<256xi32> to vector<256x1xi32>
      %eq3A_92 = vector.broadcast %broadcast_in_dim3A_91 : vector<256x1xi32> to vector<256x264xi32>
      %eq3A_93 = arith.cmpi eq, %concatenate3A_82, %eq3A_92 : vector<256x264xi32>
      %and3A_94 = arith.andi %eq3A_85, %eq3A_93 : vector<256x264xi1>
      %jit3A_95 = arith.constant 0x7F800000 : f32
      %broadcast_in_dim3A_96 = vector.broadcast %jit3A_95 : f32 to vector<256x264xf32>
      %select_n3A_97 = arith.select %and3A_94, %broadcast_in_dim3A_96, %concatenate3A : vector<256x264xi1>, vector<256x264xf32>
      %reduce_min3A_98 = arith.constant dense<0x7F800000> : vector<256xf32>
      %reduce_min3A_99 = vector.multi_reduction <minimumf>, %select_n3A_97, %reduce_min3A_98 [1] : vector<256x264xf32> to vector<256xf32>
      %broadcast_in_dim3A_100 = vector.shape_cast %reduce_min3A_99 : vector<256xf32> to vector<256x1xf32>
      %eq3A_101 = vector.broadcast %broadcast_in_dim3A_100 : vector<256x1xf32> to vector<256x264xf32>
      %eq3A_102 = arith.cmpf oeq, %select_n3A_97, %eq3A_101 : vector<256x264xf32>
      %jit3A_103 = arith.constant 1073741824 : i32
      %broadcast_in_dim3A_104 = vector.broadcast %jit3A_103 : i32 to vector<256x264xi32>
      %select_n3A_105 = arith.select %eq3A_102, %concatenate3A_82, %broadcast_in_dim3A_104 : vector<256x264xi1>, vector<256x264xi32>
      %reduce_min3A_106 = arith.constant dense<2147483647> : vector<256xi32>
      %reduce_min3A_107 = vector.multi_reduction <minsi>, %select_n3A_105, %reduce_min3A_106 [1] : vector<256x264xi32> to vector<256xi32>
      %broadcast_in_dim3A_108 = vector.shape_cast %reduce_min3A_107 : vector<256xi32> to vector<256x1xi32>
      %eq3A_109 = vector.broadcast %broadcast_in_dim3A_108 : vector<256x1xi32> to vector<256x264xi32>
      %eq3A_110 = arith.cmpi eq, %concatenate3A_82, %eq3A_109 : vector<256x264xi32>
      %and3A_111 = arith.andi %eq3A_102, %eq3A_110 : vector<256x264xi1>
      %jit3A_112 = arith.constant 0x7F800000 : f32
      %broadcast_in_dim3A_113 = vector.broadcast %jit3A_112 : f32 to vector<256x264xf32>
      %select_n3A_114 = arith.select %and3A_111, %broadcast_in_dim3A_113, %select_n3A_97 : vector<256x264xi1>, vector<256x264xf32>
      %reduce_min3A_115 = arith.constant dense<0x7F800000> : vector<256xf32>
      %reduce_min3A_116 = vector.multi_reduction <minimumf>, %select_n3A_114, %reduce_min3A_115 [1] : vector<256x264xf32> to vector<256xf32>
      %broadcast_in_dim3A_117 = vector.shape_cast %reduce_min3A_116 : vector<256xf32> to vector<256x1xf32>
      %eq3A_118 = vector.broadcast %broadcast_in_dim3A_117 : vector<256x1xf32> to vector<256x264xf32>
      %eq3A_119 = arith.cmpf oeq, %select_n3A_114, %eq3A_118 : vector<256x264xf32>
      %jit3A_120 = arith.constant 1073741824 : i32
      %broadcast_in_dim3A_121 = vector.broadcast %jit3A_120 : i32 to vector<256x264xi32>
      %select_n3A_122 = arith.select %eq3A_119, %concatenate3A_82, %broadcast_in_dim3A_121 : vector<256x264xi1>, vector<256x264xi32>
      %reduce_min3A_123 = arith.constant dense<2147483647> : vector<256xi32>
      %reduce_min3A_124 = vector.multi_reduction <minsi>, %select_n3A_122, %reduce_min3A_123 [1] : vector<256x264xi32> to vector<256xi32>
      %broadcast_in_dim3A_125 = vector.shape_cast %reduce_min3A_124 : vector<256xi32> to vector<256x1xi32>
      %eq3A_126 = vector.broadcast %broadcast_in_dim3A_125 : vector<256x1xi32> to vector<256x264xi32>
      %eq3A_127 = arith.cmpi eq, %concatenate3A_82, %eq3A_126 : vector<256x264xi32>
      %and3A_128 = arith.andi %eq3A_119, %eq3A_127 : vector<256x264xi1>
      %jit3A_129 = arith.constant 0x7F800000 : f32
      %broadcast_in_dim3A_130 = vector.broadcast %jit3A_129 : f32 to vector<256x264xf32>
      %select_n3A_131 = arith.select %and3A_128, %broadcast_in_dim3A_130, %select_n3A_114 : vector<256x264xi1>, vector<256x264xf32>
      %reduce_min3A_132 = arith.constant dense<0x7F800000> : vector<256xf32>
      %reduce_min3A_133 = vector.multi_reduction <minimumf>, %select_n3A_131, %reduce_min3A_132 [1] : vector<256x264xf32> to vector<256xf32>
      %broadcast_in_dim3A_134 = vector.shape_cast %reduce_min3A_133 : vector<256xf32> to vector<256x1xf32>
      %eq3A_135 = vector.broadcast %broadcast_in_dim3A_134 : vector<256x1xf32> to vector<256x264xf32>
      %eq3A_136 = arith.cmpf oeq, %select_n3A_131, %eq3A_135 : vector<256x264xf32>
      %jit3A_137 = arith.constant 1073741824 : i32
      %broadcast_in_dim3A_138 = vector.broadcast %jit3A_137 : i32 to vector<256x264xi32>
      %select_n3A_139 = arith.select %eq3A_136, %concatenate3A_82, %broadcast_in_dim3A_138 : vector<256x264xi1>, vector<256x264xi32>
      %reduce_min3A_140 = arith.constant dense<2147483647> : vector<256xi32>
      %reduce_min3A_141 = vector.multi_reduction <minsi>, %select_n3A_139, %reduce_min3A_140 [1] : vector<256x264xi32> to vector<256xi32>
      %broadcast_in_dim3A_142 = vector.shape_cast %reduce_min3A_141 : vector<256xi32> to vector<256x1xi32>
      %eq3A_143 = vector.broadcast %broadcast_in_dim3A_142 : vector<256x1xi32> to vector<256x264xi32>
      %eq3A_144 = arith.cmpi eq, %concatenate3A_82, %eq3A_143 : vector<256x264xi32>
      %and3A_145 = arith.andi %eq3A_136, %eq3A_144 : vector<256x264xi1>
      %jit3A_146 = arith.constant 0x7F800000 : f32
      %broadcast_in_dim3A_147 = vector.broadcast %jit3A_146 : f32 to vector<256x264xf32>
      %select_n3A_148 = arith.select %and3A_145, %broadcast_in_dim3A_147, %select_n3A_131 : vector<256x264xi1>, vector<256x264xf32>
      %reduce_min3A_149 = arith.constant dense<0x7F800000> : vector<256xf32>
      %reduce_min3A_150 = vector.multi_reduction <minimumf>, %select_n3A_148, %reduce_min3A_149 [1] : vector<256x264xf32> to vector<256xf32>
      %broadcast_in_dim3A_151 = vector.shape_cast %reduce_min3A_150 : vector<256xf32> to vector<256x1xf32>
      %eq3A_152 = vector.broadcast %broadcast_in_dim3A_151 : vector<256x1xf32> to vector<256x264xf32>
      %eq3A_153 = arith.cmpf oeq, %select_n3A_148, %eq3A_152 : vector<256x264xf32>
      %jit3A_154 = arith.constant 1073741824 : i32
      %broadcast_in_dim3A_155 = vector.broadcast %jit3A_154 : i32 to vector<256x264xi32>
      %select_n3A_156 = arith.select %eq3A_153, %concatenate3A_82, %broadcast_in_dim3A_155 : vector<256x264xi1>, vector<256x264xi32>
      %reduce_min3A_157 = arith.constant dense<2147483647> : vector<256xi32>
      %reduce_min3A_158 = vector.multi_reduction <minsi>, %select_n3A_156, %reduce_min3A_157 [1] : vector<256x264xi32> to vector<256xi32>
      %broadcast_in_dim3A_159 = vector.shape_cast %reduce_min3A_158 : vector<256xi32> to vector<256x1xi32>
      %eq3A_160 = vector.broadcast %broadcast_in_dim3A_159 : vector<256x1xi32> to vector<256x264xi32>
      %eq3A_161 = arith.cmpi eq, %concatenate3A_82, %eq3A_160 : vector<256x264xi32>
      %and3A_162 = arith.andi %eq3A_153, %eq3A_161 : vector<256x264xi1>
      %jit3A_163 = arith.constant 0x7F800000 : f32
      %broadcast_in_dim3A_164 = vector.broadcast %jit3A_163 : f32 to vector<256x264xf32>
      %select_n3A_165 = arith.select %and3A_162, %broadcast_in_dim3A_164, %select_n3A_148 : vector<256x264xi1>, vector<256x264xf32>
      %broadcast_in_dim3A_166 = arith.constant 0x7F800000 : f32
      %broadcast_in_dim3A_167 = vector.broadcast %broadcast_in_dim3A_166 : f32 to vector<256x3xf32>
      %broadcast_in_dim3A_168 = arith.constant 1073741824 : i32
      %broadcast_in_dim3A_169 = vector.broadcast %broadcast_in_dim3A_168 : i32 to vector<256x3xi32>
      %concatenate3A_170 = tpu.concatenate %broadcast_in_dim3A_84, %broadcast_in_dim3A_100, %broadcast_in_dim3A_117, %broadcast_in_dim3A_134, %broadcast_in_dim3A_151, %broadcast_in_dim3A_167 in 1 : vector<256x1xf32>, vector<256x1xf32>, vector<256x1xf32>, vector<256x1xf32>, vector<256x1xf32>, vector<256x3xf32> -> vector<256x8xf32>
      %swap3A_171 = arith.constant 0 : index
      %swap3A_172 = arith.constant 0 : index
      %swap3A_173 = vector.load %arg12[%swap3A_171, %swap3A_172] : memref<256x8xf32, #tpu.memory_space<vmem>>, vector<256x8xf32>
      tpu.vector_store %arg12[%swap3A_171, %swap3A_172], %concatenate3A_170 {strides = array<i32>} : memref<256x8xf32, #tpu.memory_space<vmem>>, vector<256x8xf32>,
      %concatenate3A_174 = tpu.concatenate %broadcast_in_dim3A_91, %broadcast_in_dim3A_108, %broadcast_in_dim3A_125, %broadcast_in_dim3A_142, %broadcast_in_dim3A_159, %broadcast_in_dim3A_169 in 1 : vector<256x1xi32>, vector<256x1xi32>, vector<256x1xi32>, vector<256x1xi32>, vector<256x1xi32>, vector<256x3xi32> -> vector<256x8xi32>
      %swap3A_175 = arith.constant 0 : index
      %swap3A_176 = arith.constant 0 : index
      %swap3A_177 = vector.load %arg13[%swap3A_175, %swap3A_176] : memref<256x8xi32, #tpu.memory_space<vmem>>, vector<256x8xi32>
      tpu.vector_store %arg13[%swap3A_175, %swap3A_176], %concatenate3A_174 {strides = array<i32>} : memref<256x8xi32, #tpu.memory_space<vmem>>, vector<256x8xi32>,
    }
    %get3A_38 = arith.constant 0 : index
    %get3A_39 = arith.constant 0 : index
    %get3A_40 = vector.load %arg13[%get3A_38, %get3A_39] : memref<256x8xi32, #tpu.memory_space<vmem>>, vector<256x8xi32>
    %swap3A_41 = arith.constant 0 : index
    %swap3A_42 = arith.constant 0 : index
    %swap3A_43 = vector.load %arg9[%swap3A_41, %swap3A_42] : memref<256x8xi32, #tpu.memory_space<vmem>>, vector<256x8xi32>
    tpu.vector_store %arg9[%swap3A_41, %swap3A_42], %get3A_40 {strides = array<i32>} : memref<256x8xi32, #tpu.memory_space<vmem>>, vector<256x8xi32>,
    return
  }
  func.func @transform_0(%arg0: i32) -> i32 {
    %c0_i32 = arith.constant 0 : i32
    %c0_i32_0 = arith.constant 0 : i32
    return %c0_i32 : i32
  }
  func.func @transform_1(%arg0: i32) -> i32 {
    %c0_i32 = arith.constant 0 : i32
    %c0_i32_0 = arith.constant 0 : i32
    return %c0_i32 : i32
  }
  func.func @transform_2(%arg0: i32) -> (i32, i32, i32) {
    %c0_i32 = arith.constant 0 : i32
    %c0_i32_0 = arith.constant 0 : i32
    %c0_i32_1 = arith.constant 0 : i32
    return %arg0, %c0_i32, %c0_i32_0 : i32, i32, i32
  }
  func.func @transform_3(%arg0: i32) -> (i32, i32, i32) {
    %c0_i32 = arith.constant 0 : i32
    %c0_i32_0 = arith.constant 0 : i32
    %c0_i32_1 = arith.constant 0 : i32
    return %arg0, %c0_i32, %c0_i32_0 : i32, i32, i32
  }
  func.func @transform_4(%arg0: i32) -> (i32, i32, i32) {
    %c0_i32 = arith.constant 0 : i32
    %c0_i32_0 = arith.constant 0 : i32
    %c0_i32_1 = arith.constant 0 : i32
    return %arg0, %c0_i32, %c0_i32_0 : i32, i32, i32
  }
  func.func @transform_5(%arg0: i32) -> (i32, i32) {
    %c0_i32 = arith.constant 0 : i32
    %c0_i32_0 = arith.constant 0 : i32
    return %arg0, %c0_i32 : i32, i32
  }
  func.func @transform_8(%arg0: i32) -> (i32, i32) {
    %c0_i32 = arith.constant 0 : i32
    %c0_i32_0 = arith.constant 0 : i32
    return %arg0, %c0_i32 : i32, i32
  }
}

module attributes {stable_mosaic.version = 14 : i64} {
  func.func @_edge_body(%arg0: i32, %arg1: memref<128x64xf32, #tpu.memory_space<vmem>>, %arg2: memref<128x5x128xf32, #tpu.memory_space<vmem>>, %arg3: memref<128x64xf32, #tpu.memory_space<vmem>>, %arg4: memref<1x64xf32, #tpu.memory_space<vmem>>, %arg5: memref<128x64xf32, #tpu.memory_space<vmem>>) attributes {dimension_semantics = [#tpu.dimension_semantics<arbitrary>], iteration_bounds = array<i64: 128>, scalar_prefetch = 0 : i64, scratch_operands = 0 : i64, tpu.core_type = #tpu.core_type<tc>, window_params = [{transform_indices = @transform_0, window_bounds = array<i64: 128, 64>}, {transform_indices = @transform_1, window_bounds = array<i64: 128, 5, 128>}, {pipeline_mode = #tpu.pipeline_mode<synchronous>, transform_indices = @transform_2, window_bounds = array<i64: 128, 64>}, {pipeline_mode = #tpu.pipeline_mode<synchronous>, transform_indices = @transform_3, window_bounds = array<i64: 1, 64>}, {transform_indices = @transform_4, window_bounds = array<i64: 128, 64>}]} {
    %get3A = arith.constant 0 : index
    %get3A_0 = arith.constant 0 : index
    %get3A_1 = vector.load %arg1[%get3A, %get3A_0] : memref<128x64xf32, #tpu.memory_space<vmem>>, vector<128x64xf32>
    %get3A_2 = arith.constant 0 : index
    %get3A_3 = arith.constant 0 : index
    %get3A_4 = arith.constant 0 : index
    %get3A_5 = vector.load %arg2[%get3A_2, %get3A_3, %get3A_4] : memref<128x5x128xf32, #tpu.memory_space<vmem>>, vector<128x1x64xf32>
    %get3A_6 = vector.shape_cast %get3A_5 : vector<128x1x64xf32> to vector<128x64xf32>
    %sub3A = arith.subf %get3A_6, %get3A_1 : vector<128x64xf32>
    %concatenate3A = tpu.concatenate %get3A_1, %sub3A in 1 : vector<128x64xf32>, vector<128x64xf32> -> vector<128x128xf32>
    %get3A_7 = arith.constant 0 : index
    %get3A_8 = arith.constant 0 : index
    %get3A_9 = vector.load %arg3[%get3A_7, %get3A_8] : memref<128x64xf32, #tpu.memory_space<vmem>>, vector<128x64xf32>
    %dot_general3A = arith.constant dense<0.000000e+00> : vector<128x64xf32>
    %dot_general3A_10 = tpu.matmul %concatenate3A, %get3A_9, %dot_general3A {dimension_numbers = #tpu.dot_dimension_numbers<[1], [0], [0], [1], [0, 0, 1, 1], [], []>, transpose_lhs_hint = false} : vector<128x128xf32>, vector<128x64xf32>, vector<128x64xf32> -> vector<128x64xf32>
    %get3A_11 = arith.constant 0 : index
    %get3A_12 = arith.constant 0 : index
    %get3A_13 = vector.load %arg4[%get3A_11, %get3A_12] : memref<1x64xf32, #tpu.memory_space<vmem>>, vector<1x64xf32>
    %add3A = vector.broadcast %get3A_13 : vector<1x64xf32> to vector<128x64xf32>
    %add3A_14 = arith.addf %dot_general3A_10, %add3A : vector<128x64xf32>
    %max3A = arith.constant 0.000000e+00 : f32
    %max3A_15 = vector.broadcast %max3A : f32 to vector<128x64xf32>
    %max3A_16 = arith.maximumf %add3A_14, %max3A_15 : vector<128x64xf32>
    %get3A_17 = arith.constant 0 : index
    %get3A_18 = arith.constant 1 : index
    %get3A_19 = arith.constant 0 : index
    %get3A_20 = vector.load %arg2[%get3A_17, %get3A_18, %get3A_19] : memref<128x5x128xf32, #tpu.memory_space<vmem>>, vector<128x1x64xf32>
    %get3A_21 = vector.shape_cast %get3A_20 : vector<128x1x64xf32> to vector<128x64xf32>
    %sub3A_22 = arith.subf %get3A_21, %get3A_1 : vector<128x64xf32>
    %concatenate3A_23 = tpu.concatenate %get3A_1, %sub3A_22 in 1 : vector<128x64xf32>, vector<128x64xf32> -> vector<128x128xf32>
    %get3A_24 = arith.constant 0 : index
    %get3A_25 = arith.constant 0 : index
    %get3A_26 = vector.load %arg3[%get3A_24, %get3A_25] : memref<128x64xf32, #tpu.memory_space<vmem>>, vector<128x64xf32>
    %dot_general3A_27 = arith.constant dense<0.000000e+00> : vector<128x64xf32>
    %dot_general3A_28 = tpu.matmul %concatenate3A_23, %get3A_26, %dot_general3A_27 {dimension_numbers = #tpu.dot_dimension_numbers<[1], [0], [0], [1], [0, 0, 1, 1], [], []>, transpose_lhs_hint = false} : vector<128x128xf32>, vector<128x64xf32>, vector<128x64xf32> -> vector<128x64xf32>
    %get3A_29 = arith.constant 0 : index
    %get3A_30 = arith.constant 0 : index
    %get3A_31 = vector.load %arg4[%get3A_29, %get3A_30] : memref<1x64xf32, #tpu.memory_space<vmem>>, vector<1x64xf32>
    %add3A_32 = vector.broadcast %get3A_31 : vector<1x64xf32> to vector<128x64xf32>
    %add3A_33 = arith.addf %dot_general3A_28, %add3A_32 : vector<128x64xf32>
    %max3A_34 = arith.constant 0.000000e+00 : f32
    %max3A_35 = vector.broadcast %max3A_34 : f32 to vector<128x64xf32>
    %max3A_36 = arith.maximumf %add3A_33, %max3A_35 : vector<128x64xf32>
    %max3A_37 = arith.maximumf %max3A_16, %max3A_36 : vector<128x64xf32>
    %get3A_38 = arith.constant 0 : index
    %get3A_39 = arith.constant 2 : index
    %get3A_40 = arith.constant 0 : index
    %get3A_41 = vector.load %arg2[%get3A_38, %get3A_39, %get3A_40] : memref<128x5x128xf32, #tpu.memory_space<vmem>>, vector<128x1x64xf32>
    %get3A_42 = vector.shape_cast %get3A_41 : vector<128x1x64xf32> to vector<128x64xf32>
    %sub3A_43 = arith.subf %get3A_42, %get3A_1 : vector<128x64xf32>
    %concatenate3A_44 = tpu.concatenate %get3A_1, %sub3A_43 in 1 : vector<128x64xf32>, vector<128x64xf32> -> vector<128x128xf32>
    %get3A_45 = arith.constant 0 : index
    %get3A_46 = arith.constant 0 : index
    %get3A_47 = vector.load %arg3[%get3A_45, %get3A_46] : memref<128x64xf32, #tpu.memory_space<vmem>>, vector<128x64xf32>
    %dot_general3A_48 = arith.constant dense<0.000000e+00> : vector<128x64xf32>
    %dot_general3A_49 = tpu.matmul %concatenate3A_44, %get3A_47, %dot_general3A_48 {dimension_numbers = #tpu.dot_dimension_numbers<[1], [0], [0], [1], [0, 0, 1, 1], [], []>, transpose_lhs_hint = false} : vector<128x128xf32>, vector<128x64xf32>, vector<128x64xf32> -> vector<128x64xf32>
    %get3A_50 = arith.constant 0 : index
    %get3A_51 = arith.constant 0 : index
    %get3A_52 = vector.load %arg4[%get3A_50, %get3A_51] : memref<1x64xf32, #tpu.memory_space<vmem>>, vector<1x64xf32>
    %add3A_53 = vector.broadcast %get3A_52 : vector<1x64xf32> to vector<128x64xf32>
    %add3A_54 = arith.addf %dot_general3A_49, %add3A_53 : vector<128x64xf32>
    %max3A_55 = arith.constant 0.000000e+00 : f32
    %max3A_56 = vector.broadcast %max3A_55 : f32 to vector<128x64xf32>
    %max3A_57 = arith.maximumf %add3A_54, %max3A_56 : vector<128x64xf32>
    %max3A_58 = arith.maximumf %max3A_37, %max3A_57 : vector<128x64xf32>
    %get3A_59 = arith.constant 0 : index
    %get3A_60 = arith.constant 3 : index
    %get3A_61 = arith.constant 0 : index
    %get3A_62 = vector.load %arg2[%get3A_59, %get3A_60, %get3A_61] : memref<128x5x128xf32, #tpu.memory_space<vmem>>, vector<128x1x64xf32>
    %get3A_63 = vector.shape_cast %get3A_62 : vector<128x1x64xf32> to vector<128x64xf32>
    %sub3A_64 = arith.subf %get3A_63, %get3A_1 : vector<128x64xf32>
    %concatenate3A_65 = tpu.concatenate %get3A_1, %sub3A_64 in 1 : vector<128x64xf32>, vector<128x64xf32> -> vector<128x128xf32>
    %get3A_66 = arith.constant 0 : index
    %get3A_67 = arith.constant 0 : index
    %get3A_68 = vector.load %arg3[%get3A_66, %get3A_67] : memref<128x64xf32, #tpu.memory_space<vmem>>, vector<128x64xf32>
    %dot_general3A_69 = arith.constant dense<0.000000e+00> : vector<128x64xf32>
    %dot_general3A_70 = tpu.matmul %concatenate3A_65, %get3A_68, %dot_general3A_69 {dimension_numbers = #tpu.dot_dimension_numbers<[1], [0], [0], [1], [0, 0, 1, 1], [], []>, transpose_lhs_hint = false} : vector<128x128xf32>, vector<128x64xf32>, vector<128x64xf32> -> vector<128x64xf32>
    %get3A_71 = arith.constant 0 : index
    %get3A_72 = arith.constant 0 : index
    %get3A_73 = vector.load %arg4[%get3A_71, %get3A_72] : memref<1x64xf32, #tpu.memory_space<vmem>>, vector<1x64xf32>
    %add3A_74 = vector.broadcast %get3A_73 : vector<1x64xf32> to vector<128x64xf32>
    %add3A_75 = arith.addf %dot_general3A_70, %add3A_74 : vector<128x64xf32>
    %max3A_76 = arith.constant 0.000000e+00 : f32
    %max3A_77 = vector.broadcast %max3A_76 : f32 to vector<128x64xf32>
    %max3A_78 = arith.maximumf %add3A_75, %max3A_77 : vector<128x64xf32>
    %max3A_79 = arith.maximumf %max3A_58, %max3A_78 : vector<128x64xf32>
    %get3A_80 = arith.constant 0 : index
    %get3A_81 = arith.constant 4 : index
    %get3A_82 = arith.constant 0 : index
    %get3A_83 = vector.load %arg2[%get3A_80, %get3A_81, %get3A_82] : memref<128x5x128xf32, #tpu.memory_space<vmem>>, vector<128x1x64xf32>
    %get3A_84 = vector.shape_cast %get3A_83 : vector<128x1x64xf32> to vector<128x64xf32>
    %sub3A_85 = arith.subf %get3A_84, %get3A_1 : vector<128x64xf32>
    %concatenate3A_86 = tpu.concatenate %get3A_1, %sub3A_85 in 1 : vector<128x64xf32>, vector<128x64xf32> -> vector<128x128xf32>
    %get3A_87 = arith.constant 0 : index
    %get3A_88 = arith.constant 0 : index
    %get3A_89 = vector.load %arg3[%get3A_87, %get3A_88] : memref<128x64xf32, #tpu.memory_space<vmem>>, vector<128x64xf32>
    %dot_general3A_90 = arith.constant dense<0.000000e+00> : vector<128x64xf32>
    %dot_general3A_91 = tpu.matmul %concatenate3A_86, %get3A_89, %dot_general3A_90 {dimension_numbers = #tpu.dot_dimension_numbers<[1], [0], [0], [1], [0, 0, 1, 1], [], []>, transpose_lhs_hint = false} : vector<128x128xf32>, vector<128x64xf32>, vector<128x64xf32> -> vector<128x64xf32>
    %get3A_92 = arith.constant 0 : index
    %get3A_93 = arith.constant 0 : index
    %get3A_94 = vector.load %arg4[%get3A_92, %get3A_93] : memref<1x64xf32, #tpu.memory_space<vmem>>, vector<1x64xf32>
    %add3A_95 = vector.broadcast %get3A_94 : vector<1x64xf32> to vector<128x64xf32>
    %add3A_96 = arith.addf %dot_general3A_91, %add3A_95 : vector<128x64xf32>
    %max3A_97 = arith.constant 0.000000e+00 : f32
    %max3A_98 = vector.broadcast %max3A_97 : f32 to vector<128x64xf32>
    %max3A_99 = arith.maximumf %add3A_96, %max3A_98 : vector<128x64xf32>
    %max3A_100 = arith.maximumf %max3A_79, %max3A_99 : vector<128x64xf32>
    %swap3A = arith.constant 0 : index
    %swap3A_101 = arith.constant 0 : index
    %swap3A_102 = vector.load %arg5[%swap3A, %swap3A_101] : memref<128x64xf32, #tpu.memory_space<vmem>>, vector<128x64xf32>
    tpu.vector_store %arg5[%swap3A, %swap3A_101], %max3A_100 {strides = array<i32>} : memref<128x64xf32, #tpu.memory_space<vmem>>, vector<128x64xf32>,
    return
  }
  func.func @transform_0(%arg0: i32) -> (i32, i32) {
    %c0_i32 = arith.constant 0 : i32
    %c0_i32_0 = arith.constant 0 : i32
    return %arg0, %c0_i32 : i32, i32
  }
  func.func @transform_1(%arg0: i32) -> (i32, i32, i32) {
    %c0_i32 = arith.constant 0 : i32
    %c0_i32_0 = arith.constant 0 : i32
    %c0_i32_1 = arith.constant 0 : i32
    return %arg0, %c0_i32, %c0_i32_0 : i32, i32, i32
  }
  func.func @transform_2(%arg0: i32) -> (i32, i32) {
    %c0_i32 = arith.constant 0 : i32
    %c0_i32_0 = arith.constant 0 : i32
    %c0_i32_1 = arith.constant 0 : i32
    return %c0_i32, %c0_i32_0 : i32, i32
  }
  func.func @transform_3(%arg0: i32) -> (i32, i32) {
    %c0_i32 = arith.constant 0 : i32
    %c0_i32_0 = arith.constant 0 : i32
    %c0_i32_1 = arith.constant 0 : i32
    return %c0_i32, %c0_i32_0 : i32, i32
  }
  func.func @transform_4(%arg0: i32) -> (i32, i32) {
    %c0_i32 = arith.constant 0 : i32
    %c0_i32_0 = arith.constant 0 : i32
    return %arg0, %c0_i32 : i32, i32
  }
}

module attributes {stable_mosaic.version = 14 : i64} {
  func.func @_edge_body(%arg0: i32, %arg1: memref<128x64xf32, #tpu.memory_space<vmem>>, %arg2: memref<128x5x128xf32, #tpu.memory_space<vmem>>, %arg3: memref<128x128xf32, #tpu.memory_space<vmem>>, %arg4: memref<1x128xf32, #tpu.memory_space<vmem>>, %arg5: memref<128x128xf32, #tpu.memory_space<vmem>>) attributes {dimension_semantics = [#tpu.dimension_semantics<arbitrary>], iteration_bounds = array<i64: 128>, scalar_prefetch = 0 : i64, scratch_operands = 0 : i64, tpu.core_type = #tpu.core_type<tc>, window_params = [{transform_indices = @transform_0, window_bounds = array<i64: 128, 64>}, {transform_indices = @transform_1, window_bounds = array<i64: 128, 5, 128>}, {pipeline_mode = #tpu.pipeline_mode<synchronous>, transform_indices = @transform_2, window_bounds = array<i64: 128, 128>}, {pipeline_mode = #tpu.pipeline_mode<synchronous>, transform_indices = @transform_3, window_bounds = array<i64: 1, 128>}, {transform_indices = @transform_4, window_bounds = array<i64: 128, 128>}]} {
    %get3A = arith.constant 0 : index
    %get3A_0 = arith.constant 0 : index
    %get3A_1 = vector.load %arg1[%get3A, %get3A_0] : memref<128x64xf32, #tpu.memory_space<vmem>>, vector<128x64xf32>
    %get3A_2 = arith.constant 0 : index
    %get3A_3 = arith.constant 0 : index
    %get3A_4 = arith.constant 0 : index
    %get3A_5 = vector.load %arg2[%get3A_2, %get3A_3, %get3A_4] : memref<128x5x128xf32, #tpu.memory_space<vmem>>, vector<128x1x64xf32>
    %get3A_6 = vector.shape_cast %get3A_5 : vector<128x1x64xf32> to vector<128x64xf32>
    %sub3A = arith.subf %get3A_6, %get3A_1 : vector<128x64xf32>
    %concatenate3A = tpu.concatenate %get3A_1, %sub3A in 1 : vector<128x64xf32>, vector<128x64xf32> -> vector<128x128xf32>
    %get3A_7 = arith.constant 0 : index
    %get3A_8 = arith.constant 0 : index
    %get3A_9 = vector.load %arg3[%get3A_7, %get3A_8] : memref<128x128xf32, #tpu.memory_space<vmem>>, vector<128x128xf32>
    %dot_general3A = arith.constant dense<0.000000e+00> : vector<128x128xf32>
    %dot_general3A_10 = tpu.matmul %concatenate3A, %get3A_9, %dot_general3A {dimension_numbers = #tpu.dot_dimension_numbers<[1], [0], [0], [1], [0, 0, 1, 1], [], []>, transpose_lhs_hint = false} : vector<128x128xf32>, vector<128x128xf32>, vector<128x128xf32> -> vector<128x128xf32>
    %get3A_11 = arith.constant 0 : index
    %get3A_12 = arith.constant 0 : index
    %get3A_13 = vector.load %arg4[%get3A_11, %get3A_12] : memref<1x128xf32, #tpu.memory_space<vmem>>, vector<1x128xf32>
    %add3A = vector.broadcast %get3A_13 : vector<1x128xf32> to vector<128x128xf32>
    %add3A_14 = arith.addf %dot_general3A_10, %add3A : vector<128x128xf32>
    %max3A = arith.constant 0.000000e+00 : f32
    %max3A_15 = vector.broadcast %max3A : f32 to vector<128x128xf32>
    %max3A_16 = arith.maximumf %add3A_14, %max3A_15 : vector<128x128xf32>
    %get3A_17 = arith.constant 0 : index
    %get3A_18 = arith.constant 1 : index
    %get3A_19 = arith.constant 0 : index
    %get3A_20 = vector.load %arg2[%get3A_17, %get3A_18, %get3A_19] : memref<128x5x128xf32, #tpu.memory_space<vmem>>, vector<128x1x64xf32>
    %get3A_21 = vector.shape_cast %get3A_20 : vector<128x1x64xf32> to vector<128x64xf32>
    %sub3A_22 = arith.subf %get3A_21, %get3A_1 : vector<128x64xf32>
    %concatenate3A_23 = tpu.concatenate %get3A_1, %sub3A_22 in 1 : vector<128x64xf32>, vector<128x64xf32> -> vector<128x128xf32>
    %get3A_24 = arith.constant 0 : index
    %get3A_25 = arith.constant 0 : index
    %get3A_26 = vector.load %arg3[%get3A_24, %get3A_25] : memref<128x128xf32, #tpu.memory_space<vmem>>, vector<128x128xf32>
    %dot_general3A_27 = arith.constant dense<0.000000e+00> : vector<128x128xf32>
    %dot_general3A_28 = tpu.matmul %concatenate3A_23, %get3A_26, %dot_general3A_27 {dimension_numbers = #tpu.dot_dimension_numbers<[1], [0], [0], [1], [0, 0, 1, 1], [], []>, transpose_lhs_hint = false} : vector<128x128xf32>, vector<128x128xf32>, vector<128x128xf32> -> vector<128x128xf32>
    %get3A_29 = arith.constant 0 : index
    %get3A_30 = arith.constant 0 : index
    %get3A_31 = vector.load %arg4[%get3A_29, %get3A_30] : memref<1x128xf32, #tpu.memory_space<vmem>>, vector<1x128xf32>
    %add3A_32 = vector.broadcast %get3A_31 : vector<1x128xf32> to vector<128x128xf32>
    %add3A_33 = arith.addf %dot_general3A_28, %add3A_32 : vector<128x128xf32>
    %max3A_34 = arith.constant 0.000000e+00 : f32
    %max3A_35 = vector.broadcast %max3A_34 : f32 to vector<128x128xf32>
    %max3A_36 = arith.maximumf %add3A_33, %max3A_35 : vector<128x128xf32>
    %max3A_37 = arith.maximumf %max3A_16, %max3A_36 : vector<128x128xf32>
    %get3A_38 = arith.constant 0 : index
    %get3A_39 = arith.constant 2 : index
    %get3A_40 = arith.constant 0 : index
    %get3A_41 = vector.load %arg2[%get3A_38, %get3A_39, %get3A_40] : memref<128x5x128xf32, #tpu.memory_space<vmem>>, vector<128x1x64xf32>
    %get3A_42 = vector.shape_cast %get3A_41 : vector<128x1x64xf32> to vector<128x64xf32>
    %sub3A_43 = arith.subf %get3A_42, %get3A_1 : vector<128x64xf32>
    %concatenate3A_44 = tpu.concatenate %get3A_1, %sub3A_43 in 1 : vector<128x64xf32>, vector<128x64xf32> -> vector<128x128xf32>
    %get3A_45 = arith.constant 0 : index
    %get3A_46 = arith.constant 0 : index
    %get3A_47 = vector.load %arg3[%get3A_45, %get3A_46] : memref<128x128xf32, #tpu.memory_space<vmem>>, vector<128x128xf32>
    %dot_general3A_48 = arith.constant dense<0.000000e+00> : vector<128x128xf32>
    %dot_general3A_49 = tpu.matmul %concatenate3A_44, %get3A_47, %dot_general3A_48 {dimension_numbers = #tpu.dot_dimension_numbers<[1], [0], [0], [1], [0, 0, 1, 1], [], []>, transpose_lhs_hint = false} : vector<128x128xf32>, vector<128x128xf32>, vector<128x128xf32> -> vector<128x128xf32>
    %get3A_50 = arith.constant 0 : index
    %get3A_51 = arith.constant 0 : index
    %get3A_52 = vector.load %arg4[%get3A_50, %get3A_51] : memref<1x128xf32, #tpu.memory_space<vmem>>, vector<1x128xf32>
    %add3A_53 = vector.broadcast %get3A_52 : vector<1x128xf32> to vector<128x128xf32>
    %add3A_54 = arith.addf %dot_general3A_49, %add3A_53 : vector<128x128xf32>
    %max3A_55 = arith.constant 0.000000e+00 : f32
    %max3A_56 = vector.broadcast %max3A_55 : f32 to vector<128x128xf32>
    %max3A_57 = arith.maximumf %add3A_54, %max3A_56 : vector<128x128xf32>
    %max3A_58 = arith.maximumf %max3A_37, %max3A_57 : vector<128x128xf32>
    %get3A_59 = arith.constant 0 : index
    %get3A_60 = arith.constant 3 : index
    %get3A_61 = arith.constant 0 : index
    %get3A_62 = vector.load %arg2[%get3A_59, %get3A_60, %get3A_61] : memref<128x5x128xf32, #tpu.memory_space<vmem>>, vector<128x1x64xf32>
    %get3A_63 = vector.shape_cast %get3A_62 : vector<128x1x64xf32> to vector<128x64xf32>
    %sub3A_64 = arith.subf %get3A_63, %get3A_1 : vector<128x64xf32>
    %concatenate3A_65 = tpu.concatenate %get3A_1, %sub3A_64 in 1 : vector<128x64xf32>, vector<128x64xf32> -> vector<128x128xf32>
    %get3A_66 = arith.constant 0 : index
    %get3A_67 = arith.constant 0 : index
    %get3A_68 = vector.load %arg3[%get3A_66, %get3A_67] : memref<128x128xf32, #tpu.memory_space<vmem>>, vector<128x128xf32>
    %dot_general3A_69 = arith.constant dense<0.000000e+00> : vector<128x128xf32>
    %dot_general3A_70 = tpu.matmul %concatenate3A_65, %get3A_68, %dot_general3A_69 {dimension_numbers = #tpu.dot_dimension_numbers<[1], [0], [0], [1], [0, 0, 1, 1], [], []>, transpose_lhs_hint = false} : vector<128x128xf32>, vector<128x128xf32>, vector<128x128xf32> -> vector<128x128xf32>
    %get3A_71 = arith.constant 0 : index
    %get3A_72 = arith.constant 0 : index
    %get3A_73 = vector.load %arg4[%get3A_71, %get3A_72] : memref<1x128xf32, #tpu.memory_space<vmem>>, vector<1x128xf32>
    %add3A_74 = vector.broadcast %get3A_73 : vector<1x128xf32> to vector<128x128xf32>
    %add3A_75 = arith.addf %dot_general3A_70, %add3A_74 : vector<128x128xf32>
    %max3A_76 = arith.constant 0.000000e+00 : f32
    %max3A_77 = vector.broadcast %max3A_76 : f32 to vector<128x128xf32>
    %max3A_78 = arith.maximumf %add3A_75, %max3A_77 : vector<128x128xf32>
    %max3A_79 = arith.maximumf %max3A_58, %max3A_78 : vector<128x128xf32>
    %get3A_80 = arith.constant 0 : index
    %get3A_81 = arith.constant 4 : index
    %get3A_82 = arith.constant 0 : index
    %get3A_83 = vector.load %arg2[%get3A_80, %get3A_81, %get3A_82] : memref<128x5x128xf32, #tpu.memory_space<vmem>>, vector<128x1x64xf32>
    %get3A_84 = vector.shape_cast %get3A_83 : vector<128x1x64xf32> to vector<128x64xf32>
    %sub3A_85 = arith.subf %get3A_84, %get3A_1 : vector<128x64xf32>
    %concatenate3A_86 = tpu.concatenate %get3A_1, %sub3A_85 in 1 : vector<128x64xf32>, vector<128x64xf32> -> vector<128x128xf32>
    %get3A_87 = arith.constant 0 : index
    %get3A_88 = arith.constant 0 : index
    %get3A_89 = vector.load %arg3[%get3A_87, %get3A_88] : memref<128x128xf32, #tpu.memory_space<vmem>>, vector<128x128xf32>
    %dot_general3A_90 = arith.constant dense<0.000000e+00> : vector<128x128xf32>
    %dot_general3A_91 = tpu.matmul %concatenate3A_86, %get3A_89, %dot_general3A_90 {dimension_numbers = #tpu.dot_dimension_numbers<[1], [0], [0], [1], [0, 0, 1, 1], [], []>, transpose_lhs_hint = false} : vector<128x128xf32>, vector<128x128xf32>, vector<128x128xf32> -> vector<128x128xf32>
    %get3A_92 = arith.constant 0 : index
    %get3A_93 = arith.constant 0 : index
    %get3A_94 = vector.load %arg4[%get3A_92, %get3A_93] : memref<1x128xf32, #tpu.memory_space<vmem>>, vector<1x128xf32>
    %add3A_95 = vector.broadcast %get3A_94 : vector<1x128xf32> to vector<128x128xf32>
    %add3A_96 = arith.addf %dot_general3A_91, %add3A_95 : vector<128x128xf32>
    %max3A_97 = arith.constant 0.000000e+00 : f32
    %max3A_98 = vector.broadcast %max3A_97 : f32 to vector<128x128xf32>
    %max3A_99 = arith.maximumf %add3A_96, %max3A_98 : vector<128x128xf32>
    %max3A_100 = arith.maximumf %max3A_79, %max3A_99 : vector<128x128xf32>
    %swap3A = arith.constant 0 : index
    %swap3A_101 = arith.constant 0 : index
    %swap3A_102 = vector.load %arg5[%swap3A, %swap3A_101] : memref<128x128xf32, #tpu.memory_space<vmem>>, vector<128x128xf32>
    tpu.vector_store %arg5[%swap3A, %swap3A_101], %max3A_100 {strides = array<i32>} : memref<128x128xf32, #tpu.memory_space<vmem>>, vector<128x128xf32>,
    return
  }
  func.func @transform_0(%arg0: i32) -> (i32, i32) {
    %c0_i32 = arith.constant 0 : i32
    %c0_i32_0 = arith.constant 0 : i32
    return %arg0, %c0_i32 : i32, i32
  }
  func.func @transform_1(%arg0: i32) -> (i32, i32, i32) {
    %c0_i32 = arith.constant 0 : i32
    %c0_i32_0 = arith.constant 0 : i32
    %c0_i32_1 = arith.constant 0 : i32
    return %arg0, %c0_i32, %c0_i32_0 : i32, i32, i32
  }
  func.func @transform_2(%arg0: i32) -> (i32, i32) {
    %c0_i32 = arith.constant 0 : i32
    %c0_i32_0 = arith.constant 0 : i32
    %c0_i32_1 = arith.constant 0 : i32
    return %c0_i32, %c0_i32_0 : i32, i32
  }
  func.func @transform_3(%arg0: i32) -> (i32, i32) {
    %c0_i32 = arith.constant 0 : i32
    %c0_i32_0 = arith.constant 0 : i32
    %c0_i32_1 = arith.constant 0 : i32
    return %c0_i32, %c0_i32_0 : i32, i32
  }
  func.func @transform_4(%arg0: i32) -> (i32, i32) {
    %c0_i32 = arith.constant 0 : i32
    %c0_i32_0 = arith.constant 0 : i32
    return %arg0, %c0_i32 : i32, i32
  }
}

module attributes {stable_mosaic.version = 14 : i64} {
  func.func @_norm_body(%arg0: i32, %arg1: memref<128x128xf32, #tpu.memory_space<vmem>>, %arg2: memref<1x128xf32, #tpu.memory_space<vmem>>, %arg3: memref<1x128xf32, #tpu.memory_space<vmem>>, %arg4: memref<1x128xf32, #tpu.memory_space<vmem>>, %arg5: memref<1x128xf32, #tpu.memory_space<vmem>>, %arg6: memref<128x128xf32, #tpu.memory_space<vmem>>) attributes {dimension_semantics = [#tpu.dimension_semantics<arbitrary>], iteration_bounds = array<i64: 128>, scalar_prefetch = 0 : i64, scratch_operands = 0 : i64, tpu.core_type = #tpu.core_type<tc>, window_params = [{transform_indices = @transform_0, window_bounds = array<i64: 128, 128>}, {pipeline_mode = #tpu.pipeline_mode<synchronous>, transform_indices = @transform_1, window_bounds = array<i64: 1, 128>}, {pipeline_mode = #tpu.pipeline_mode<synchronous>, transform_indices = @transform_2, window_bounds = array<i64: 1, 128>}, {pipeline_mode = #tpu.pipeline_mode<synchronous>, transform_indices = @transform_3, window_bounds = array<i64: 1, 128>}, {pipeline_mode = #tpu.pipeline_mode<synchronous>, transform_indices = @transform_4, window_bounds = array<i64: 1, 128>}, {transform_indices = @transform_5, window_bounds = array<i64: 128, 128>}]} {
    %get3A = arith.constant 0 : index
    %get3A_0 = arith.constant 0 : index
    %get3A_1 = vector.load %arg1[%get3A, %get3A_0] : memref<128x128xf32, #tpu.memory_space<vmem>>, vector<128x128xf32>
    %get3A_2 = arith.constant 0 : index
    %get3A_3 = arith.constant 0 : index
    %get3A_4 = vector.load %arg2[%get3A_2, %get3A_3] : memref<1x128xf32, #tpu.memory_space<vmem>>, vector<1x128xf32>
    %sub3A = vector.broadcast %get3A_4 : vector<1x128xf32> to vector<128x128xf32>
    %sub3A_5 = arith.subf %get3A_1, %sub3A : vector<128x128xf32>
    %get3A_6 = arith.constant 0 : index
    %get3A_7 = arith.constant 0 : index
    %get3A_8 = vector.load %arg3[%get3A_6, %get3A_7] : memref<1x128xf32, #tpu.memory_space<vmem>>, vector<1x128xf32>
    %add3A = arith.constant 9.99999974E-6 : f32
    %add3A_9 = vector.broadcast %add3A : f32 to vector<1x128xf32>
    %add3A_10 = arith.addf %get3A_8, %add3A_9 : vector<1x128xf32>
    %sqrt3A = math.sqrt %add3A_10 : vector<1x128xf32>
    %div3A = vector.broadcast %sqrt3A : vector<1x128xf32> to vector<128x128xf32>
    %div3A_11 = arith.divf %sub3A_5, %div3A : vector<128x128xf32>
    %get3A_12 = arith.constant 0 : index
    %get3A_13 = arith.constant 0 : index
    %get3A_14 = vector.load %arg4[%get3A_12, %get3A_13] : memref<1x128xf32, #tpu.memory_space<vmem>>, vector<1x128xf32>
    %mul3A = vector.broadcast %get3A_14 : vector<1x128xf32> to vector<128x128xf32>
    %mul3A_15 = arith.mulf %div3A_11, %mul3A : vector<128x128xf32>
    %get3A_16 = arith.constant 0 : index
    %get3A_17 = arith.constant 0 : index
    %get3A_18 = vector.load %arg5[%get3A_16, %get3A_17] : memref<1x128xf32, #tpu.memory_space<vmem>>, vector<1x128xf32>
    %add3A_19 = vector.broadcast %get3A_18 : vector<1x128xf32> to vector<128x128xf32>
    %add3A_20 = arith.addf %mul3A_15, %add3A_19 : vector<128x128xf32>
    %swap3A = arith.constant 0 : index
    %swap3A_21 = arith.constant 0 : index
    %swap3A_22 = vector.load %arg6[%swap3A, %swap3A_21] : memref<128x128xf32, #tpu.memory_space<vmem>>, vector<128x128xf32>
    tpu.vector_store %arg6[%swap3A, %swap3A_21], %add3A_20 {strides = array<i32>} : memref<128x128xf32, #tpu.memory_space<vmem>>, vector<128x128xf32>,
    return
  }
  func.func @transform_0(%arg0: i32) -> (i32, i32) {
    %c0_i32 = arith.constant 0 : i32
    %c0_i32_0 = arith.constant 0 : i32
    return %arg0, %c0_i32 : i32, i32
  }
  func.func @transform_1(%arg0: i32) -> (i32, i32) {
    %c0_i32 = arith.constant 0 : i32
    %c0_i32_0 = arith.constant 0 : i32
    %c0_i32_1 = arith.constant 0 : i32
    return %c0_i32, %c0_i32_0 : i32, i32
  }
  func.func @transform_2(%arg0: i32) -> (i32, i32) {
    %c0_i32 = arith.constant 0 : i32
    %c0_i32_0 = arith.constant 0 : i32
    %c0_i32_1 = arith.constant 0 : i32
    return %c0_i32, %c0_i32_0 : i32, i32
  }
  func.func @transform_3(%arg0: i32) -> (i32, i32) {
    %c0_i32 = arith.constant 0 : i32
    %c0_i32_0 = arith.constant 0 : i32
    %c0_i32_1 = arith.constant 0 : i32
    return %c0_i32, %c0_i32_0 : i32, i32
  }
  func.func @transform_4(%arg0: i32) -> (i32, i32) {
    %c0_i32 = arith.constant 0 : i32
    %c0_i32_0 = arith.constant 0 : i32
    %c0_i32_1 = arith.constant 0 : i32
    return %c0_i32, %c0_i32_0 : i32, i32
  }
  func.func @transform_5(%arg0: i32) -> (i32, i32) {
    %c0_i32 = arith.constant 0 : i32
    %c0_i32_0 = arith.constant 0 : i32
    return %arg0, %c0_i32 : i32, i32
  }
}

module attributes {stable_mosaic.version = 14 : i64} {
  func.func @_knn_body(%arg0: i32, %arg1: memref<64xi32, #tpu.memory_space<smem>>, %arg2: memref<64xi32, #tpu.memory_space<smem>>, %arg3: memref<1x256x1xi32, #tpu.memory_space<vmem>>, %arg4: memref<1x256x1xi32, #tpu.memory_space<vmem>>, %arg5: memref<1x256x1xf32, #tpu.memory_space<vmem>>, %arg6: memref<256x128xf32, #tpu.memory_space<vmem>>, %arg7: memref<16384x128xf32, #tpu.memory_space<any>>, %arg8: memref<64x1x256xf32, #tpu.memory_space<any>>, %arg9: memref<256x8xi32, #tpu.memory_space<vmem>>, %arg10: memref<256x128xf32, #tpu.memory_space<vmem>>, %arg11: memref<1x256xf32, #tpu.memory_space<vmem>>, %arg12: memref<256x8xf32, #tpu.memory_space<vmem>>, %arg13: memref<256x8xi32, #tpu.memory_space<vmem>>, %arg14: memref<!tpu.dma_semaphore, #tpu.memory_space<semaphore_mem>>, %arg15: memref<!tpu.dma_semaphore, #tpu.memory_space<semaphore_mem>>) attributes {dimension_semantics = [#tpu.dimension_semantics<arbitrary>], iteration_bounds = array<i64: 64>, scalar_prefetch = 0 : i64, scratch_operands = 6 : i64, tpu.core_type = #tpu.core_type<tc>, window_params = [{transform_indices = @transform_0, window_bounds = array<i64: 64>}, {transform_indices = @transform_1, window_bounds = array<i64: 64>}, {transform_indices = @transform_2, window_bounds = array<i64: 1, 256, 1>}, {transform_indices = @transform_3, window_bounds = array<i64: 1, 256, 1>}, {transform_indices = @transform_4, window_bounds = array<i64: 1, 256, 1>}, {transform_indices = @transform_5, window_bounds = array<i64: 256, 128>}, {}, {}, {transform_indices = @transform_8, window_bounds = array<i64: 256, 8>}]} {
    %get3A = arith.constant 0 : index
    %get3A_0 = arith.constant 0 : index
    %get3A_1 = vector.load %arg6[%get3A, %get3A_0] : memref<256x128xf32, #tpu.memory_space<vmem>>, vector<256x128xf32>
    %get3A_2 = arith.constant 0 : index
    %get3A_3 = arith.constant 0 : index
    %get3A_4 = arith.constant 0 : index
    %get3A_5 = vector.load %arg5[%get3A_2, %get3A_3, %get3A_4] : memref<1x256x1xf32, #tpu.memory_space<vmem>>, vector<1x256x1xf32>
    %get3A_6 = vector.shape_cast %get3A_5 : vector<1x256x1xf32> to vector<256x1xf32>
    %get3A_7 = arith.constant 0 : index
    %get3A_8 = arith.constant 0 : index
    %get3A_9 = arith.constant 0 : index
    %get3A_10 = vector.load %arg3[%get3A_7, %get3A_8, %get3A_9] : memref<1x256x1xi32, #tpu.memory_space<vmem>>, vector<1x256x1xi32>
    %get3A_11 = vector.shape_cast %get3A_10 : vector<1x256x1xi32> to vector<256x1xi32>
    %get3A_12 = arith.constant 0 : index
    %get3A_13 = arith.constant 0 : index
    %get3A_14 = arith.constant 0 : index
    %get3A_15 = vector.load %arg4[%get3A_12, %get3A_13, %get3A_14] : memref<1x256x1xi32, #tpu.memory_space<vmem>>, vector<1x256x1xi32>
    %get3A_16 = vector.shape_cast %get3A_15 : vector<1x256x1xi32> to vector<256x1xi32>
    %broadcast_in_dim3A = arith.constant 0x7F800000 : f32
    %broadcast_in_dim3A_17 = vector.broadcast %broadcast_in_dim3A : f32 to vector<256x8xf32>
    %swap3A = arith.constant 0 : index
    %swap3A_18 = arith.constant 0 : index
    %swap3A_19 = vector.load %arg12[%swap3A, %swap3A_18] : memref<256x8xf32, #tpu.memory_space<vmem>>, vector<256x8xf32>
    tpu.vector_store %arg12[%swap3A, %swap3A_18], %broadcast_in_dim3A_17 {strides = array<i32>} : memref<256x8xf32, #tpu.memory_space<vmem>>, vector<256x8xf32>,
    %broadcast_in_dim3A_20 = arith.constant 1073741824 : i32
    %broadcast_in_dim3A_21 = vector.broadcast %broadcast_in_dim3A_20 : i32 to vector<256x8xi32>
    %swap3A_22 = arith.constant 0 : index
    %swap3A_23 = arith.constant 0 : index
    %swap3A_24 = vector.load %arg13[%swap3A_22, %swap3A_23] : memref<256x8xi32, #tpu.memory_space<vmem>>, vector<256x8xi32>
    tpu.vector_store %arg13[%swap3A_22, %swap3A_23], %broadcast_in_dim3A_21 {strides = array<i32>} : memref<256x8xi32, #tpu.memory_space<vmem>>, vector<256x8xi32>,
    %get3A_25 = arith.index_cast %arg0 : i32 to index
    %get3A_26 = memref.load %arg1[%get3A_25] : memref<64xi32, #tpu.memory_space<smem>>
    %get3A_27 = arith.index_cast %arg0 : i32 to index
    %get3A_28 = memref.load %arg2[%get3A_27] : memref<64xi32, #tpu.memory_space<smem>>
    %while3A = arith.constant 0 : i32
    %while3A_29 = arith.constant 0 : i32
    %while3A_30 = arith.subi %get3A_28, %while3A_29 : i32
    %while3A_31 = arith.addi %while3A_29, %while3A_30 : i32
    %while3A_32 = arith.constant 1 : i32
    %while3A_33 = arith.divsi %while3A_30, %while3A_32 : i32
    %while3A_34 = arith.muli %while3A_33, %while3A_32 : i32
    %while3A_35 = arith.addi %while3A_29, %while3A_34 : i32
    %while3A_36 = arith.constant 1 : i32
    scf.for %while3A_44 = %while3A_29 to %while3A_35 step %while3A_36  : i32 {
      %add3A = arith.addi %get3A_26, %while3A_44 : i32
      %mul3A = arith.constant 256 : i32
      %mul3A_45 = arith.muli %add3A, %mul3A : i32
      %dma_start3A = arith.constant 0 : i32
      %dma_start3A_46 = tpu.memref_slice %arg7[%mul3A_45, %dma_start3A] : memref<16384x128xf32, #tpu.memory_space<any>> -> memref<256x128xf32, #tpu.memory_space<any>>
      tpu.enqueue_dma source(%dma_start3A_46 : memref<256x128xf32, #tpu.memory_space<any>>) target(%arg10 : memref<256x128xf32, #tpu.memory_space<vmem>>) target_semaphore(%arg14 : memref<!tpu.dma_semaphore, #tpu.memory_space<semaphore_mem>>)
      %dma_start3A_47 = arith.constant 0 : i32
      %dma_start3A_48 = arith.constant 0 : i32
      %dma_start3A_49 = tpu.memref_slice %arg8[%add3A, %dma_start3A_47, %dma_start3A_48] : memref<64x1x256xf32, #tpu.memory_space<any>> -> memref<1x1x256xf32, #tpu.memory_space<any>>
      %dma_start3A_50 = tpu.memref_squeeze %dma_start3A_49 : memref<1x1x256xf32, #tpu.memory_space<any>> -> memref<1x256xf32, #tpu.memory_space<any>>
      tpu.enqueue_dma source(%dma_start3A_50 : memref<1x256xf32, #tpu.memory_space<any>>) target(%arg11 : memref<1x256xf32, #tpu.memory_space<vmem>>) target_semaphore(%arg15 : memref<!tpu.dma_semaphore, #tpu.memory_space<semaphore_mem>>)
      %dma_wait3A = arith.constant 0 : i32
      %dma_wait3A_51 = tpu.memref_slice %arg7[%mul3A_45, %dma_wait3A] : memref<16384x128xf32, #tpu.memory_space<any>> -> memref<256x128xf32, #tpu.memory_space<any>>
      tpu.wait_dma2 semaphore(%arg14 : memref<!tpu.dma_semaphore, #tpu.memory_space<semaphore_mem>>) src(%dma_wait3A_51 : memref<256x128xf32, #tpu.memory_space<any>>) dst(%arg10 : memref<256x128xf32, #tpu.memory_space<vmem>>)
      %dma_wait3A_52 = arith.constant 0 : i32
      %dma_wait3A_53 = arith.constant 0 : i32
      %dma_wait3A_54 = tpu.memref_slice %arg8[%add3A, %dma_wait3A_52, %dma_wait3A_53] : memref<64x1x256xf32, #tpu.memory_space<any>> -> memref<1x1x256xf32, #tpu.memory_space<any>>
      %dma_wait3A_55 = tpu.memref_squeeze %dma_wait3A_54 : memref<1x1x256xf32, #tpu.memory_space<any>> -> memref<1x256xf32, #tpu.memory_space<any>>
      tpu.wait_dma2 semaphore(%arg15 : memref<!tpu.dma_semaphore, #tpu.memory_space<semaphore_mem>>) src(%dma_wait3A_55 : memref<1x256xf32, #tpu.memory_space<any>>) dst(%arg11 : memref<1x256xf32, #tpu.memory_space<vmem>>)
      %get3A_56 = arith.constant 0 : index
      %get3A_57 = arith.constant 0 : index
      %get3A_58 = vector.load %arg10[%get3A_56, %get3A_57] : memref<256x128xf32, #tpu.memory_space<vmem>>, vector<256x128xf32>
      %dot_general3A = arith.constant dense<0.000000e+00> : vector<256x256xf32>
      %dot_general3A_59 = tpu.matmul %get3A_1, %get3A_58, %dot_general3A {dimension_numbers = #tpu.dot_dimension_numbers<[1], [1], [0], [0], [0, 0, 1, 0], [], []>, transpose_lhs_hint = false} : vector<256x128xf32>, vector<256x128xf32>, vector<256x256xf32> -> vector<256x256xf32>
      %get3A_60 = arith.constant 0 : index
      %get3A_61 = arith.constant 0 : index
      %get3A_62 = vector.load %arg11[%get3A_60, %get3A_61] : memref<1x256xf32, #tpu.memory_space<vmem>>, vector<1x256xf32>
      %add3A_63 = vector.broadcast %get3A_6 : vector<256x1xf32> to vector<256x256xf32>
      %add3A_64 = vector.broadcast %get3A_62 : vector<1x256xf32> to vector<256x256xf32>
      %add3A_65 = arith.addf %add3A_63, %add3A_64 : vector<256x256xf32>
      %mul3A_66 = arith.constant 2.000000e+00 : f32
      %mul3A_67 = vector.broadcast %mul3A_66 : f32 to vector<256x256xf32>
      %mul3A_68 = arith.mulf %mul3A_67, %dot_general3A_59 : vector<256x256xf32>
      %sub3A = arith.subf %add3A_65, %mul3A_68 : vector<256x256xf32>
      %mul3A_69 = arith.constant 256 : i32
      %mul3A_70 = arith.muli %add3A, %mul3A_69 : i32
      %iota3A = tpu.iota {dimensions = array<i32: 1>} : vector<256x256xi32>
      %add3A_71 = vector.broadcast %mul3A_70 : i32 to vector<256x256xi32>
      %add3A_72 = arith.addi %add3A_71, %iota3A : vector<256x256xi32>
      %ge3A = vector.broadcast %get3A_11 : vector<256x1xi32> to vector<256x256xi32>
      %ge3A_73 = arith.cmpi sge, %add3A_72, %ge3A : vector<256x256xi32>
      %lt3A = vector.broadcast %get3A_16 : vector<256x1xi32> to vector<256x256xi32>
      %lt3A_74 = arith.cmpi slt, %add3A_72, %lt3A : vector<256x256xi32>
      %and3A = arith.andi %ge3A_73, %lt3A_74 : vector<256x256xi1>
      %jit3A = arith.constant 0x7F800000 : f32
      %broadcast_in_dim3A_75 = vector.broadcast %jit3A : f32 to vector<256x256xf32>
      %select_n3A = arith.select %and3A, %sub3A, %broadcast_in_dim3A_75 : vector<256x256xi1>, vector<256x256xf32>
      %get3A_76 = arith.constant 0 : index
      %get3A_77 = arith.constant 0 : index
      %get3A_78 = vector.load %arg12[%get3A_76, %get3A_77] : memref<256x8xf32, #tpu.memory_space<vmem>>, vector<256x8xf32>
      %concatenate3A = tpu.concatenate %get3A_78, %select_n3A in 1 : vector<256x8xf32>, vector<256x256xf32> -> vector<256x264xf32>
      %get3A_79 = arith.constant 0 : index
      %get3A_80 = arith.constant 0 : index
      %get3A_81 = vector.load %arg13[%get3A_79, %get3A_80] : memref<256x8xi32, #tpu.memory_space<vmem>>, vector<256x8xi32>
      %concatenate3A_82 = tpu.concatenate %get3A_81, %add3A_72 in 1 : vector<256x8xi32>, vector<256x256xi32> -> vector<256x264xi32>
      %reduce_min3A = arith.constant dense<0x7F800000> : vector<256xf32>
      %reduce_min3A_83 = vector.multi_reduction <minimumf>, %concatenate3A, %reduce_min3A [1] : vector<256x264xf32> to vector<256xf32>
      %broadcast_in_dim3A_84 = vector.shape_cast %reduce_min3A_83 : vector<256xf32> to vector<256x1xf32>
      %eq3A = vector.broadcast %broadcast_in_dim3A_84 : vector<256x1xf32> to vector<256x264xf32>
      %eq3A_85 = arith.cmpf oeq, %concatenate3A, %eq3A : vector<256x264xf32>
      %jit3A_86 = arith.constant 1073741824 : i32
      %broadcast_in_dim3A_87 = vector.broadcast %jit3A_86 : i32 to vector<256x264xi32>
      %select_n3A_88 = arith.select %eq3A_85, %concatenate3A_82, %broadcast_in_dim3A_87 : vector<256x264xi1>, vector<256x264xi32>
      %reduce_min3A_89 = arith.constant dense<2147483647> : vector<256xi32>
      %reduce_min3A_90 = vector.multi_reduction <minsi>, %select_n3A_88, %reduce_min3A_89 [1] : vector<256x264xi32> to vector<256xi32>
      %broadcast_in_dim3A_91 = vector.shape_cast %reduce_min3A_90 : vector<256xi32> to vector<256x1xi32>
      %eq3A_92 = vector.broadcast %broadcast_in_dim3A_91 : vector<256x1xi32> to vector<256x264xi32>
      %eq3A_93 = arith.cmpi eq, %concatenate3A_82, %eq3A_92 : vector<256x264xi32>
      %and3A_94 = arith.andi %eq3A_85, %eq3A_93 : vector<256x264xi1>
      %jit3A_95 = arith.constant 0x7F800000 : f32
      %broadcast_in_dim3A_96 = vector.broadcast %jit3A_95 : f32 to vector<256x264xf32>
      %select_n3A_97 = arith.select %and3A_94, %broadcast_in_dim3A_96, %concatenate3A : vector<256x264xi1>, vector<256x264xf32>
      %reduce_min3A_98 = arith.constant dense<0x7F800000> : vector<256xf32>
      %reduce_min3A_99 = vector.multi_reduction <minimumf>, %select_n3A_97, %reduce_min3A_98 [1] : vector<256x264xf32> to vector<256xf32>
      %broadcast_in_dim3A_100 = vector.shape_cast %reduce_min3A_99 : vector<256xf32> to vector<256x1xf32>
      %eq3A_101 = vector.broadcast %broadcast_in_dim3A_100 : vector<256x1xf32> to vector<256x264xf32>
      %eq3A_102 = arith.cmpf oeq, %select_n3A_97, %eq3A_101 : vector<256x264xf32>
      %jit3A_103 = arith.constant 1073741824 : i32
      %broadcast_in_dim3A_104 = vector.broadcast %jit3A_103 : i32 to vector<256x264xi32>
      %select_n3A_105 = arith.select %eq3A_102, %concatenate3A_82, %broadcast_in_dim3A_104 : vector<256x264xi1>, vector<256x264xi32>
      %reduce_min3A_106 = arith.constant dense<2147483647> : vector<256xi32>
      %reduce_min3A_107 = vector.multi_reduction <minsi>, %select_n3A_105, %reduce_min3A_106 [1] : vector<256x264xi32> to vector<256xi32>
      %broadcast_in_dim3A_108 = vector.shape_cast %reduce_min3A_107 : vector<256xi32> to vector<256x1xi32>
      %eq3A_109 = vector.broadcast %broadcast_in_dim3A_108 : vector<256x1xi32> to vector<256x264xi32>
      %eq3A_110 = arith.cmpi eq, %concatenate3A_82, %eq3A_109 : vector<256x264xi32>
      %and3A_111 = arith.andi %eq3A_102, %eq3A_110 : vector<256x264xi1>
      %jit3A_112 = arith.constant 0x7F800000 : f32
      %broadcast_in_dim3A_113 = vector.broadcast %jit3A_112 : f32 to vector<256x264xf32>
      %select_n3A_114 = arith.select %and3A_111, %broadcast_in_dim3A_113, %select_n3A_97 : vector<256x264xi1>, vector<256x264xf32>
      %reduce_min3A_115 = arith.constant dense<0x7F800000> : vector<256xf32>
      %reduce_min3A_116 = vector.multi_reduction <minimumf>, %select_n3A_114, %reduce_min3A_115 [1] : vector<256x264xf32> to vector<256xf32>
      %broadcast_in_dim3A_117 = vector.shape_cast %reduce_min3A_116 : vector<256xf32> to vector<256x1xf32>
      %eq3A_118 = vector.broadcast %broadcast_in_dim3A_117 : vector<256x1xf32> to vector<256x264xf32>
      %eq3A_119 = arith.cmpf oeq, %select_n3A_114, %eq3A_118 : vector<256x264xf32>
      %jit3A_120 = arith.constant 1073741824 : i32
      %broadcast_in_dim3A_121 = vector.broadcast %jit3A_120 : i32 to vector<256x264xi32>
      %select_n3A_122 = arith.select %eq3A_119, %concatenate3A_82, %broadcast_in_dim3A_121 : vector<256x264xi1>, vector<256x264xi32>
      %reduce_min3A_123 = arith.constant dense<2147483647> : vector<256xi32>
      %reduce_min3A_124 = vector.multi_reduction <minsi>, %select_n3A_122, %reduce_min3A_123 [1] : vector<256x264xi32> to vector<256xi32>
      %broadcast_in_dim3A_125 = vector.shape_cast %reduce_min3A_124 : vector<256xi32> to vector<256x1xi32>
      %eq3A_126 = vector.broadcast %broadcast_in_dim3A_125 : vector<256x1xi32> to vector<256x264xi32>
      %eq3A_127 = arith.cmpi eq, %concatenate3A_82, %eq3A_126 : vector<256x264xi32>
      %and3A_128 = arith.andi %eq3A_119, %eq3A_127 : vector<256x264xi1>
      %jit3A_129 = arith.constant 0x7F800000 : f32
      %broadcast_in_dim3A_130 = vector.broadcast %jit3A_129 : f32 to vector<256x264xf32>
      %select_n3A_131 = arith.select %and3A_128, %broadcast_in_dim3A_130, %select_n3A_114 : vector<256x264xi1>, vector<256x264xf32>
      %reduce_min3A_132 = arith.constant dense<0x7F800000> : vector<256xf32>
      %reduce_min3A_133 = vector.multi_reduction <minimumf>, %select_n3A_131, %reduce_min3A_132 [1] : vector<256x264xf32> to vector<256xf32>
      %broadcast_in_dim3A_134 = vector.shape_cast %reduce_min3A_133 : vector<256xf32> to vector<256x1xf32>
      %eq3A_135 = vector.broadcast %broadcast_in_dim3A_134 : vector<256x1xf32> to vector<256x264xf32>
      %eq3A_136 = arith.cmpf oeq, %select_n3A_131, %eq3A_135 : vector<256x264xf32>
      %jit3A_137 = arith.constant 1073741824 : i32
      %broadcast_in_dim3A_138 = vector.broadcast %jit3A_137 : i32 to vector<256x264xi32>
      %select_n3A_139 = arith.select %eq3A_136, %concatenate3A_82, %broadcast_in_dim3A_138 : vector<256x264xi1>, vector<256x264xi32>
      %reduce_min3A_140 = arith.constant dense<2147483647> : vector<256xi32>
      %reduce_min3A_141 = vector.multi_reduction <minsi>, %select_n3A_139, %reduce_min3A_140 [1] : vector<256x264xi32> to vector<256xi32>
      %broadcast_in_dim3A_142 = vector.shape_cast %reduce_min3A_141 : vector<256xi32> to vector<256x1xi32>
      %eq3A_143 = vector.broadcast %broadcast_in_dim3A_142 : vector<256x1xi32> to vector<256x264xi32>
      %eq3A_144 = arith.cmpi eq, %concatenate3A_82, %eq3A_143 : vector<256x264xi32>
      %and3A_145 = arith.andi %eq3A_136, %eq3A_144 : vector<256x264xi1>
      %jit3A_146 = arith.constant 0x7F800000 : f32
      %broadcast_in_dim3A_147 = vector.broadcast %jit3A_146 : f32 to vector<256x264xf32>
      %select_n3A_148 = arith.select %and3A_145, %broadcast_in_dim3A_147, %select_n3A_131 : vector<256x264xi1>, vector<256x264xf32>
      %reduce_min3A_149 = arith.constant dense<0x7F800000> : vector<256xf32>
      %reduce_min3A_150 = vector.multi_reduction <minimumf>, %select_n3A_148, %reduce_min3A_149 [1] : vector<256x264xf32> to vector<256xf32>
      %broadcast_in_dim3A_151 = vector.shape_cast %reduce_min3A_150 : vector<256xf32> to vector<256x1xf32>
      %eq3A_152 = vector.broadcast %broadcast_in_dim3A_151 : vector<256x1xf32> to vector<256x264xf32>
      %eq3A_153 = arith.cmpf oeq, %select_n3A_148, %eq3A_152 : vector<256x264xf32>
      %jit3A_154 = arith.constant 1073741824 : i32
      %broadcast_in_dim3A_155 = vector.broadcast %jit3A_154 : i32 to vector<256x264xi32>
      %select_n3A_156 = arith.select %eq3A_153, %concatenate3A_82, %broadcast_in_dim3A_155 : vector<256x264xi1>, vector<256x264xi32>
      %reduce_min3A_157 = arith.constant dense<2147483647> : vector<256xi32>
      %reduce_min3A_158 = vector.multi_reduction <minsi>, %select_n3A_156, %reduce_min3A_157 [1] : vector<256x264xi32> to vector<256xi32>
      %broadcast_in_dim3A_159 = vector.shape_cast %reduce_min3A_158 : vector<256xi32> to vector<256x1xi32>
      %eq3A_160 = vector.broadcast %broadcast_in_dim3A_159 : vector<256x1xi32> to vector<256x264xi32>
      %eq3A_161 = arith.cmpi eq, %concatenate3A_82, %eq3A_160 : vector<256x264xi32>
      %and3A_162 = arith.andi %eq3A_153, %eq3A_161 : vector<256x264xi1>
      %jit3A_163 = arith.constant 0x7F800000 : f32
      %broadcast_in_dim3A_164 = vector.broadcast %jit3A_163 : f32 to vector<256x264xf32>
      %select_n3A_165 = arith.select %and3A_162, %broadcast_in_dim3A_164, %select_n3A_148 : vector<256x264xi1>, vector<256x264xf32>
      %broadcast_in_dim3A_166 = arith.constant 0x7F800000 : f32
      %broadcast_in_dim3A_167 = vector.broadcast %broadcast_in_dim3A_166 : f32 to vector<256x3xf32>
      %broadcast_in_dim3A_168 = arith.constant 1073741824 : i32
      %broadcast_in_dim3A_169 = vector.broadcast %broadcast_in_dim3A_168 : i32 to vector<256x3xi32>
      %concatenate3A_170 = tpu.concatenate %broadcast_in_dim3A_84, %broadcast_in_dim3A_100, %broadcast_in_dim3A_117, %broadcast_in_dim3A_134, %broadcast_in_dim3A_151, %broadcast_in_dim3A_167 in 1 : vector<256x1xf32>, vector<256x1xf32>, vector<256x1xf32>, vector<256x1xf32>, vector<256x1xf32>, vector<256x3xf32> -> vector<256x8xf32>
      %swap3A_171 = arith.constant 0 : index
      %swap3A_172 = arith.constant 0 : index
      %swap3A_173 = vector.load %arg12[%swap3A_171, %swap3A_172] : memref<256x8xf32, #tpu.memory_space<vmem>>, vector<256x8xf32>
      tpu.vector_store %arg12[%swap3A_171, %swap3A_172], %concatenate3A_170 {strides = array<i32>} : memref<256x8xf32, #tpu.memory_space<vmem>>, vector<256x8xf32>,
      %concatenate3A_174 = tpu.concatenate %broadcast_in_dim3A_91, %broadcast_in_dim3A_108, %broadcast_in_dim3A_125, %broadcast_in_dim3A_142, %broadcast_in_dim3A_159, %broadcast_in_dim3A_169 in 1 : vector<256x1xi32>, vector<256x1xi32>, vector<256x1xi32>, vector<256x1xi32>, vector<256x1xi32>, vector<256x3xi32> -> vector<256x8xi32>
      %swap3A_175 = arith.constant 0 : index
      %swap3A_176 = arith.constant 0 : index
      %swap3A_177 = vector.load %arg13[%swap3A_175, %swap3A_176] : memref<256x8xi32, #tpu.memory_space<vmem>>, vector<256x8xi32>
      tpu.vector_store %arg13[%swap3A_175, %swap3A_176], %concatenate3A_174 {strides = array<i32>} : memref<256x8xi32, #tpu.memory_space<vmem>>, vector<256x8xi32>,
    }
    %while3A_37 = arith.constant 1 : i32
    scf.for %while3A_44 = %while3A_35 to %while3A_31 step %while3A_37  : i32 {
      %add3A = arith.addi %get3A_26, %while3A_44 : i32
      %mul3A = arith.constant 256 : i32
      %mul3A_45 = arith.muli %add3A, %mul3A : i32
      %dma_start3A = arith.constant 0 : i32
      %dma_start3A_46 = tpu.memref_slice %arg7[%mul3A_45, %dma_start3A] : memref<16384x128xf32, #tpu.memory_space<any>> -> memref<256x128xf32, #tpu.memory_space<any>>
      tpu.enqueue_dma source(%dma_start3A_46 : memref<256x128xf32, #tpu.memory_space<any>>) target(%arg10 : memref<256x128xf32, #tpu.memory_space<vmem>>) target_semaphore(%arg14 : memref<!tpu.dma_semaphore, #tpu.memory_space<semaphore_mem>>)
      %dma_start3A_47 = arith.constant 0 : i32
      %dma_start3A_48 = arith.constant 0 : i32
      %dma_start3A_49 = tpu.memref_slice %arg8[%add3A, %dma_start3A_47, %dma_start3A_48] : memref<64x1x256xf32, #tpu.memory_space<any>> -> memref<1x1x256xf32, #tpu.memory_space<any>>
      %dma_start3A_50 = tpu.memref_squeeze %dma_start3A_49 : memref<1x1x256xf32, #tpu.memory_space<any>> -> memref<1x256xf32, #tpu.memory_space<any>>
      tpu.enqueue_dma source(%dma_start3A_50 : memref<1x256xf32, #tpu.memory_space<any>>) target(%arg11 : memref<1x256xf32, #tpu.memory_space<vmem>>) target_semaphore(%arg15 : memref<!tpu.dma_semaphore, #tpu.memory_space<semaphore_mem>>)
      %dma_wait3A = arith.constant 0 : i32
      %dma_wait3A_51 = tpu.memref_slice %arg7[%mul3A_45, %dma_wait3A] : memref<16384x128xf32, #tpu.memory_space<any>> -> memref<256x128xf32, #tpu.memory_space<any>>
      tpu.wait_dma2 semaphore(%arg14 : memref<!tpu.dma_semaphore, #tpu.memory_space<semaphore_mem>>) src(%dma_wait3A_51 : memref<256x128xf32, #tpu.memory_space<any>>) dst(%arg10 : memref<256x128xf32, #tpu.memory_space<vmem>>)
      %dma_wait3A_52 = arith.constant 0 : i32
      %dma_wait3A_53 = arith.constant 0 : i32
      %dma_wait3A_54 = tpu.memref_slice %arg8[%add3A, %dma_wait3A_52, %dma_wait3A_53] : memref<64x1x256xf32, #tpu.memory_space<any>> -> memref<1x1x256xf32, #tpu.memory_space<any>>
      %dma_wait3A_55 = tpu.memref_squeeze %dma_wait3A_54 : memref<1x1x256xf32, #tpu.memory_space<any>> -> memref<1x256xf32, #tpu.memory_space<any>>
      tpu.wait_dma2 semaphore(%arg15 : memref<!tpu.dma_semaphore, #tpu.memory_space<semaphore_mem>>) src(%dma_wait3A_55 : memref<1x256xf32, #tpu.memory_space<any>>) dst(%arg11 : memref<1x256xf32, #tpu.memory_space<vmem>>)
      %get3A_56 = arith.constant 0 : index
      %get3A_57 = arith.constant 0 : index
      %get3A_58 = vector.load %arg10[%get3A_56, %get3A_57] : memref<256x128xf32, #tpu.memory_space<vmem>>, vector<256x128xf32>
      %dot_general3A = arith.constant dense<0.000000e+00> : vector<256x256xf32>
      %dot_general3A_59 = tpu.matmul %get3A_1, %get3A_58, %dot_general3A {dimension_numbers = #tpu.dot_dimension_numbers<[1], [1], [0], [0], [0, 0, 1, 0], [], []>, transpose_lhs_hint = false} : vector<256x128xf32>, vector<256x128xf32>, vector<256x256xf32> -> vector<256x256xf32>
      %get3A_60 = arith.constant 0 : index
      %get3A_61 = arith.constant 0 : index
      %get3A_62 = vector.load %arg11[%get3A_60, %get3A_61] : memref<1x256xf32, #tpu.memory_space<vmem>>, vector<1x256xf32>
      %add3A_63 = vector.broadcast %get3A_6 : vector<256x1xf32> to vector<256x256xf32>
      %add3A_64 = vector.broadcast %get3A_62 : vector<1x256xf32> to vector<256x256xf32>
      %add3A_65 = arith.addf %add3A_63, %add3A_64 : vector<256x256xf32>
      %mul3A_66 = arith.constant 2.000000e+00 : f32
      %mul3A_67 = vector.broadcast %mul3A_66 : f32 to vector<256x256xf32>
      %mul3A_68 = arith.mulf %mul3A_67, %dot_general3A_59 : vector<256x256xf32>
      %sub3A = arith.subf %add3A_65, %mul3A_68 : vector<256x256xf32>
      %mul3A_69 = arith.constant 256 : i32
      %mul3A_70 = arith.muli %add3A, %mul3A_69 : i32
      %iota3A = tpu.iota {dimensions = array<i32: 1>} : vector<256x256xi32>
      %add3A_71 = vector.broadcast %mul3A_70 : i32 to vector<256x256xi32>
      %add3A_72 = arith.addi %add3A_71, %iota3A : vector<256x256xi32>
      %ge3A = vector.broadcast %get3A_11 : vector<256x1xi32> to vector<256x256xi32>
      %ge3A_73 = arith.cmpi sge, %add3A_72, %ge3A : vector<256x256xi32>
      %lt3A = vector.broadcast %get3A_16 : vector<256x1xi32> to vector<256x256xi32>
      %lt3A_74 = arith.cmpi slt, %add3A_72, %lt3A : vector<256x256xi32>
      %and3A = arith.andi %ge3A_73, %lt3A_74 : vector<256x256xi1>
      %jit3A = arith.constant 0x7F800000 : f32
      %broadcast_in_dim3A_75 = vector.broadcast %jit3A : f32 to vector<256x256xf32>
      %select_n3A = arith.select %and3A, %sub3A, %broadcast_in_dim3A_75 : vector<256x256xi1>, vector<256x256xf32>
      %get3A_76 = arith.constant 0 : index
      %get3A_77 = arith.constant 0 : index
      %get3A_78 = vector.load %arg12[%get3A_76, %get3A_77] : memref<256x8xf32, #tpu.memory_space<vmem>>, vector<256x8xf32>
      %concatenate3A = tpu.concatenate %get3A_78, %select_n3A in 1 : vector<256x8xf32>, vector<256x256xf32> -> vector<256x264xf32>
      %get3A_79 = arith.constant 0 : index
      %get3A_80 = arith.constant 0 : index
      %get3A_81 = vector.load %arg13[%get3A_79, %get3A_80] : memref<256x8xi32, #tpu.memory_space<vmem>>, vector<256x8xi32>
      %concatenate3A_82 = tpu.concatenate %get3A_81, %add3A_72 in 1 : vector<256x8xi32>, vector<256x256xi32> -> vector<256x264xi32>
      %reduce_min3A = arith.constant dense<0x7F800000> : vector<256xf32>
      %reduce_min3A_83 = vector.multi_reduction <minimumf>, %concatenate3A, %reduce_min3A [1] : vector<256x264xf32> to vector<256xf32>
      %broadcast_in_dim3A_84 = vector.shape_cast %reduce_min3A_83 : vector<256xf32> to vector<256x1xf32>
      %eq3A = vector.broadcast %broadcast_in_dim3A_84 : vector<256x1xf32> to vector<256x264xf32>
      %eq3A_85 = arith.cmpf oeq, %concatenate3A, %eq3A : vector<256x264xf32>
      %jit3A_86 = arith.constant 1073741824 : i32
      %broadcast_in_dim3A_87 = vector.broadcast %jit3A_86 : i32 to vector<256x264xi32>
      %select_n3A_88 = arith.select %eq3A_85, %concatenate3A_82, %broadcast_in_dim3A_87 : vector<256x264xi1>, vector<256x264xi32>
      %reduce_min3A_89 = arith.constant dense<2147483647> : vector<256xi32>
      %reduce_min3A_90 = vector.multi_reduction <minsi>, %select_n3A_88, %reduce_min3A_89 [1] : vector<256x264xi32> to vector<256xi32>
      %broadcast_in_dim3A_91 = vector.shape_cast %reduce_min3A_90 : vector<256xi32> to vector<256x1xi32>
      %eq3A_92 = vector.broadcast %broadcast_in_dim3A_91 : vector<256x1xi32> to vector<256x264xi32>
      %eq3A_93 = arith.cmpi eq, %concatenate3A_82, %eq3A_92 : vector<256x264xi32>
      %and3A_94 = arith.andi %eq3A_85, %eq3A_93 : vector<256x264xi1>
      %jit3A_95 = arith.constant 0x7F800000 : f32
      %broadcast_in_dim3A_96 = vector.broadcast %jit3A_95 : f32 to vector<256x264xf32>
      %select_n3A_97 = arith.select %and3A_94, %broadcast_in_dim3A_96, %concatenate3A : vector<256x264xi1>, vector<256x264xf32>
      %reduce_min3A_98 = arith.constant dense<0x7F800000> : vector<256xf32>
      %reduce_min3A_99 = vector.multi_reduction <minimumf>, %select_n3A_97, %reduce_min3A_98 [1] : vector<256x264xf32> to vector<256xf32>
      %broadcast_in_dim3A_100 = vector.shape_cast %reduce_min3A_99 : vector<256xf32> to vector<256x1xf32>
      %eq3A_101 = vector.broadcast %broadcast_in_dim3A_100 : vector<256x1xf32> to vector<256x264xf32>
      %eq3A_102 = arith.cmpf oeq, %select_n3A_97, %eq3A_101 : vector<256x264xf32>
      %jit3A_103 = arith.constant 1073741824 : i32
      %broadcast_in_dim3A_104 = vector.broadcast %jit3A_103 : i32 to vector<256x264xi32>
      %select_n3A_105 = arith.select %eq3A_102, %concatenate3A_82, %broadcast_in_dim3A_104 : vector<256x264xi1>, vector<256x264xi32>
      %reduce_min3A_106 = arith.constant dense<2147483647> : vector<256xi32>
      %reduce_min3A_107 = vector.multi_reduction <minsi>, %select_n3A_105, %reduce_min3A_106 [1] : vector<256x264xi32> to vector<256xi32>
      %broadcast_in_dim3A_108 = vector.shape_cast %reduce_min3A_107 : vector<256xi32> to vector<256x1xi32>
      %eq3A_109 = vector.broadcast %broadcast_in_dim3A_108 : vector<256x1xi32> to vector<256x264xi32>
      %eq3A_110 = arith.cmpi eq, %concatenate3A_82, %eq3A_109 : vector<256x264xi32>
      %and3A_111 = arith.andi %eq3A_102, %eq3A_110 : vector<256x264xi1>
      %jit3A_112 = arith.constant 0x7F800000 : f32
      %broadcast_in_dim3A_113 = vector.broadcast %jit3A_112 : f32 to vector<256x264xf32>
      %select_n3A_114 = arith.select %and3A_111, %broadcast_in_dim3A_113, %select_n3A_97 : vector<256x264xi1>, vector<256x264xf32>
      %reduce_min3A_115 = arith.constant dense<0x7F800000> : vector<256xf32>
      %reduce_min3A_116 = vector.multi_reduction <minimumf>, %select_n3A_114, %reduce_min3A_115 [1] : vector<256x264xf32> to vector<256xf32>
      %broadcast_in_dim3A_117 = vector.shape_cast %reduce_min3A_116 : vector<256xf32> to vector<256x1xf32>
      %eq3A_118 = vector.broadcast %broadcast_in_dim3A_117 : vector<256x1xf32> to vector<256x264xf32>
      %eq3A_119 = arith.cmpf oeq, %select_n3A_114, %eq3A_118 : vector<256x264xf32>
      %jit3A_120 = arith.constant 1073741824 : i32
      %broadcast_in_dim3A_121 = vector.broadcast %jit3A_120 : i32 to vector<256x264xi32>
      %select_n3A_122 = arith.select %eq3A_119, %concatenate3A_82, %broadcast_in_dim3A_121 : vector<256x264xi1>, vector<256x264xi32>
      %reduce_min3A_123 = arith.constant dense<2147483647> : vector<256xi32>
      %reduce_min3A_124 = vector.multi_reduction <minsi>, %select_n3A_122, %reduce_min3A_123 [1] : vector<256x264xi32> to vector<256xi32>
      %broadcast_in_dim3A_125 = vector.shape_cast %reduce_min3A_124 : vector<256xi32> to vector<256x1xi32>
      %eq3A_126 = vector.broadcast %broadcast_in_dim3A_125 : vector<256x1xi32> to vector<256x264xi32>
      %eq3A_127 = arith.cmpi eq, %concatenate3A_82, %eq3A_126 : vector<256x264xi32>
      %and3A_128 = arith.andi %eq3A_119, %eq3A_127 : vector<256x264xi1>
      %jit3A_129 = arith.constant 0x7F800000 : f32
      %broadcast_in_dim3A_130 = vector.broadcast %jit3A_129 : f32 to vector<256x264xf32>
      %select_n3A_131 = arith.select %and3A_128, %broadcast_in_dim3A_130, %select_n3A_114 : vector<256x264xi1>, vector<256x264xf32>
      %reduce_min3A_132 = arith.constant dense<0x7F800000> : vector<256xf32>
      %reduce_min3A_133 = vector.multi_reduction <minimumf>, %select_n3A_131, %reduce_min3A_132 [1] : vector<256x264xf32> to vector<256xf32>
      %broadcast_in_dim3A_134 = vector.shape_cast %reduce_min3A_133 : vector<256xf32> to vector<256x1xf32>
      %eq3A_135 = vector.broadcast %broadcast_in_dim3A_134 : vector<256x1xf32> to vector<256x264xf32>
      %eq3A_136 = arith.cmpf oeq, %select_n3A_131, %eq3A_135 : vector<256x264xf32>
      %jit3A_137 = arith.constant 1073741824 : i32
      %broadcast_in_dim3A_138 = vector.broadcast %jit3A_137 : i32 to vector<256x264xi32>
      %select_n3A_139 = arith.select %eq3A_136, %concatenate3A_82, %broadcast_in_dim3A_138 : vector<256x264xi1>, vector<256x264xi32>
      %reduce_min3A_140 = arith.constant dense<2147483647> : vector<256xi32>
      %reduce_min3A_141 = vector.multi_reduction <minsi>, %select_n3A_139, %reduce_min3A_140 [1] : vector<256x264xi32> to vector<256xi32>
      %broadcast_in_dim3A_142 = vector.shape_cast %reduce_min3A_141 : vector<256xi32> to vector<256x1xi32>
      %eq3A_143 = vector.broadcast %broadcast_in_dim3A_142 : vector<256x1xi32> to vector<256x264xi32>
      %eq3A_144 = arith.cmpi eq, %concatenate3A_82, %eq3A_143 : vector<256x264xi32>
      %and3A_145 = arith.andi %eq3A_136, %eq3A_144 : vector<256x264xi1>
      %jit3A_146 = arith.constant 0x7F800000 : f32
      %broadcast_in_dim3A_147 = vector.broadcast %jit3A_146 : f32 to vector<256x264xf32>
      %select_n3A_148 = arith.select %and3A_145, %broadcast_in_dim3A_147, %select_n3A_131 : vector<256x264xi1>, vector<256x264xf32>
      %reduce_min3A_149 = arith.constant dense<0x7F800000> : vector<256xf32>
      %reduce_min3A_150 = vector.multi_reduction <minimumf>, %select_n3A_148, %reduce_min3A_149 [1] : vector<256x264xf32> to vector<256xf32>
      %broadcast_in_dim3A_151 = vector.shape_cast %reduce_min3A_150 : vector<256xf32> to vector<256x1xf32>
      %eq3A_152 = vector.broadcast %broadcast_in_dim3A_151 : vector<256x1xf32> to vector<256x264xf32>
      %eq3A_153 = arith.cmpf oeq, %select_n3A_148, %eq3A_152 : vector<256x264xf32>
      %jit3A_154 = arith.constant 1073741824 : i32
      %broadcast_in_dim3A_155 = vector.broadcast %jit3A_154 : i32 to vector<256x264xi32>
      %select_n3A_156 = arith.select %eq3A_153, %concatenate3A_82, %broadcast_in_dim3A_155 : vector<256x264xi1>, vector<256x264xi32>
      %reduce_min3A_157 = arith.constant dense<2147483647> : vector<256xi32>
      %reduce_min3A_158 = vector.multi_reduction <minsi>, %select_n3A_156, %reduce_min3A_157 [1] : vector<256x264xi32> to vector<256xi32>
      %broadcast_in_dim3A_159 = vector.shape_cast %reduce_min3A_158 : vector<256xi32> to vector<256x1xi32>
      %eq3A_160 = vector.broadcast %broadcast_in_dim3A_159 : vector<256x1xi32> to vector<256x264xi32>
      %eq3A_161 = arith.cmpi eq, %concatenate3A_82, %eq3A_160 : vector<256x264xi32>
      %and3A_162 = arith.andi %eq3A_153, %eq3A_161 : vector<256x264xi1>
      %jit3A_163 = arith.constant 0x7F800000 : f32
      %broadcast_in_dim3A_164 = vector.broadcast %jit3A_163 : f32 to vector<256x264xf32>
      %select_n3A_165 = arith.select %and3A_162, %broadcast_in_dim3A_164, %select_n3A_148 : vector<256x264xi1>, vector<256x264xf32>
      %broadcast_in_dim3A_166 = arith.constant 0x7F800000 : f32
      %broadcast_in_dim3A_167 = vector.broadcast %broadcast_in_dim3A_166 : f32 to vector<256x3xf32>
      %broadcast_in_dim3A_168 = arith.constant 1073741824 : i32
      %broadcast_in_dim3A_169 = vector.broadcast %broadcast_in_dim3A_168 : i32 to vector<256x3xi32>
      %concatenate3A_170 = tpu.concatenate %broadcast_in_dim3A_84, %broadcast_in_dim3A_100, %broadcast_in_dim3A_117, %broadcast_in_dim3A_134, %broadcast_in_dim3A_151, %broadcast_in_dim3A_167 in 1 : vector<256x1xf32>, vector<256x1xf32>, vector<256x1xf32>, vector<256x1xf32>, vector<256x1xf32>, vector<256x3xf32> -> vector<256x8xf32>
      %swap3A_171 = arith.constant 0 : index
      %swap3A_172 = arith.constant 0 : index
      %swap3A_173 = vector.load %arg12[%swap3A_171, %swap3A_172] : memref<256x8xf32, #tpu.memory_space<vmem>>, vector<256x8xf32>
      tpu.vector_store %arg12[%swap3A_171, %swap3A_172], %concatenate3A_170 {strides = array<i32>} : memref<256x8xf32, #tpu.memory_space<vmem>>, vector<256x8xf32>,
      %concatenate3A_174 = tpu.concatenate %broadcast_in_dim3A_91, %broadcast_in_dim3A_108, %broadcast_in_dim3A_125, %broadcast_in_dim3A_142, %broadcast_in_dim3A_159, %broadcast_in_dim3A_169 in 1 : vector<256x1xi32>, vector<256x1xi32>, vector<256x1xi32>, vector<256x1xi32>, vector<256x1xi32>, vector<256x3xi32> -> vector<256x8xi32>
      %swap3A_175 = arith.constant 0 : index
      %swap3A_176 = arith.constant 0 : index
      %swap3A_177 = vector.load %arg13[%swap3A_175, %swap3A_176] : memref<256x8xi32, #tpu.memory_space<vmem>>, vector<256x8xi32>
      tpu.vector_store %arg13[%swap3A_175, %swap3A_176], %concatenate3A_174 {strides = array<i32>} : memref<256x8xi32, #tpu.memory_space<vmem>>, vector<256x8xi32>,
    }
    %get3A_38 = arith.constant 0 : index
    %get3A_39 = arith.constant 0 : index
    %get3A_40 = vector.load %arg13[%get3A_38, %get3A_39] : memref<256x8xi32, #tpu.memory_space<vmem>>, vector<256x8xi32>
    %swap3A_41 = arith.constant 0 : index
    %swap3A_42 = arith.constant 0 : index
    %swap3A_43 = vector.load %arg9[%swap3A_41, %swap3A_42] : memref<256x8xi32, #tpu.memory_space<vmem>>, vector<256x8xi32>
    tpu.vector_store %arg9[%swap3A_41, %swap3A_42], %get3A_40 {strides = array<i32>} : memref<256x8xi32, #tpu.memory_space<vmem>>, vector<256x8xi32>,
    return
  }
  func.func @transform_0(%arg0: i32) -> i32 {
    %c0_i32 = arith.constant 0 : i32
    %c0_i32_0 = arith.constant 0 : i32
    return %c0_i32 : i32
  }
  func.func @transform_1(%arg0: i32) -> i32 {
    %c0_i32 = arith.constant 0 : i32
    %c0_i32_0 = arith.constant 0 : i32
    return %c0_i32 : i32
  }
  func.func @transform_2(%arg0: i32) -> (i32, i32, i32) {
    %c0_i32 = arith.constant 0 : i32
    %c0_i32_0 = arith.constant 0 : i32
    %c0_i32_1 = arith.constant 0 : i32
    return %arg0, %c0_i32, %c0_i32_0 : i32, i32, i32
  }
  func.func @transform_3(%arg0: i32) -> (i32, i32, i32) {
    %c0_i32 = arith.constant 0 : i32
    %c0_i32_0 = arith.constant 0 : i32
    %c0_i32_1 = arith.constant 0 : i32
    return %arg0, %c0_i32, %c0_i32_0 : i32, i32, i32
  }
  func.func @transform_4(%arg0: i32) -> (i32, i32, i32) {
    %c0_i32 = arith.constant 0 : i32
    %c0_i32_0 = arith.constant 0 : i32
    %c0_i32_1 = arith.constant 0 : i32
    return %arg0, %c0_i32, %c0_i32_0 : i32, i32, i32
  }
  func.func @transform_5(%arg0: i32) -> (i32, i32) {
    %c0_i32 = arith.constant 0 : i32
    %c0_i32_0 = arith.constant 0 : i32
    return %arg0, %c0_i32 : i32, i32
  }
  func.func @transform_8(%arg0: i32) -> (i32, i32) {
    %c0_i32 = arith.constant 0 : i32
    %c0_i32_0 = arith.constant 0 : i32
    return %arg0, %c0_i32 : i32, i32
  }
}

module attributes {stable_mosaic.version = 14 : i64} {
  func.func @_edge_body(%arg0: i32, %arg1: memref<128x128xf32, #tpu.memory_space<vmem>>, %arg2: memref<128x5x128xf32, #tpu.memory_space<vmem>>, %arg3: memref<256x256xf32, #tpu.memory_space<vmem>>, %arg4: memref<1x256xf32, #tpu.memory_space<vmem>>, %arg5: memref<128x256xf32, #tpu.memory_space<vmem>>) attributes {dimension_semantics = [#tpu.dimension_semantics<arbitrary>], iteration_bounds = array<i64: 128>, scalar_prefetch = 0 : i64, scratch_operands = 0 : i64, tpu.core_type = #tpu.core_type<tc>, window_params = [{transform_indices = @transform_0, window_bounds = array<i64: 128, 128>}, {transform_indices = @transform_1, window_bounds = array<i64: 128, 5, 128>}, {pipeline_mode = #tpu.pipeline_mode<synchronous>, transform_indices = @transform_2, window_bounds = array<i64: 256, 256>}, {pipeline_mode = #tpu.pipeline_mode<synchronous>, transform_indices = @transform_3, window_bounds = array<i64: 1, 256>}, {transform_indices = @transform_4, window_bounds = array<i64: 128, 256>}]} {
    %get3A = arith.constant 0 : index
    %get3A_0 = arith.constant 0 : index
    %get3A_1 = vector.load %arg1[%get3A, %get3A_0] : memref<128x128xf32, #tpu.memory_space<vmem>>, vector<128x128xf32>
    %get3A_2 = arith.constant 0 : index
    %get3A_3 = arith.constant 0 : index
    %get3A_4 = arith.constant 0 : index
    %get3A_5 = vector.load %arg2[%get3A_2, %get3A_3, %get3A_4] : memref<128x5x128xf32, #tpu.memory_space<vmem>>, vector<128x1x128xf32>
    %get3A_6 = vector.shape_cast %get3A_5 : vector<128x1x128xf32> to vector<128x128xf32>
    %sub3A = arith.subf %get3A_6, %get3A_1 : vector<128x128xf32>
    %concatenate3A = tpu.concatenate %get3A_1, %sub3A in 1 : vector<128x128xf32>, vector<128x128xf32> -> vector<128x256xf32>
    %get3A_7 = arith.constant 0 : index
    %get3A_8 = arith.constant 0 : index
    %get3A_9 = vector.load %arg3[%get3A_7, %get3A_8] : memref<256x256xf32, #tpu.memory_space<vmem>>, vector<256x256xf32>
    %dot_general3A = arith.constant dense<0.000000e+00> : vector<128x256xf32>
    %dot_general3A_10 = tpu.matmul %concatenate3A, %get3A_9, %dot_general3A {dimension_numbers = #tpu.dot_dimension_numbers<[1], [0], [0], [1], [0, 0, 1, 1], [], []>, transpose_lhs_hint = false} : vector<128x256xf32>, vector<256x256xf32>, vector<128x256xf32> -> vector<128x256xf32>
    %get3A_11 = arith.constant 0 : index
    %get3A_12 = arith.constant 0 : index
    %get3A_13 = vector.load %arg4[%get3A_11, %get3A_12] : memref<1x256xf32, #tpu.memory_space<vmem>>, vector<1x256xf32>
    %add3A = vector.broadcast %get3A_13 : vector<1x256xf32> to vector<128x256xf32>
    %add3A_14 = arith.addf %dot_general3A_10, %add3A : vector<128x256xf32>
    %max3A = arith.constant 0.000000e+00 : f32
    %max3A_15 = vector.broadcast %max3A : f32 to vector<128x256xf32>
    %max3A_16 = arith.maximumf %add3A_14, %max3A_15 : vector<128x256xf32>
    %get3A_17 = arith.constant 0 : index
    %get3A_18 = arith.constant 1 : index
    %get3A_19 = arith.constant 0 : index
    %get3A_20 = vector.load %arg2[%get3A_17, %get3A_18, %get3A_19] : memref<128x5x128xf32, #tpu.memory_space<vmem>>, vector<128x1x128xf32>
    %get3A_21 = vector.shape_cast %get3A_20 : vector<128x1x128xf32> to vector<128x128xf32>
    %sub3A_22 = arith.subf %get3A_21, %get3A_1 : vector<128x128xf32>
    %concatenate3A_23 = tpu.concatenate %get3A_1, %sub3A_22 in 1 : vector<128x128xf32>, vector<128x128xf32> -> vector<128x256xf32>
    %get3A_24 = arith.constant 0 : index
    %get3A_25 = arith.constant 0 : index
    %get3A_26 = vector.load %arg3[%get3A_24, %get3A_25] : memref<256x256xf32, #tpu.memory_space<vmem>>, vector<256x256xf32>
    %dot_general3A_27 = arith.constant dense<0.000000e+00> : vector<128x256xf32>
    %dot_general3A_28 = tpu.matmul %concatenate3A_23, %get3A_26, %dot_general3A_27 {dimension_numbers = #tpu.dot_dimension_numbers<[1], [0], [0], [1], [0, 0, 1, 1], [], []>, transpose_lhs_hint = false} : vector<128x256xf32>, vector<256x256xf32>, vector<128x256xf32> -> vector<128x256xf32>
    %get3A_29 = arith.constant 0 : index
    %get3A_30 = arith.constant 0 : index
    %get3A_31 = vector.load %arg4[%get3A_29, %get3A_30] : memref<1x256xf32, #tpu.memory_space<vmem>>, vector<1x256xf32>
    %add3A_32 = vector.broadcast %get3A_31 : vector<1x256xf32> to vector<128x256xf32>
    %add3A_33 = arith.addf %dot_general3A_28, %add3A_32 : vector<128x256xf32>
    %max3A_34 = arith.constant 0.000000e+00 : f32
    %max3A_35 = vector.broadcast %max3A_34 : f32 to vector<128x256xf32>
    %max3A_36 = arith.maximumf %add3A_33, %max3A_35 : vector<128x256xf32>
    %max3A_37 = arith.maximumf %max3A_16, %max3A_36 : vector<128x256xf32>
    %get3A_38 = arith.constant 0 : index
    %get3A_39 = arith.constant 2 : index
    %get3A_40 = arith.constant 0 : index
    %get3A_41 = vector.load %arg2[%get3A_38, %get3A_39, %get3A_40] : memref<128x5x128xf32, #tpu.memory_space<vmem>>, vector<128x1x128xf32>
    %get3A_42 = vector.shape_cast %get3A_41 : vector<128x1x128xf32> to vector<128x128xf32>
    %sub3A_43 = arith.subf %get3A_42, %get3A_1 : vector<128x128xf32>
    %concatenate3A_44 = tpu.concatenate %get3A_1, %sub3A_43 in 1 : vector<128x128xf32>, vector<128x128xf32> -> vector<128x256xf32>
    %get3A_45 = arith.constant 0 : index
    %get3A_46 = arith.constant 0 : index
    %get3A_47 = vector.load %arg3[%get3A_45, %get3A_46] : memref<256x256xf32, #tpu.memory_space<vmem>>, vector<256x256xf32>
    %dot_general3A_48 = arith.constant dense<0.000000e+00> : vector<128x256xf32>
    %dot_general3A_49 = tpu.matmul %concatenate3A_44, %get3A_47, %dot_general3A_48 {dimension_numbers = #tpu.dot_dimension_numbers<[1], [0], [0], [1], [0, 0, 1, 1], [], []>, transpose_lhs_hint = false} : vector<128x256xf32>, vector<256x256xf32>, vector<128x256xf32> -> vector<128x256xf32>
    %get3A_50 = arith.constant 0 : index
    %get3A_51 = arith.constant 0 : index
    %get3A_52 = vector.load %arg4[%get3A_50, %get3A_51] : memref<1x256xf32, #tpu.memory_space<vmem>>, vector<1x256xf32>
    %add3A_53 = vector.broadcast %get3A_52 : vector<1x256xf32> to vector<128x256xf32>
    %add3A_54 = arith.addf %dot_general3A_49, %add3A_53 : vector<128x256xf32>
    %max3A_55 = arith.constant 0.000000e+00 : f32
    %max3A_56 = vector.broadcast %max3A_55 : f32 to vector<128x256xf32>
    %max3A_57 = arith.maximumf %add3A_54, %max3A_56 : vector<128x256xf32>
    %max3A_58 = arith.maximumf %max3A_37, %max3A_57 : vector<128x256xf32>
    %get3A_59 = arith.constant 0 : index
    %get3A_60 = arith.constant 3 : index
    %get3A_61 = arith.constant 0 : index
    %get3A_62 = vector.load %arg2[%get3A_59, %get3A_60, %get3A_61] : memref<128x5x128xf32, #tpu.memory_space<vmem>>, vector<128x1x128xf32>
    %get3A_63 = vector.shape_cast %get3A_62 : vector<128x1x128xf32> to vector<128x128xf32>
    %sub3A_64 = arith.subf %get3A_63, %get3A_1 : vector<128x128xf32>
    %concatenate3A_65 = tpu.concatenate %get3A_1, %sub3A_64 in 1 : vector<128x128xf32>, vector<128x128xf32> -> vector<128x256xf32>
    %get3A_66 = arith.constant 0 : index
    %get3A_67 = arith.constant 0 : index
    %get3A_68 = vector.load %arg3[%get3A_66, %get3A_67] : memref<256x256xf32, #tpu.memory_space<vmem>>, vector<256x256xf32>
    %dot_general3A_69 = arith.constant dense<0.000000e+00> : vector<128x256xf32>
    %dot_general3A_70 = tpu.matmul %concatenate3A_65, %get3A_68, %dot_general3A_69 {dimension_numbers = #tpu.dot_dimension_numbers<[1], [0], [0], [1], [0, 0, 1, 1], [], []>, transpose_lhs_hint = false} : vector<128x256xf32>, vector<256x256xf32>, vector<128x256xf32> -> vector<128x256xf32>
    %get3A_71 = arith.constant 0 : index
    %get3A_72 = arith.constant 0 : index
    %get3A_73 = vector.load %arg4[%get3A_71, %get3A_72] : memref<1x256xf32, #tpu.memory_space<vmem>>, vector<1x256xf32>
    %add3A_74 = vector.broadcast %get3A_73 : vector<1x256xf32> to vector<128x256xf32>
    %add3A_75 = arith.addf %dot_general3A_70, %add3A_74 : vector<128x256xf32>
    %max3A_76 = arith.constant 0.000000e+00 : f32
    %max3A_77 = vector.broadcast %max3A_76 : f32 to vector<128x256xf32>
    %max3A_78 = arith.maximumf %add3A_75, %max3A_77 : vector<128x256xf32>
    %max3A_79 = arith.maximumf %max3A_58, %max3A_78 : vector<128x256xf32>
    %get3A_80 = arith.constant 0 : index
    %get3A_81 = arith.constant 4 : index
    %get3A_82 = arith.constant 0 : index
    %get3A_83 = vector.load %arg2[%get3A_80, %get3A_81, %get3A_82] : memref<128x5x128xf32, #tpu.memory_space<vmem>>, vector<128x1x128xf32>
    %get3A_84 = vector.shape_cast %get3A_83 : vector<128x1x128xf32> to vector<128x128xf32>
    %sub3A_85 = arith.subf %get3A_84, %get3A_1 : vector<128x128xf32>
    %concatenate3A_86 = tpu.concatenate %get3A_1, %sub3A_85 in 1 : vector<128x128xf32>, vector<128x128xf32> -> vector<128x256xf32>
    %get3A_87 = arith.constant 0 : index
    %get3A_88 = arith.constant 0 : index
    %get3A_89 = vector.load %arg3[%get3A_87, %get3A_88] : memref<256x256xf32, #tpu.memory_space<vmem>>, vector<256x256xf32>
    %dot_general3A_90 = arith.constant dense<0.000000e+00> : vector<128x256xf32>
    %dot_general3A_91 = tpu.matmul %concatenate3A_86, %get3A_89, %dot_general3A_90 {dimension_numbers = #tpu.dot_dimension_numbers<[1], [0], [0], [1], [0, 0, 1, 1], [], []>, transpose_lhs_hint = false} : vector<128x256xf32>, vector<256x256xf32>, vector<128x256xf32> -> vector<128x256xf32>
    %get3A_92 = arith.constant 0 : index
    %get3A_93 = arith.constant 0 : index
    %get3A_94 = vector.load %arg4[%get3A_92, %get3A_93] : memref<1x256xf32, #tpu.memory_space<vmem>>, vector<1x256xf32>
    %add3A_95 = vector.broadcast %get3A_94 : vector<1x256xf32> to vector<128x256xf32>
    %add3A_96 = arith.addf %dot_general3A_91, %add3A_95 : vector<128x256xf32>
    %max3A_97 = arith.constant 0.000000e+00 : f32
    %max3A_98 = vector.broadcast %max3A_97 : f32 to vector<128x256xf32>
    %max3A_99 = arith.maximumf %add3A_96, %max3A_98 : vector<128x256xf32>
    %max3A_100 = arith.maximumf %max3A_79, %max3A_99 : vector<128x256xf32>
    %swap3A = arith.constant 0 : index
    %swap3A_101 = arith.constant 0 : index
    %swap3A_102 = vector.load %arg5[%swap3A, %swap3A_101] : memref<128x256xf32, #tpu.memory_space<vmem>>, vector<128x256xf32>
    tpu.vector_store %arg5[%swap3A, %swap3A_101], %max3A_100 {strides = array<i32>} : memref<128x256xf32, #tpu.memory_space<vmem>>, vector<128x256xf32>,
    return
  }
  func.func @transform_0(%arg0: i32) -> (i32, i32) {
    %c0_i32 = arith.constant 0 : i32
    %c0_i32_0 = arith.constant 0 : i32
    return %arg0, %c0_i32 : i32, i32
  }
  func.func @transform_1(%arg0: i32) -> (i32, i32, i32) {
    %c0_i32 = arith.constant 0 : i32
    %c0_i32_0 = arith.constant 0 : i32
    %c0_i32_1 = arith.constant 0 : i32
    return %arg0, %c0_i32, %c0_i32_0 : i32, i32, i32
  }
  func.func @transform_2(%arg0: i32) -> (i32, i32) {
    %c0_i32 = arith.constant 0 : i32
    %c0_i32_0 = arith.constant 0 : i32
    %c0_i32_1 = arith.constant 0 : i32
    return %c0_i32, %c0_i32_0 : i32, i32
  }
  func.func @transform_3(%arg0: i32) -> (i32, i32) {
    %c0_i32 = arith.constant 0 : i32
    %c0_i32_0 = arith.constant 0 : i32
    %c0_i32_1 = arith.constant 0 : i32
    return %c0_i32, %c0_i32_0 : i32, i32
  }
  func.func @transform_4(%arg0: i32) -> (i32, i32) {
    %c0_i32 = arith.constant 0 : i32
    %c0_i32_0 = arith.constant 0 : i32
    return %arg0, %c0_i32 : i32, i32
  }
}

module attributes {stable_mosaic.version = 14 : i64} {
  func.func @_norm_body(%arg0: i32, %arg1: memref<128x256xf32, #tpu.memory_space<vmem>>, %arg2: memref<1x256xf32, #tpu.memory_space<vmem>>, %arg3: memref<1x256xf32, #tpu.memory_space<vmem>>, %arg4: memref<1x256xf32, #tpu.memory_space<vmem>>, %arg5: memref<1x256xf32, #tpu.memory_space<vmem>>, %arg6: memref<128x256xf32, #tpu.memory_space<vmem>>) attributes {dimension_semantics = [#tpu.dimension_semantics<arbitrary>], iteration_bounds = array<i64: 128>, scalar_prefetch = 0 : i64, scratch_operands = 0 : i64, tpu.core_type = #tpu.core_type<tc>, window_params = [{transform_indices = @transform_0, window_bounds = array<i64: 128, 256>}, {pipeline_mode = #tpu.pipeline_mode<synchronous>, transform_indices = @transform_1, window_bounds = array<i64: 1, 256>}, {pipeline_mode = #tpu.pipeline_mode<synchronous>, transform_indices = @transform_2, window_bounds = array<i64: 1, 256>}, {pipeline_mode = #tpu.pipeline_mode<synchronous>, transform_indices = @transform_3, window_bounds = array<i64: 1, 256>}, {pipeline_mode = #tpu.pipeline_mode<synchronous>, transform_indices = @transform_4, window_bounds = array<i64: 1, 256>}, {transform_indices = @transform_5, window_bounds = array<i64: 128, 256>}]} {
    %get3A = arith.constant 0 : index
    %get3A_0 = arith.constant 0 : index
    %get3A_1 = vector.load %arg1[%get3A, %get3A_0] : memref<128x256xf32, #tpu.memory_space<vmem>>, vector<128x256xf32>
    %get3A_2 = arith.constant 0 : index
    %get3A_3 = arith.constant 0 : index
    %get3A_4 = vector.load %arg2[%get3A_2, %get3A_3] : memref<1x256xf32, #tpu.memory_space<vmem>>, vector<1x256xf32>
    %sub3A = vector.broadcast %get3A_4 : vector<1x256xf32> to vector<128x256xf32>
    %sub3A_5 = arith.subf %get3A_1, %sub3A : vector<128x256xf32>
    %get3A_6 = arith.constant 0 : index
    %get3A_7 = arith.constant 0 : index
    %get3A_8 = vector.load %arg3[%get3A_6, %get3A_7] : memref<1x256xf32, #tpu.memory_space<vmem>>, vector<1x256xf32>
    %add3A = arith.constant 9.99999974E-6 : f32
    %add3A_9 = vector.broadcast %add3A : f32 to vector<1x256xf32>
    %add3A_10 = arith.addf %get3A_8, %add3A_9 : vector<1x256xf32>
    %sqrt3A = math.sqrt %add3A_10 : vector<1x256xf32>
    %div3A = vector.broadcast %sqrt3A : vector<1x256xf32> to vector<128x256xf32>
    %div3A_11 = arith.divf %sub3A_5, %div3A : vector<128x256xf32>
    %get3A_12 = arith.constant 0 : index
    %get3A_13 = arith.constant 0 : index
    %get3A_14 = vector.load %arg4[%get3A_12, %get3A_13] : memref<1x256xf32, #tpu.memory_space<vmem>>, vector<1x256xf32>
    %mul3A = vector.broadcast %get3A_14 : vector<1x256xf32> to vector<128x256xf32>
    %mul3A_15 = arith.mulf %div3A_11, %mul3A : vector<128x256xf32>
    %get3A_16 = arith.constant 0 : index
    %get3A_17 = arith.constant 0 : index
    %get3A_18 = vector.load %arg5[%get3A_16, %get3A_17] : memref<1x256xf32, #tpu.memory_space<vmem>>, vector<1x256xf32>
    %add3A_19 = vector.broadcast %get3A_18 : vector<1x256xf32> to vector<128x256xf32>
    %add3A_20 = arith.addf %mul3A_15, %add3A_19 : vector<128x256xf32>
    %swap3A = arith.constant 0 : index
    %swap3A_21 = arith.constant 0 : index
    %swap3A_22 = vector.load %arg6[%swap3A, %swap3A_21] : memref<128x256xf32, #tpu.memory_space<vmem>>, vector<128x256xf32>
    tpu.vector_store %arg6[%swap3A, %swap3A_21], %add3A_20 {strides = array<i32>} : memref<128x256xf32, #tpu.memory_space<vmem>>, vector<128x256xf32>,
    return
  }
  func.func @transform_0(%arg0: i32) -> (i32, i32) {
    %c0_i32 = arith.constant 0 : i32
    %c0_i32_0 = arith.constant 0 : i32
    return %arg0, %c0_i32 : i32, i32
  }
  func.func @transform_1(%arg0: i32) -> (i32, i32) {
    %c0_i32 = arith.constant 0 : i32
    %c0_i32_0 = arith.constant 0 : i32
    %c0_i32_1 = arith.constant 0 : i32
    return %c0_i32, %c0_i32_0 : i32, i32
  }
  func.func @transform_2(%arg0: i32) -> (i32, i32) {
    %c0_i32 = arith.constant 0 : i32
    %c0_i32_0 = arith.constant 0 : i32
    %c0_i32_1 = arith.constant 0 : i32
    return %c0_i32, %c0_i32_0 : i32, i32
  }
  func.func @transform_3(%arg0: i32) -> (i32, i32) {
    %c0_i32 = arith.constant 0 : i32
    %c0_i32_0 = arith.constant 0 : i32
    %c0_i32_1 = arith.constant 0 : i32
    return %c0_i32, %c0_i32_0 : i32, i32
  }
  func.func @transform_4(%arg0: i32) -> (i32, i32) {
    %c0_i32 = arith.constant 0 : i32
    %c0_i32_0 = arith.constant 0 : i32
    %c0_i32_1 = arith.constant 0 : i32
    return %c0_i32, %c0_i32_0 : i32, i32
  }
  func.func @transform_5(%arg0: i32) -> (i32, i32) {
    %c0_i32 = arith.constant 0 : i32
    %c0_i32_0 = arith.constant 0 : i32
    return %arg0, %c0_i32 : i32, i32
  }
}

module attributes {stable_mosaic.version = 14 : i64} {
  func.func @_pool_body(%arg0: i32, %arg1: memref<1x128x1xi32, #tpu.memory_space<vmem>>, %arg2: memref<128x512xf32, #tpu.memory_space<vmem>>, %arg3: memref<512x1024xf32, #tpu.memory_space<vmem>>, %arg4: memref<1x1024xf32, #tpu.memory_space<vmem>>, %arg5: memref<8x1024xf32, #tpu.memory_space<vmem>>) attributes {dimension_semantics = [#tpu.dimension_semantics<arbitrary>], iteration_bounds = array<i64: 128>, scalar_prefetch = 0 : i64, scratch_operands = 0 : i64, tpu.core_type = #tpu.core_type<tc>, window_params = [{transform_indices = @transform_0, window_bounds = array<i64: 1, 128, 1>}, {transform_indices = @transform_1, window_bounds = array<i64: 128, 512>}, {pipeline_mode = #tpu.pipeline_mode<synchronous>, transform_indices = @transform_2, window_bounds = array<i64: 512, 1024>}, {pipeline_mode = #tpu.pipeline_mode<synchronous>, transform_indices = @transform_3, window_bounds = array<i64: 1, 1024>}, {pipeline_mode = #tpu.pipeline_mode<synchronous>, transform_indices = @transform_4, window_bounds = array<i64: 8, 1024>}]} {
    %get3A = arith.constant 0 : index
    %get3A_0 = arith.constant 0 : index
    %get3A_1 = vector.load %arg2[%get3A, %get3A_0] : memref<128x512xf32, #tpu.memory_space<vmem>>, vector<128x512xf32>
    %get3A_2 = arith.constant 0 : index
    %get3A_3 = arith.constant 0 : index
    %get3A_4 = vector.load %arg3[%get3A_2, %get3A_3] : memref<512x1024xf32, #tpu.memory_space<vmem>>, vector<512x1024xf32>
    %dot_general3A = arith.constant dense<0.000000e+00> : vector<128x1024xf32>
    %dot_general3A_5 = tpu.matmul %get3A_1, %get3A_4, %dot_general3A {dimension_numbers = #tpu.dot_dimension_numbers<[1], [0], [0], [1], [0, 0, 1, 1], [], []>, transpose_lhs_hint = false} : vector<128x512xf32>, vector<512x1024xf32>, vector<128x1024xf32> -> vector<128x1024xf32>
    %get3A_6 = arith.constant 0 : index
    %get3A_7 = arith.constant 0 : index
    %get3A_8 = vector.load %arg4[%get3A_6, %get3A_7] : memref<1x1024xf32, #tpu.memory_space<vmem>>, vector<1x1024xf32>
    %add3A = vector.broadcast %get3A_8 : vector<1x1024xf32> to vector<128x1024xf32>
    %add3A_9 = arith.addf %dot_general3A_5, %add3A : vector<128x1024xf32>
    %max3A = arith.constant 0.000000e+00 : f32
    %max3A_10 = vector.broadcast %max3A : f32 to vector<128x1024xf32>
    %max3A_11 = arith.maximumf %add3A_9, %max3A_10 : vector<128x1024xf32>
    %get3A_12 = arith.constant 0 : index
    %get3A_13 = arith.constant 0 : index
    %get3A_14 = arith.constant 0 : index
    %get3A_15 = vector.load %arg1[%get3A_12, %get3A_13, %get3A_14] : memref<1x128x1xi32, #tpu.memory_space<vmem>>, vector<1x128x1xi32>
    %get3A_16 = vector.shape_cast %get3A_15 : vector<1x128x1xi32> to vector<128x1xi32>
    %eq3A = arith.constant 0 : i32
    %eq3A_17 = arith.cmpi eq, %arg0, %eq3A : i32
    %convert_element_type3A = arith.extui %eq3A_17 : i1 to i32
    %cond3A = arith.constant 0 : i32
    %cond3A_18 = arith.cmpi ne, %convert_element_type3A, %cond3A : i32
    scf.if %cond3A_18 {
      %broadcast_in_dim3A_158 = arith.constant 0xFF800000 : f32
      %broadcast_in_dim3A_159 = vector.broadcast %broadcast_in_dim3A_158 : f32 to vector<8x1024xf32>
      %swap3A_160 = arith.constant 0 : index
      %swap3A_161 = arith.constant 0 : index
      %swap3A_162 = vector.load %arg5[%swap3A_160, %swap3A_161] : memref<8x1024xf32, #tpu.memory_space<vmem>>, vector<8x1024xf32>
      tpu.vector_store %arg5[%swap3A_160, %swap3A_161], %broadcast_in_dim3A_159 {strides = array<i32>} : memref<8x1024xf32, #tpu.memory_space<vmem>>, vector<8x1024xf32>,
    } else {
    }
    %eq3A_19 = arith.constant 0 : i32
    %eq3A_20 = vector.broadcast %eq3A_19 : i32 to vector<128x1xi32>
    %eq3A_21 = arith.cmpi eq, %get3A_16, %eq3A_20 : vector<128x1xi32>
    %jit3A = arith.constant 0xFF800000 : f32
    %broadcast_in_dim3A = vector.shape_cast %eq3A_21 : vector<128x1xi1> to vector<128x1xi1>
    %broadcast_in_dim3A_22 = vector.broadcast %broadcast_in_dim3A : vector<128x1xi1> to vector<128x1024xi1>
    %broadcast_in_dim3A_23 = vector.broadcast %jit3A : f32 to vector<128x1024xf32>
    %select_n3A = arith.select %broadcast_in_dim3A_22, %max3A_11, %broadcast_in_dim3A_23 : vector<128x1024xi1>, vector<128x1024xf32>
    %reduce_max3A = arith.constant dense<0xFF800000> : vector<1024xf32>
    %reduce_max3A_24 = vector.multi_reduction <maximumf>, %select_n3A, %reduce_max3A [0] : vector<128x1024xf32> to vector<1024xf32>
    %broadcast_in_dim3A_25 = vector.shape_cast %reduce_max3A_24 : vector<1024xf32> to vector<1x1024xf32>
    %get3A_26 = arith.constant 0 : index
    %get3A_27 = arith.constant 0 : index
    %get3A_28 = vector.load %arg5[%get3A_26, %get3A_27] : memref<8x1024xf32, #tpu.memory_space<vmem>>, vector<1x1024xf32>
    %max3A_29 = arith.maximumf %get3A_28, %broadcast_in_dim3A_25 : vector<1x1024xf32>
    %swap3A = arith.constant 0 : index
    %swap3A_30 = arith.constant 0 : index
    %swap3A_31 = vector.load %arg5[%swap3A, %swap3A_30] : memref<8x1024xf32, #tpu.memory_space<vmem>>, vector<1x1024xf32>
    tpu.vector_store %arg5[%swap3A, %swap3A_30], %max3A_29 {strides = array<i32>} : memref<8x1024xf32, #tpu.memory_space<vmem>>, vector<1x1024xf32>,
    %eq3A_32 = arith.constant 1 : i32
    %eq3A_33 = vector.broadcast %eq3A_32 : i32 to vector<128x1xi32>
    %eq3A_34 = arith.cmpi eq, %get3A_16, %eq3A_33 : vector<128x1xi32>
    %jit3A_35 = arith.constant 0xFF800000 : f32
    %broadcast_in_dim3A_36 = vector.shape_cast %eq3A_34 : vector<128x1xi1> to vector<128x1xi1>
    %broadcast_in_dim3A_37 = vector.broadcast %broadcast_in_dim3A_36 : vector<128x1xi1> to vector<128x1024xi1>
    %broadcast_in_dim3A_38 = vector.broadcast %jit3A_35 : f32 to vector<128x1024xf32>
    %select_n3A_39 = arith.select %broadcast_in_dim3A_37, %max3A_11, %broadcast_in_dim3A_38 : vector<128x1024xi1>, vector<128x1024xf32>
    %reduce_max3A_40 = arith.constant dense<0xFF800000> : vector<1024xf32>
    %reduce_max3A_41 = vector.multi_reduction <maximumf>, %select_n3A_39, %reduce_max3A_40 [0] : vector<128x1024xf32> to vector<1024xf32>
    %broadcast_in_dim3A_42 = vector.shape_cast %reduce_max3A_41 : vector<1024xf32> to vector<1x1024xf32>
    %get3A_43 = arith.constant 1 : index
    %get3A_44 = arith.constant 0 : index
    %get3A_45 = vector.load %arg5[%get3A_43, %get3A_44] : memref<8x1024xf32, #tpu.memory_space<vmem>>, vector<1x1024xf32>
    %max3A_46 = arith.maximumf %get3A_45, %broadcast_in_dim3A_42 : vector<1x1024xf32>
    %swap3A_47 = arith.constant 1 : index
    %swap3A_48 = arith.constant 0 : index
    %swap3A_49 = vector.load %arg5[%swap3A_47, %swap3A_48] : memref<8x1024xf32, #tpu.memory_space<vmem>>, vector<1x1024xf32>
    tpu.vector_store %arg5[%swap3A_47, %swap3A_48], %max3A_46 {strides = array<i32>} : memref<8x1024xf32, #tpu.memory_space<vmem>>, vector<1x1024xf32>,
    %eq3A_50 = arith.constant 2 : i32
    %eq3A_51 = vector.broadcast %eq3A_50 : i32 to vector<128x1xi32>
    %eq3A_52 = arith.cmpi eq, %get3A_16, %eq3A_51 : vector<128x1xi32>
    %jit3A_53 = arith.constant 0xFF800000 : f32
    %broadcast_in_dim3A_54 = vector.shape_cast %eq3A_52 : vector<128x1xi1> to vector<128x1xi1>
    %broadcast_in_dim3A_55 = vector.broadcast %broadcast_in_dim3A_54 : vector<128x1xi1> to vector<128x1024xi1>
    %broadcast_in_dim3A_56 = vector.broadcast %jit3A_53 : f32 to vector<128x1024xf32>
    %select_n3A_57 = arith.select %broadcast_in_dim3A_55, %max3A_11, %broadcast_in_dim3A_56 : vector<128x1024xi1>, vector<128x1024xf32>
    %reduce_max3A_58 = arith.constant dense<0xFF800000> : vector<1024xf32>
    %reduce_max3A_59 = vector.multi_reduction <maximumf>, %select_n3A_57, %reduce_max3A_58 [0] : vector<128x1024xf32> to vector<1024xf32>
    %broadcast_in_dim3A_60 = vector.shape_cast %reduce_max3A_59 : vector<1024xf32> to vector<1x1024xf32>
    %get3A_61 = arith.constant 2 : index
    %get3A_62 = arith.constant 0 : index
    %get3A_63 = vector.load %arg5[%get3A_61, %get3A_62] : memref<8x1024xf32, #tpu.memory_space<vmem>>, vector<1x1024xf32>
    %max3A_64 = arith.maximumf %get3A_63, %broadcast_in_dim3A_60 : vector<1x1024xf32>
    %swap3A_65 = arith.constant 2 : index
    %swap3A_66 = arith.constant 0 : index
    %swap3A_67 = vector.load %arg5[%swap3A_65, %swap3A_66] : memref<8x1024xf32, #tpu.memory_space<vmem>>, vector<1x1024xf32>
    tpu.vector_store %arg5[%swap3A_65, %swap3A_66], %max3A_64 {strides = array<i32>} : memref<8x1024xf32, #tpu.memory_space<vmem>>, vector<1x1024xf32>,
    %eq3A_68 = arith.constant 3 : i32
    %eq3A_69 = vector.broadcast %eq3A_68 : i32 to vector<128x1xi32>
    %eq3A_70 = arith.cmpi eq, %get3A_16, %eq3A_69 : vector<128x1xi32>
    %jit3A_71 = arith.constant 0xFF800000 : f32
    %broadcast_in_dim3A_72 = vector.shape_cast %eq3A_70 : vector<128x1xi1> to vector<128x1xi1>
    %broadcast_in_dim3A_73 = vector.broadcast %broadcast_in_dim3A_72 : vector<128x1xi1> to vector<128x1024xi1>
    %broadcast_in_dim3A_74 = vector.broadcast %jit3A_71 : f32 to vector<128x1024xf32>
    %select_n3A_75 = arith.select %broadcast_in_dim3A_73, %max3A_11, %broadcast_in_dim3A_74 : vector<128x1024xi1>, vector<128x1024xf32>
    %reduce_max3A_76 = arith.constant dense<0xFF800000> : vector<1024xf32>
    %reduce_max3A_77 = vector.multi_reduction <maximumf>, %select_n3A_75, %reduce_max3A_76 [0] : vector<128x1024xf32> to vector<1024xf32>
    %broadcast_in_dim3A_78 = vector.shape_cast %reduce_max3A_77 : vector<1024xf32> to vector<1x1024xf32>
    %get3A_79 = arith.constant 3 : index
    %get3A_80 = arith.constant 0 : index
    %get3A_81 = vector.load %arg5[%get3A_79, %get3A_80] : memref<8x1024xf32, #tpu.memory_space<vmem>>, vector<1x1024xf32>
    %max3A_82 = arith.maximumf %get3A_81, %broadcast_in_dim3A_78 : vector<1x1024xf32>
    %swap3A_83 = arith.constant 3 : index
    %swap3A_84 = arith.constant 0 : index
    %swap3A_85 = vector.load %arg5[%swap3A_83, %swap3A_84] : memref<8x1024xf32, #tpu.memory_space<vmem>>, vector<1x1024xf32>
    tpu.vector_store %arg5[%swap3A_83, %swap3A_84], %max3A_82 {strides = array<i32>} : memref<8x1024xf32, #tpu.memory_space<vmem>>, vector<1x1024xf32>,
    %eq3A_86 = arith.constant 4 : i32
    %eq3A_87 = vector.broadcast %eq3A_86 : i32 to vector<128x1xi32>
    %eq3A_88 = arith.cmpi eq, %get3A_16, %eq3A_87 : vector<128x1xi32>
    %jit3A_89 = arith.constant 0xFF800000 : f32
    %broadcast_in_dim3A_90 = vector.shape_cast %eq3A_88 : vector<128x1xi1> to vector<128x1xi1>
    %broadcast_in_dim3A_91 = vector.broadcast %broadcast_in_dim3A_90 : vector<128x1xi1> to vector<128x1024xi1>
    %broadcast_in_dim3A_92 = vector.broadcast %jit3A_89 : f32 to vector<128x1024xf32>
    %select_n3A_93 = arith.select %broadcast_in_dim3A_91, %max3A_11, %broadcast_in_dim3A_92 : vector<128x1024xi1>, vector<128x1024xf32>
    %reduce_max3A_94 = arith.constant dense<0xFF800000> : vector<1024xf32>
    %reduce_max3A_95 = vector.multi_reduction <maximumf>, %select_n3A_93, %reduce_max3A_94 [0] : vector<128x1024xf32> to vector<1024xf32>
    %broadcast_in_dim3A_96 = vector.shape_cast %reduce_max3A_95 : vector<1024xf32> to vector<1x1024xf32>
    %get3A_97 = arith.constant 4 : index
    %get3A_98 = arith.constant 0 : index
    %get3A_99 = vector.load %arg5[%get3A_97, %get3A_98] : memref<8x1024xf32, #tpu.memory_space<vmem>>, vector<1x1024xf32>
    %max3A_100 = arith.maximumf %get3A_99, %broadcast_in_dim3A_96 : vector<1x1024xf32>
    %swap3A_101 = arith.constant 4 : index
    %swap3A_102 = arith.constant 0 : index
    %swap3A_103 = vector.load %arg5[%swap3A_101, %swap3A_102] : memref<8x1024xf32, #tpu.memory_space<vmem>>, vector<1x1024xf32>
    tpu.vector_store %arg5[%swap3A_101, %swap3A_102], %max3A_100 {strides = array<i32>} : memref<8x1024xf32, #tpu.memory_space<vmem>>, vector<1x1024xf32>,
    %eq3A_104 = arith.constant 5 : i32
    %eq3A_105 = vector.broadcast %eq3A_104 : i32 to vector<128x1xi32>
    %eq3A_106 = arith.cmpi eq, %get3A_16, %eq3A_105 : vector<128x1xi32>
    %jit3A_107 = arith.constant 0xFF800000 : f32
    %broadcast_in_dim3A_108 = vector.shape_cast %eq3A_106 : vector<128x1xi1> to vector<128x1xi1>
    %broadcast_in_dim3A_109 = vector.broadcast %broadcast_in_dim3A_108 : vector<128x1xi1> to vector<128x1024xi1>
    %broadcast_in_dim3A_110 = vector.broadcast %jit3A_107 : f32 to vector<128x1024xf32>
    %select_n3A_111 = arith.select %broadcast_in_dim3A_109, %max3A_11, %broadcast_in_dim3A_110 : vector<128x1024xi1>, vector<128x1024xf32>
    %reduce_max3A_112 = arith.constant dense<0xFF800000> : vector<1024xf32>
    %reduce_max3A_113 = vector.multi_reduction <maximumf>, %select_n3A_111, %reduce_max3A_112 [0] : vector<128x1024xf32> to vector<1024xf32>
    %broadcast_in_dim3A_114 = vector.shape_cast %reduce_max3A_113 : vector<1024xf32> to vector<1x1024xf32>
    %get3A_115 = arith.constant 5 : index
    %get3A_116 = arith.constant 0 : index
    %get3A_117 = vector.load %arg5[%get3A_115, %get3A_116] : memref<8x1024xf32, #tpu.memory_space<vmem>>, vector<1x1024xf32>
    %max3A_118 = arith.maximumf %get3A_117, %broadcast_in_dim3A_114 : vector<1x1024xf32>
    %swap3A_119 = arith.constant 5 : index
    %swap3A_120 = arith.constant 0 : index
    %swap3A_121 = vector.load %arg5[%swap3A_119, %swap3A_120] : memref<8x1024xf32, #tpu.memory_space<vmem>>, vector<1x1024xf32>
    tpu.vector_store %arg5[%swap3A_119, %swap3A_120], %max3A_118 {strides = array<i32>} : memref<8x1024xf32, #tpu.memory_space<vmem>>, vector<1x1024xf32>,
    %eq3A_122 = arith.constant 6 : i32
    %eq3A_123 = vector.broadcast %eq3A_122 : i32 to vector<128x1xi32>
    %eq3A_124 = arith.cmpi eq, %get3A_16, %eq3A_123 : vector<128x1xi32>
    %jit3A_125 = arith.constant 0xFF800000 : f32
    %broadcast_in_dim3A_126 = vector.shape_cast %eq3A_124 : vector<128x1xi1> to vector<128x1xi1>
    %broadcast_in_dim3A_127 = vector.broadcast %broadcast_in_dim3A_126 : vector<128x1xi1> to vector<128x1024xi1>
    %broadcast_in_dim3A_128 = vector.broadcast %jit3A_125 : f32 to vector<128x1024xf32>
    %select_n3A_129 = arith.select %broadcast_in_dim3A_127, %max3A_11, %broadcast_in_dim3A_128 : vector<128x1024xi1>, vector<128x1024xf32>
    %reduce_max3A_130 = arith.constant dense<0xFF800000> : vector<1024xf32>
    %reduce_max3A_131 = vector.multi_reduction <maximumf>, %select_n3A_129, %reduce_max3A_130 [0] : vector<128x1024xf32> to vector<1024xf32>
    %broadcast_in_dim3A_132 = vector.shape_cast %reduce_max3A_131 : vector<1024xf32> to vector<1x1024xf32>
    %get3A_133 = arith.constant 6 : index
    %get3A_134 = arith.constant 0 : index
    %get3A_135 = vector.load %arg5[%get3A_133, %get3A_134] : memref<8x1024xf32, #tpu.memory_space<vmem>>, vector<1x1024xf32>
    %max3A_136 = arith.maximumf %get3A_135, %broadcast_in_dim3A_132 : vector<1x1024xf32>
    %swap3A_137 = arith.constant 6 : index
    %swap3A_138 = arith.constant 0 : index
    %swap3A_139 = vector.load %arg5[%swap3A_137, %swap3A_138] : memref<8x1024xf32, #tpu.memory_space<vmem>>, vector<1x1024xf32>
    tpu.vector_store %arg5[%swap3A_137, %swap3A_138], %max3A_136 {strides = array<i32>} : memref<8x1024xf32, #tpu.memory_space<vmem>>, vector<1x1024xf32>,
    %eq3A_140 = arith.constant 7 : i32
    %eq3A_141 = vector.broadcast %eq3A_140 : i32 to vector<128x1xi32>
    %eq3A_142 = arith.cmpi eq, %get3A_16, %eq3A_141 : vector<128x1xi32>
    %jit3A_143 = arith.constant 0xFF800000 : f32
    %broadcast_in_dim3A_144 = vector.shape_cast %eq3A_142 : vector<128x1xi1> to vector<128x1xi1>
    %broadcast_in_dim3A_145 = vector.broadcast %broadcast_in_dim3A_144 : vector<128x1xi1> to vector<128x1024xi1>
    %broadcast_in_dim3A_146 = vector.broadcast %jit3A_143 : f32 to vector<128x1024xf32>
    %select_n3A_147 = arith.select %broadcast_in_dim3A_145, %max3A_11, %broadcast_in_dim3A_146 : vector<128x1024xi1>, vector<128x1024xf32>
    %reduce_max3A_148 = arith.constant dense<0xFF800000> : vector<1024xf32>
    %reduce_max3A_149 = vector.multi_reduction <maximumf>, %select_n3A_147, %reduce_max3A_148 [0] : vector<128x1024xf32> to vector<1024xf32>
    %broadcast_in_dim3A_150 = vector.shape_cast %reduce_max3A_149 : vector<1024xf32> to vector<1x1024xf32>
    %get3A_151 = arith.constant 7 : index
    %get3A_152 = arith.constant 0 : index
    %get3A_153 = vector.load %arg5[%get3A_151, %get3A_152] : memref<8x1024xf32, #tpu.memory_space<vmem>>, vector<1x1024xf32>
    %max3A_154 = arith.maximumf %get3A_153, %broadcast_in_dim3A_150 : vector<1x1024xf32>
    %swap3A_155 = arith.constant 7 : index
    %swap3A_156 = arith.constant 0 : index
    %swap3A_157 = vector.load %arg5[%swap3A_155, %swap3A_156] : memref<8x1024xf32, #tpu.memory_space<vmem>>, vector<1x1024xf32>
    tpu.vector_store %arg5[%swap3A_155, %swap3A_156], %max3A_154 {strides = array<i32>} : memref<8x1024xf32, #tpu.memory_space<vmem>>, vector<1x1024xf32>,
    return
  }
  func.func @transform_0(%arg0: i32) -> (i32, i32, i32) {
    %c0_i32 = arith.constant 0 : i32
    %c0_i32_0 = arith.constant 0 : i32
    %c0_i32_1 = arith.constant 0 : i32
    return %arg0, %c0_i32, %c0_i32_0 : i32, i32, i32
  }
  func.func @transform_1(%arg0: i32) -> (i32, i32) {
    %c0_i32 = arith.constant 0 : i32
    %c0_i32_0 = arith.constant 0 : i32
    return %arg0, %c0_i32 : i32, i32
  }
  func.func @transform_2(%arg0: i32) -> (i32, i32) {
    %c0_i32 = arith.constant 0 : i32
    %c0_i32_0 = arith.constant 0 : i32
    %c0_i32_1 = arith.constant 0 : i32
    return %c0_i32, %c0_i32_0 : i32, i32
  }
  func.func @transform_3(%arg0: i32) -> (i32, i32) {
    %c0_i32 = arith.constant 0 : i32
    %c0_i32_0 = arith.constant 0 : i32
    %c0_i32_1 = arith.constant 0 : i32
    return %c0_i32, %c0_i32_0 : i32, i32
  }
  func.func @transform_4(%arg0: i32) -> (i32, i32) {
    %c0_i32 = arith.constant 0 : i32
    %c0_i32_0 = arith.constant 0 : i32
    %c0_i32_1 = arith.constant 0 : i32
    return %c0_i32, %c0_i32_0 : i32, i32
  }
}

module attributes {stable_mosaic.version = 14 : i64} {
  func.func @_head_body(%arg0: memref<8x1024xf32, #tpu.memory_space<vmem>>, %arg1: memref<1x1024xf32, #tpu.memory_space<vmem>>, %arg2: memref<1x1024xf32, #tpu.memory_space<vmem>>, %arg3: memref<1x1024xf32, #tpu.memory_space<vmem>>, %arg4: memref<1x1024xf32, #tpu.memory_space<vmem>>, %arg5: memref<1024x512xf32, #tpu.memory_space<vmem>>, %arg6: memref<1x512xf32, #tpu.memory_space<vmem>>, %arg7: memref<1x512xf32, #tpu.memory_space<vmem>>, %arg8: memref<1x512xf32, #tpu.memory_space<vmem>>, %arg9: memref<512x256xf32, #tpu.memory_space<vmem>>, %arg10: memref<1x256xf32, #tpu.memory_space<vmem>>, %arg11: memref<1x256xf32, #tpu.memory_space<vmem>>, %arg12: memref<1x256xf32, #tpu.memory_space<vmem>>, %arg13: memref<256x10xf32, #tpu.memory_space<vmem>>, %arg14: memref<1x10xf32, #tpu.memory_space<vmem>>, %arg15: memref<8x10xf32, #tpu.memory_space<vmem>>) attributes {dimension_semantics = [], scalar_prefetch = 0 : i64, scratch_operands = 0 : i64, tpu.core_type = #tpu.core_type<tc>} {
    %get3A = arith.constant 0 : index
    %get3A_0 = arith.constant 0 : index
    %get3A_1 = vector.load %arg0[%get3A, %get3A_0] : memref<8x1024xf32, #tpu.memory_space<vmem>>, vector<8x1024xf32>
    %get3A_2 = arith.constant 0 : index
    %get3A_3 = arith.constant 0 : index
    %get3A_4 = vector.load %arg1[%get3A_2, %get3A_3] : memref<1x1024xf32, #tpu.memory_space<vmem>>, vector<1x1024xf32>
    %sub3A = vector.broadcast %get3A_4 : vector<1x1024xf32> to vector<8x1024xf32>
    %sub3A_5 = arith.subf %get3A_1, %sub3A : vector<8x1024xf32>
    %get3A_6 = arith.constant 0 : index
    %get3A_7 = arith.constant 0 : index
    %get3A_8 = vector.load %arg2[%get3A_6, %get3A_7] : memref<1x1024xf32, #tpu.memory_space<vmem>>, vector<1x1024xf32>
    %add3A = arith.constant 9.99999974E-6 : f32
    %add3A_9 = vector.broadcast %add3A : f32 to vector<1x1024xf32>
    %add3A_10 = arith.addf %get3A_8, %add3A_9 : vector<1x1024xf32>
    %sqrt3A = math.sqrt %add3A_10 : vector<1x1024xf32>
    %div3A = vector.broadcast %sqrt3A : vector<1x1024xf32> to vector<8x1024xf32>
    %div3A_11 = arith.divf %sub3A_5, %div3A : vector<8x1024xf32>
    %get3A_12 = arith.constant 0 : index
    %get3A_13 = arith.constant 0 : index
    %get3A_14 = vector.load %arg3[%get3A_12, %get3A_13] : memref<1x1024xf32, #tpu.memory_space<vmem>>, vector<1x1024xf32>
    %mul3A = vector.broadcast %get3A_14 : vector<1x1024xf32> to vector<8x1024xf32>
    %mul3A_15 = arith.mulf %div3A_11, %mul3A : vector<8x1024xf32>
    %get3A_16 = arith.constant 0 : index
    %get3A_17 = arith.constant 0 : index
    %get3A_18 = vector.load %arg4[%get3A_16, %get3A_17] : memref<1x1024xf32, #tpu.memory_space<vmem>>, vector<1x1024xf32>
    %add3A_19 = vector.broadcast %get3A_18 : vector<1x1024xf32> to vector<8x1024xf32>
    %add3A_20 = arith.addf %mul3A_15, %add3A_19 : vector<8x1024xf32>
    %get3A_21 = arith.constant 0 : index
    %get3A_22 = arith.constant 0 : index
    %get3A_23 = vector.load %arg5[%get3A_21, %get3A_22] : memref<1024x512xf32, #tpu.memory_space<vmem>>, vector<1024x512xf32>
    %dot_general3A = arith.constant dense<0.000000e+00> : vector<8x512xf32>
    %dot_general3A_24 = tpu.matmul %add3A_20, %get3A_23, %dot_general3A {dimension_numbers = #tpu.dot_dimension_numbers<[1], [0], [0], [1], [0, 0, 1, 1], [], []>, transpose_lhs_hint = false} : vector<8x1024xf32>, vector<1024x512xf32>, vector<8x512xf32> -> vector<8x512xf32>
    %get3A_25 = arith.constant 0 : index
    %get3A_26 = arith.constant 0 : index
    %get3A_27 = vector.load %arg6[%get3A_25, %get3A_26] : memref<1x512xf32, #tpu.memory_space<vmem>>, vector<1x512xf32>
    %add3A_28 = vector.broadcast %get3A_27 : vector<1x512xf32> to vector<8x512xf32>
    %add3A_29 = arith.addf %dot_general3A_24, %add3A_28 : vector<8x512xf32>
    %max3A = arith.constant 0.000000e+00 : f32
    %max3A_30 = vector.broadcast %max3A : f32 to vector<8x512xf32>
    %max3A_31 = arith.maximumf %add3A_29, %max3A_30 : vector<8x512xf32>
    %reduce_sum3A = arith.constant dense<0.000000e+00> : vector<512xf32>
    %reduce_sum3A_32 = vector.multi_reduction <add>, %max3A_31, %reduce_sum3A [0] : vector<8x512xf32> to vector<512xf32>
    %broadcast_in_dim3A = vector.shape_cast %reduce_sum3A_32 : vector<512xf32> to vector<1x512xf32>
    %div3A_33 = arith.constant 8.000000e+00 : f32
    %div3A_34 = vector.broadcast %div3A_33 : f32 to vector<1x512xf32>
    %div3A_35 = arith.divf %broadcast_in_dim3A, %div3A_34 : vector<1x512xf32>
    %sub3A_36 = vector.broadcast %div3A_35 : vector<1x512xf32> to vector<8x512xf32>
    %sub3A_37 = arith.subf %max3A_31, %sub3A_36 : vector<8x512xf32>
    %mul3A_38 = arith.mulf %sub3A_37, %sub3A_37 : vector<8x512xf32>
    %reduce_sum3A_39 = arith.constant dense<0.000000e+00> : vector<512xf32>
    %reduce_sum3A_40 = vector.multi_reduction <add>, %mul3A_38, %reduce_sum3A_39 [0] : vector<8x512xf32> to vector<512xf32>
    %broadcast_in_dim3A_41 = vector.shape_cast %reduce_sum3A_40 : vector<512xf32> to vector<1x512xf32>
    %div3A_42 = arith.constant 8.000000e+00 : f32
    %div3A_43 = vector.broadcast %div3A_42 : f32 to vector<1x512xf32>
    %div3A_44 = arith.divf %broadcast_in_dim3A_41, %div3A_43 : vector<1x512xf32>
    %add3A_45 = arith.constant 9.99999974E-6 : f32
    %add3A_46 = vector.broadcast %add3A_45 : f32 to vector<1x512xf32>
    %add3A_47 = arith.addf %div3A_44, %add3A_46 : vector<1x512xf32>
    %sqrt3A_48 = math.sqrt %add3A_47 : vector<1x512xf32>
    %div3A_49 = vector.broadcast %sqrt3A_48 : vector<1x512xf32> to vector<8x512xf32>
    %div3A_50 = arith.divf %sub3A_37, %div3A_49 : vector<8x512xf32>
    %get3A_51 = arith.constant 0 : index
    %get3A_52 = arith.constant 0 : index
    %get3A_53 = vector.load %arg7[%get3A_51, %get3A_52] : memref<1x512xf32, #tpu.memory_space<vmem>>, vector<1x512xf32>
    %mul3A_54 = vector.broadcast %get3A_53 : vector<1x512xf32> to vector<8x512xf32>
    %mul3A_55 = arith.mulf %div3A_50, %mul3A_54 : vector<8x512xf32>
    %get3A_56 = arith.constant 0 : index
    %get3A_57 = arith.constant 0 : index
    %get3A_58 = vector.load %arg8[%get3A_56, %get3A_57] : memref<1x512xf32, #tpu.memory_space<vmem>>, vector<1x512xf32>
    %add3A_59 = vector.broadcast %get3A_58 : vector<1x512xf32> to vector<8x512xf32>
    %add3A_60 = arith.addf %mul3A_55, %add3A_59 : vector<8x512xf32>
    %get3A_61 = arith.constant 0 : index
    %get3A_62 = arith.constant 0 : index
    %get3A_63 = vector.load %arg9[%get3A_61, %get3A_62] : memref<512x256xf32, #tpu.memory_space<vmem>>, vector<512x256xf32>
    %dot_general3A_64 = arith.constant dense<0.000000e+00> : vector<8x256xf32>
    %dot_general3A_65 = tpu.matmul %add3A_60, %get3A_63, %dot_general3A_64 {dimension_numbers = #tpu.dot_dimension_numbers<[1], [0], [0], [1], [0, 0, 1, 1], [], []>, transpose_lhs_hint = false} : vector<8x512xf32>, vector<512x256xf32>, vector<8x256xf32> -> vector<8x256xf32>
    %get3A_66 = arith.constant 0 : index
    %get3A_67 = arith.constant 0 : index
    %get3A_68 = vector.load %arg10[%get3A_66, %get3A_67] : memref<1x256xf32, #tpu.memory_space<vmem>>, vector<1x256xf32>
    %add3A_69 = vector.broadcast %get3A_68 : vector<1x256xf32> to vector<8x256xf32>
    %add3A_70 = arith.addf %dot_general3A_65, %add3A_69 : vector<8x256xf32>
    %max3A_71 = arith.constant 0.000000e+00 : f32
    %max3A_72 = vector.broadcast %max3A_71 : f32 to vector<8x256xf32>
    %max3A_73 = arith.maximumf %add3A_70, %max3A_72 : vector<8x256xf32>
    %reduce_sum3A_74 = arith.constant dense<0.000000e+00> : vector<256xf32>
    %reduce_sum3A_75 = vector.multi_reduction <add>, %max3A_73, %reduce_sum3A_74 [0] : vector<8x256xf32> to vector<256xf32>
    %broadcast_in_dim3A_76 = vector.shape_cast %reduce_sum3A_75 : vector<256xf32> to vector<1x256xf32>
    %div3A_77 = arith.constant 8.000000e+00 : f32
    %div3A_78 = vector.broadcast %div3A_77 : f32 to vector<1x256xf32>
    %div3A_79 = arith.divf %broadcast_in_dim3A_76, %div3A_78 : vector<1x256xf32>
    %sub3A_80 = vector.broadcast %div3A_79 : vector<1x256xf32> to vector<8x256xf32>
    %sub3A_81 = arith.subf %max3A_73, %sub3A_80 : vector<8x256xf32>
    %mul3A_82 = arith.mulf %sub3A_81, %sub3A_81 : vector<8x256xf32>
    %reduce_sum3A_83 = arith.constant dense<0.000000e+00> : vector<256xf32>
    %reduce_sum3A_84 = vector.multi_reduction <add>, %mul3A_82, %reduce_sum3A_83 [0] : vector<8x256xf32> to vector<256xf32>
    %broadcast_in_dim3A_85 = vector.shape_cast %reduce_sum3A_84 : vector<256xf32> to vector<1x256xf32>
    %div3A_86 = arith.constant 8.000000e+00 : f32
    %div3A_87 = vector.broadcast %div3A_86 : f32 to vector<1x256xf32>
    %div3A_88 = arith.divf %broadcast_in_dim3A_85, %div3A_87 : vector<1x256xf32>
    %add3A_89 = arith.constant 9.99999974E-6 : f32
    %add3A_90 = vector.broadcast %add3A_89 : f32 to vector<1x256xf32>
    %add3A_91 = arith.addf %div3A_88, %add3A_90 : vector<1x256xf32>
    %sqrt3A_92 = math.sqrt %add3A_91 : vector<1x256xf32>
    %div3A_93 = vector.broadcast %sqrt3A_92 : vector<1x256xf32> to vector<8x256xf32>
    %div3A_94 = arith.divf %sub3A_81, %div3A_93 : vector<8x256xf32>
    %get3A_95 = arith.constant 0 : index
    %get3A_96 = arith.constant 0 : index
    %get3A_97 = vector.load %arg11[%get3A_95, %get3A_96] : memref<1x256xf32, #tpu.memory_space<vmem>>, vector<1x256xf32>
    %mul3A_98 = vector.broadcast %get3A_97 : vector<1x256xf32> to vector<8x256xf32>
    %mul3A_99 = arith.mulf %div3A_94, %mul3A_98 : vector<8x256xf32>
    %get3A_100 = arith.constant 0 : index
    %get3A_101 = arith.constant 0 : index
    %get3A_102 = vector.load %arg12[%get3A_100, %get3A_101] : memref<1x256xf32, #tpu.memory_space<vmem>>, vector<1x256xf32>
    %add3A_103 = vector.broadcast %get3A_102 : vector<1x256xf32> to vector<8x256xf32>
    %add3A_104 = arith.addf %mul3A_99, %add3A_103 : vector<8x256xf32>
    %get3A_105 = arith.constant 0 : index
    %get3A_106 = arith.constant 0 : index
    %get3A_107 = vector.load %arg13[%get3A_105, %get3A_106] : memref<256x10xf32, #tpu.memory_space<vmem>>, vector<256x10xf32>
    %dot_general3A_108 = arith.constant dense<0.000000e+00> : vector<8x10xf32>
    %dot_general3A_109 = tpu.matmul %add3A_104, %get3A_107, %dot_general3A_108 {dimension_numbers = #tpu.dot_dimension_numbers<[1], [0], [0], [1], [0, 0, 1, 1], [], []>, transpose_lhs_hint = false} : vector<8x256xf32>, vector<256x10xf32>, vector<8x10xf32> -> vector<8x10xf32>
    %get3A_110 = arith.constant 0 : index
    %get3A_111 = arith.constant 0 : index
    %get3A_112 = vector.load %arg14[%get3A_110, %get3A_111] : memref<1x10xf32, #tpu.memory_space<vmem>>, vector<1x10xf32>
    %add3A_113 = vector.broadcast %get3A_112 : vector<1x10xf32> to vector<8x10xf32>
    %add3A_114 = arith.addf %dot_general3A_109, %add3A_113 : vector<8x10xf32>
    %swap3A = arith.constant 0 : index
    %swap3A_115 = arith.constant 0 : index
    %swap3A_116 = vector.load %arg15[%swap3A, %swap3A_115] : memref<8x10xf32, #tpu.memory_space<vmem>>, vector<8x10xf32>
    tpu.vector_store %arg15[%swap3A, %swap3A_115], %add3A_114 {strides = array<i32>} : memref<8x10xf32, #tpu.memory_space<vmem>>, vector<8x10xf32>,
    return
  }
}

</mosaic_0001>

<sc_bundles>
// kernel: kernel.20.cloned.1.call-start
scs
__scs_entry_jumppad:
0x0: {  	(pc) =	sbr.rel $0x88, $3  }
0x1: {  	(tag) =	ssettag $0x0;
	lr =	simm.s32 $0x1  }
0x2: {  	[smem:$0x3F80] =	sst lr;
	_ =	strace $0xD0000000  }
0x3: {  	_ = 	snop  }
0x4: {  	_ = 	snop  }
0x5: {  	_ = 	snop  }
0x6: {  	_ = 	snop  }
0x7: {  	_ = 	snop  }
__scs_overlays_trampoline_lowered:
0x8: {  	[smem:$0x3F8F] =	sst s0  }
0x9: {  	[smem:$0x3F90] =	sst s1  }
0xa: {  	[smem:$0x3F91] =	sst s2  }
0xb: {  	[smem:$0x3F92] =	sst s3  }
0xc: {  	[smem:$0x3F93] =	sst s4  }
0xd: {  	[smem:$0x3F94] =	sst s5  }
0xe: {  	[smem:$0x3F95] =	sst s6  }
0xf: {  	[smem:$0x3F96] =	sst s7  }
0x10: {  	[smem:$0x3F97] =	sst s8  }
0x11: {  	[smem:$0x3F98] =	sst s9;
	s0 =	simm.s32 @!p0 $0x0  }
0x12: {  	s1 =	sld [smem:$0x3F7E];
	s0 =	simm.s32 @p0 $0x1  }
0x13: {  	[smem:$0x3F99] =	sst s0;
	s0 =	simm.s32 @!p1 $0x0  }
0x14: {  	s2 =	sld [smem:$0x3F7D];
	s0 =	simm.s32 @p1 $0x1  }
0x15: {  	[smem:$0x3F9A] =	sst s0;
	s0 =	simm.s32 @!p2 $0x0  }
0x16: {  	s3 =	sld [smem:$0x3FDB];
	s0 =	simm.s32 @p2 $0x1  }
0x17: {  	s4 =	simm.s32 $0x1BF5;
	[smem:$0x3F9C] =	sst s0  }
0x18: {  	s0 =	sld [smem:$0x3F7F];
	_ =	swait.ge [sflag:s4], $0x0  }
0x19: {  	s7 =	sld [smem:$0x3F80]  }
0x1a: {  	s8 =	sadd.s32 $0xFFFFE003, lr  }
0x1b: {  	s9 =	sadd.s32 $0xFFFFFEF7, lr;
	s5 =	simm.s32 $0xFFFFFFFF;
	p2 =	slt.u32 s8, $0xFFFFF086  }
0x1c: {  	p1 =	slt.u32 s9, $0xF7A;
	s5 =	simm.s32 @!p2 $0x0  }
0x1d: {  	s5 =	simm.s32 @p1 $0x1;
	p0 =	seq.s32 s7, s2  }
0x1e: {  	s7 =	smul.u32 @!p0 $0xF7A, s2;
	p2 =	seq.s32 @!p0 s5, $0x0  }
0x1f: {  	s9 =	smul.u32 $0xF7A, s1;
	s8 =	simm.s32 @!p0 $0x1BF5;
	p2 =	por !p2, p0  }
0x20: {  	[sflag:s8] =	ssyncset.s32 @!p0 $0xFFFFF086;
	s6 =	sadd.s32 @!p0 s3, s7;
	s7 =	simm.s32 @!p0 $0x108  }
0x21: {  	s3 =	sadd.s32 s3, s9;
	s6 =	sadd.s32 @!p0 $0x88, s6;
	s7 =	simm.s32 @p2 $0x1082  }
0x22: {  	[simem:s7], [sflag:s8] =	dma.local @!p0 [hbm:s6], $0xF7A  }
0x23: {  	s9 =	sor.u32 $0xD0000000, s2;
	s6 =	simm.s32 $0x108;
	_ =	swait.ge @!p0 [sflag:s8], $0x0  }
0x24: {  	s3 =	sadd.s32 $0x88, s3;
	s6 =	simm.s32 @!p1 $0x1082;
	[sflag:s4] =	ssyncset.s32 $0xFFFFF086  }
0x25: {  	[simem:s6], [sflag:s4] =	dma.local [hbm:s3], $0xF7A  }
0x26: {  	[smem:$0x3F80] =	sst s1;
	(tag) =	ssettag s2;
	_ =	strace s9  }
0x27: {  	s1 =	sld [smem:$0x3F90]  }
0x28: {  	s2 =	sld [smem:$0x3F91]  }
0x29: {  	s4 =	sld [smem:$0x3F93]  }
0x2a: {  	p0 =	seq.s32 s5, $0x0;
	s5 =	sld [smem:$0x3F94]  }
0x2b: {  	s6 =	sld [smem:$0x3F95]  }
0x2c: {  	s7 =	sld [smem:$0x3F96]  }
0x2d: {  	s3 =	simm.s32 $0x108;
	s8 =	sld [smem:$0x3F97]  }
0x2e: {  	s3 =	simm.s32 @!p0 $0x1082;
	s9 =	sld [smem:$0x3F98]  }
0x2f: {  	lr =	sadd.s32 s0, s3;
	s0 =	sld [smem:$0x3F8F]  }
0x30: {  	s3 =	sld [smem:$0x3F92]  }
0x31: {  	[smem:$0x3F9B] =	sst s10  }
0x32: {  	s10 =	sld [smem:$0x3F99];
	_ =	sdelay $0x3  }
0x33: {  	p0 =	seq.s32 s10, $0x1;
	s10 =	sld [smem:$0x3F9B];
	_ =	sdelay $0x3  }
0x34: {  	[smem:$0x3F9B] =	sst s10  }
0x35: {  	s10 =	sld [smem:$0x3F9A];
	_ =	sdelay $0x3  }
0x36: {  	p1 =	seq.s32 s10, $0x1;
	s10 =	sld [smem:$0x3F9B];
	_ =	sdelay $0x3  }
0x37: {  	[smem:$0x3F9B] =	sst s10  }
0x38: {  	s10 =	sld [smem:$0x3F9C]  }
0x39: {  	_ = 	snop;
	(pc) =	sbr.ind lr, $3  }
0x3a: {  	_ = 	snop  }
0x3b: {  	_ = 	snop  }
0x3c: {  	p2 =	seq.s32 s10, $0x1;
	s10 =	sld [smem:$0x3F9B]  }
0x3d: {  	_ =	shalt  }
0x3e: {  	_ =	shalt  }
0x3f: {  	_ =	shalt  }
0x40: {  	_ =	shalt  }
0x41: {  	_ =	shalt  }
0x42: {  	_ =	shalt  }
0x43: {  	_ =	shalt  }
0x44: {  	_ =	shalt  }
0x45: {  	_ =	shalt  }
0x46: {  	_ =	shalt  }
0x47: {  	_ =	shalt  }
0x48: {  	_ =	shalt  }
0x49: {  	_ =	shalt  }
0x4a: {  	_ =	shalt  }
0x4b: {  	_ =	shalt  }
0x4c: {  	_ =	shalt  }
0x4d: {  	_ =	shalt  }
0x4e: {  	_ =	shalt  }
0x4f: {  	_ =	shalt  }
0x50: {  	_ =	shalt  }
0x51: {  	_ =	shalt  }
0x52: {  	_ =	shalt  }
0x53: {  	_ =	shalt  }
0x54: {  	_ =	shalt  }
0x55: {  	_ =	shalt  }
0x56: {  	_ =	shalt  }
0x57: {  	_ =	shalt  }
0x58: {  	_ =	shalt  }
0x59: {  	_ =	shalt  }
0x5a: {  	_ =	shalt  }
0x5b: {  	_ =	shalt  }
0x5c: {  	_ =	shalt  }
0x5d: {  	_ =	shalt  }
0x5e: {  	_ =	shalt  }
0x5f: {  	_ =	shalt  }
0x60: {  	_ =	shalt  }
0x61: {  	_ =	shalt  }
0x62: {  	_ =	shalt  }
0x63: {  	_ =	shalt  }
0x64: {  	_ =	shalt  }
0x65: {  	_ =	shalt  }
0x66: {  	_ =	shalt  }
0x67: {  	_ =	shalt  }
0x68: {  	_ =	shalt  }
0x69: {  	_ =	shalt  }
0x6a: {  	_ =	shalt  }
0x6b: {  	_ =	shalt  }
0x6c: {  	_ =	shalt  }
0x6d: {  	_ =	shalt  }
0x6e: {  	_ =	shalt  }
0x6f: {  	_ =	shalt  }
0x70: {  	_ =	shalt  }
0x71: {  	_ =	shalt  }
0x72: {  	_ =	shalt  }
0x73: {  	_ =	shalt  }
0x74: {  	_ =	shalt  }
0x75: {  	_ =	shalt  }
0x76: {  	_ =	shalt  }
0x77: {  	_ =	shalt  }
0x78: {  	_ =	shalt  }
0x79: {  	_ =	shalt  }
0x7a: {  	_ =	shalt  }
0x7b: {  	_ =	shalt  }
0x7c: {  	_ =	shalt  }
0x7d: {  	_ =	shalt  }
0x7e: {  	_ =	shalt  }
0x7f: {  	_ =	shalt  }
0x80: {  	_ =	shalt  }
0x81: {  	_ =	shalt  }
0x82: {  	_ =	shalt  }
0x83: {  	_ =	shalt  }
0x84: {  	_ =	shalt  }
0x85: {  	_ =	shalt  }
0x86: {  	_ =	shalt  }
0x87: {  	_ =	shalt  }
.Lfunc_end0:
.L_simem_size_0:
called_computation_lowered:
.L_overlay_start_0:
0x88: {  	s2 =	sld [smem:$0x3FD9]  }
0x89: {  	s3 =	sld [smem:$0x3FFE];
	_ =	sdelay $0x1  }
0x8a: {  	s1 =	srdreg.scid  }
0x8b: {  	s0 =	sand.u32 $0x1, s1  }
0x8c: {  	s16 =	sshll.u32 s0, $0xA;
	s2 =	sadd.s32 s3, s2  }
0x8d: {  	s2 =	sadd.s32 s2, s16  }
0x8e: {  	[smem:$0x3FA7] =	sst s2  }
0x8f: {  	_ = 	snop  }
0x90: {  	(tm) =	ssettm $0x1  }
0x91: {  	s17 =	sld [smem:$0x3FFB];
	_ =	sdelay $0x3  }
0x92: {  	_ =	strace s17  }
0x93: {  	s2 =	sld [smem:$0x3FFC];
	_ =	sdelay $0x3  }
0x94: {  	_ =	strace s2  }
0x95: {  	s2 =	sld [smem:$0x3FFD];
	_ =	sdelay $0x3  }
0x96: {  	_ =	strace s2  }
0x97: {  	_ =	strace $0x8FFFFFFF  }
0x98: {  	s18 =	sld [smem:$0x3FDB];
	_ =	sdelay $0x1  }
0x99: {  	s19 =	simm.s32 $_scs_section_size  }
0x9a: {  	s4 =	simm.s32 $_size__tile_overlayer_lowered;
	s5 =	simm.s32 $_tile_overlayer_lowered  }
0x9b: {  	s22 =	simm.s32 $0x1BFF;
	s21 =	sshll.u32 s5, $0x1;
	s2 =	sadd.s32 s19, s18  }
0x9c: {  	s6 =	simm.s32 $0x0;
	s20 =	sshll.u32 s4, $0x1;
	s4 =	sadd.s32 s21, s2  }
0x9d: {  	[timem:s6], [sflag:s22] =	dma.local [hbm:s4], s20  }
0x9e: {  	_ =	swait.ge [sflag:s22], s20  }
0x9f: {  	s3 =	ssub.s32 $0x0, s20;
	[sflag:s22] =	ssyncset.done $0x0  }
0xa0: {  	[sflag:s22] =	ssyncadd.s32 s3;
	_ =	sdelay $0x1  }
0xa1: {  	s23 =	simm.s32 $0x1B8B  }
0xa2: {  	_ =	swait.ge [sflag:s23], $0x1  }
0xa3: {  	[sflag:s23] =	ssyncset.done $0x0  }
0xa4: {  	s25 =	simm.s32 $0x1B8E;
	s24 =	sld [smem:$0x3FFE];
	[sflag:s23] =	ssyncadd.s32 $0xFFFFFFFF  }
0xa5: {  	s26 =	simm.s32 $execute0_lowered;
	[smem:$0x3FD2] =	sst s25  }
0xa6: {  	s4 =	sshll.u32 s26, $0x1;
	_ =	strace $0x80000046;
	[dreg:$0x1] =	wrdreg $0xFFFFFFFF  }
0xa7: {  	s28 =	simm.s32 $_size_execute0_lowered;
	s2 =	sadd.s32 s2, s4;
	[dreg:$0x0] =	wrdreg $0x0  }
0xa8: {  	s4 =	sshll.u32 s28, $0x1;
	[dreg:$0x2] =	wrdreg s2  }
0xa9: {  	[dreg:$0x3] =	wrdreg s4  }
0xaa: {  	[dreg:$0x4] =	wrdreg $0xC0  }
0xab: {  	_ =	task [dreg:s6], $0x5FFFF  }
0xac: {  	[dreg:$0x1] =	wrdreg $0xFFFFFFFF  }
0xad: {  	[dreg:$0x0] =	wrdreg $0x60  }
0xae: {  	[dreg:$0x2] =	wrdreg s24  }
0xaf: {  	[dreg:$0x3] =	wrdreg $0x9  }
0xb0: {  	_ =	task.clear_ibuf [dreg:s6], $0x4FFFF;
	_ =	strace $0x90000046  }
0xb1: {  	s29 =	simm.s32 $0x9;
	_ =	strace $0x80000048  }
0xb2: {  	_ =	swait.ge [sflag:s29], $0x1  }
0xb3: {  	[sflag:s29] =	ssyncadd.s32 $0xFFFFFFFF  }
0xb4: {  	_ =	strace $0x90000048  }
0xb5: {  	_ =	sfence  }
0xb6: {  	s30 =	sld [smem:$0x0];
	_ =	sdelay $0x2  }
0xb7: {  	s31 =	sshll.u32 s1, $0xD;
	s1 =	sshrl.u32 s1, $0x2  }
0xb8: {  	s3 =	sand.u32 $0x4000, s31;
	s1 =	sadd.s32 s1, s30  }
0xb9: {  	s0 =	sor.u32 s3, s0;
	s1 =	sshll.u32 s1, $0x11  }
0xba: {  	s0 =	sor.u32 s1, s0  }
0xbb: {  	s0 =	sadd.s32 $0x8F2B, s0  }
0xbc: {  	[sflag:s0] =	ssyncadd.remote.s32 $0x1  }
0xbd: {  	_ =	sfence.sel $0xFFFF  }
0xbe: {  	[dreg:$0x0] =	wrdreg $0xFFFFFFFF;
	(pc) =	sbr.abs _section_cstart, $3  }
0xbf: {  	[dreg:$0x1] =	wrdreg $0xFFFFFFFF  }
0xc0: {  	_ =	task.clear_ibuf [dreg:s6], $0x2FFFF;
	_ =	strace $0x9FFFFFFF  }
0xc1: {  	(tm) =	ssettm $0x7FFFFFFF  }
tec
execute0_lowered:
.L_overlay_start_1:
0x0: {  	(tag) =	ssettag $0x1  }
0x1: {  	s4 =	rddreg [dreg:$0x0]  }
0x2: {  	s0 =	rddreg [dreg:$0x1];
	s2 =	simm.s32 $0x0;
	s1 =	stileid.u32  }
0x3: {  	s3 =	srdreg.scid;
	s10 =	simm.s32 $0x0;
	s6 =	smul.u32 $0x1400, s1  }
0x4: {  	[smem:$0x7FF] =	sst s2;
	s5 =	sand.u32 $0x1, s3;
	s8 =	smul.u32 $0x14000, s1  }
0x5: {  	s3 =	sadd.s32 $0x108E00, s4;
	s7 =	smul.u32 $0xA00, s5;
	s9 =	ssub.s32 $0x2, s5  }
0x6: {  	_ =	strace $0x80000047;
	s5 =	smul.u32 $0xA000, s5;
	s31 =	sshrl.u32 s9, $0x1  }
0x7: {  	s8 =	sadd.s32 s8, s4;
	s6 =	sadd.s32 s7, s6;
	s7 =	ssub.s32 s9, s31  }
0x8: {  	s5 =	sadd.s32 s5, s8;
	s8 =	simm.s32 $0x80;
	s6 =	sshrl.u32 s6, $0x3  }
0x9: {  	s9 =	simm.s32 $0x1;
	s5 =	sadd.s32 $0x148E00, s5;
	s6 =	sadd.s32 s6, s4  }
0xa: {  	s4 =	smax.u32 s7, $0x1;
	s7 =	simm.s32 $0x2;
	s6 =	sadd.s32 $0xC8E00, s6  }
.LBB2_1:
0xb: {  	s11 =	sadd.s32 $0x0, s6  }
0xc: {  	[tilespmem:s2], [sflag:$0x2] =	stream.linear.gather [hbm4b:s11+s2], $0x80, $0x38;
	[tilespmem:$0x4080] =	vst v63  }
0xd: {  	_ =	swait.ge [sflag:s7], $0x80  }
0xe: {  	[sflag:s7] =	ssyncset.done $0x0  }
0xf: {  	[sflag:s7] =	ssyncadd.s32 $0xFFFFFF80  }
0x10: {  	[tilespmem:s8], [sflag:$0x1] =	stream.indirect.gather [hbm4b:s3+s8], $0x80, s2, s8, $0xb8;
	[tilespmem:$0x4080] =	vst v63  }
0x11: {  	_ =	swait.ge [sflag:s9], $0x4000  }
0x12: {  	[sflag:s9] =	ssyncset.done $0x0  }
0x13: {  	[sflag:s9] =	ssyncadd.s32 $0xFFFFC000  }
0x14: {  	[hbm4b:s5+s2] =	stream.linear.scatter [tilespmem:s8], [sflag:$0x2], $0x4000, $0x38;
	[tilespmem:$0x4080] =	vst v63  }
0x15: {  	s12 =	simm.s32 $0x10;
	_ =	swait.ge [sflag:s7], $0x4000  }
0x16: {  	s13 =	simm.s32 $0x20;
	s11 =	sadd.s32 $0x800, s5;
	[sflag:s7] =	ssyncset.done $0x0  }
.LBB2_2:
0x17: {  	s14 =	sadd.s32 s12, s6  }
0x18: {  	[sflag:s7] =	ssyncadd.s32 $0xFFFFC000;
	s12 =	smov.u32 s13;
	s15 =	sadd.s32 $0x10, s13  }
0x19: {  	[tilespmem:s2], [sflag:$0x2] =	stream.linear.gather [hbm4b:s14+s2], $0x80, $0x38;
	[tilespmem:$0x4080] =	vst v63  }
0x1a: {  	p0 =	sne.s32 s13, $0x130;
	_ =	swait.ge [sflag:s7], $0x80  }
0x1b: {  	[sflag:s7] =	ssyncset.done $0x0  }
0x1c: {  	[sflag:s7] =	ssyncadd.s32 $0xFFFFFF80  }
0x1d: {  	[tilespmem:s8], [sflag:$0x1] =	stream.indirect.gather [hbm4b:s3+s8], $0x80, s2, s8, $0xb8;
	[tilespmem:$0x4080] =	vst v63  }
0x1e: {  	_ =	swait.ge [sflag:s9], $0x4000  }
.Ltmp0:
0x1f: {  	[sflag:s9] =	ssyncset.done $0x0;
	(pc) =	sbr.rel @p0 .LBB2_2-.Ltmp0, $4  }
0x20: {  	[sflag:s9] =	ssyncadd.s32 $0xFFFFC000  }
0x21: {  	[hbm4b:s11+s2] =	stream.linear.scatter [tilespmem:s8], [sflag:$0x2], $0x4000, $0x38;
	[tilespmem:$0x4080] =	vst v63  }
0x22: {  	_ =	swait.ge [sflag:s7], $0x4000  }
0x23: {  	s13 =	smov.u32 s15;
	s11 =	sadd.s32 $0x800, s11;
	[sflag:s7] =	ssyncset.done $0x0  }
0x24: {  	s12 =	sadd.s32 s12, s6;
	[sflag:s7] =	ssyncadd.s32 $0xFFFFC000  }
0x25: {  	[tilespmem:s2], [sflag:$0x2] =	stream.linear.gather [hbm4b:s12+s2], $0x80, $0x38;
	[tilespmem:$0x4080] =	vst v63  }
0x26: {  	_ =	swait.ge [sflag:s7], $0x80  }
0x27: {  	[sflag:s7] =	ssyncset.done $0x0  }
0x28: {  	[sflag:s7] =	ssyncadd.s32 $0xFFFFFF80  }
0x29: {  	[tilespmem:s8], [sflag:$0x1] =	stream.indirect.gather [hbm4b:s3+s8], $0x80, s2, s8, $0xb8;
	[tilespmem:$0x4080] =	vst v63  }
0x2a: {  	s10 =	sadd.s32 $0x1, s10;
	_ =	swait.ge [sflag:s9], $0x4000  }
0x2b: {  	p0 =	sne.s32 s10, s4;
	[sflag:s9] =	ssyncset.done $0x0  }
.Ltmp1:
0x2c: {  	[sflag:s9] =	ssyncadd.s32 $0xFFFFC000;
	(pc) =	sbr.rel @p0 .LBB2_1-.Ltmp1, $4  }
0x2d: {  	[hbm4b:s11+s2] =	stream.linear.scatter [tilespmem:s8], [sflag:$0x2], $0x4000, $0x38;
	[tilespmem:$0x4080] =	vst v63  }
0x2e: {  	_ =	swait.ge [sflag:s7], $0x4000  }
0x2f: {  	[sflag:s7] =	ssyncset.done $0x0  }
0x30: {  	[sflag:s7] =	ssyncadd.s32 $0xFFFFC000  }
0x31: {  	_ =	sfence.sel $0x180000  }
0x32: {  	[bflag:$0x0] =	sbarrier.arrive $0xFFFF  }
0x33: {  	p0 =	sne.s32 s1, $0x0;
	_ =	strace $0x90000047  }
0x34: {  	s0 =	sadd.s32 @!p0 $0x100000, s0;
	[bflag:$0x2] =	sbarrier.arrive $0xFFFF  }
0x35: {  	[sflag:s0] =	ssyncadd.tile.s32 @!p0 $0x1;
	_ =	shalt  }
.Lfunc_end2:
_tile_overlayer_lowered:
.L_overlay_start_2:
0x36: {  	(tag) =	ssettag $0x2  }
0x37: {  	s0 =	rddreg [dreg:$0x0];
	s2 =	stileid.u32  }
0x38: {  	s1 =	rddreg [dreg:$0x1];
	p0 =	sne.s32 s2, $0x0  }
0x39: {  	s3 =	rddreg [dreg:$0x2];
	[bflag:$0x3] =	sbarrier.arrive $0xFFFF;
	s2 =	simm.s32 @!p0 $0x1C02  }
0x3a: {  	[timem:s3], [sflag:s2] =	dma.local @!p0 [hbm:s0], s1  }
0x3b: {  	s0 =	simm.s32 @!p0 $0x2  }
0x3c: {  	_ =	swait.ge @!p0 [sflag:s0], s1  }
0x3d: {  	s1 =	ssub.s32 @!p0 $0x0, s1;
	[sflag:s0] =	ssyncset.done @!p0 $0x0  }
0x3e: {  	[sflag:s0] =	ssyncadd.s32 @!p0 s1  }
0x3f: {  	[bflag:$0x3] =	sbarrier.arrive $0xFFFF  }
0x40: {  	_ =	shalt  }

// kernel: kernel.23.cloned.1.call-start
scs
__scs_entry_jumppad:
0x0: {  	(pc) =	sbr.rel $0x88, $3  }
0x1: {  	(tag) =	ssettag $0x0;
	lr =	simm.s32 $0x1  }
0x2: {  	[smem:$0x3F80] =	sst lr;
	_ =	strace $0xD0000000  }
0x3: {  	_ = 	snop  }
0x4: {  	_ = 	snop  }
0x5: {  	_ = 	snop  }
0x6: {  	_ = 	snop  }
0x7: {  	_ = 	snop  }
__scs_overlays_trampoline_lowered:
0x8: {  	[smem:$0x3F8F] =	sst s0  }
0x9: {  	[smem:$0x3F90] =	sst s1  }
0xa: {  	[smem:$0x3F91] =	sst s2  }
0xb: {  	[smem:$0x3F92] =	sst s3  }
0xc: {  	[smem:$0x3F93] =	sst s4  }
0xd: {  	[smem:$0x3F94] =	sst s5  }
0xe: {  	[smem:$0x3F95] =	sst s6  }
0xf: {  	[smem:$0x3F96] =	sst s7  }
0x10: {  	[smem:$0x3F97] =	sst s8  }
0x11: {  	[smem:$0x3F98] =	sst s9;
	s0 =	simm.s32 @!p0 $0x0  }
0x12: {  	s1 =	sld [smem:$0x3F7E];
	s0 =	simm.s32 @p0 $0x1  }
0x13: {  	[smem:$0x3F99] =	sst s0;
	s0 =	simm.s32 @!p1 $0x0  }
0x14: {  	s2 =	sld [smem:$0x3F7D];
	s0 =	simm.s32 @p1 $0x1  }
0x15: {  	[smem:$0x3F9A] =	sst s0;
	s0 =	simm.s32 @!p2 $0x0  }
0x16: {  	s3 =	sld [smem:$0x3FDB];
	s0 =	simm.s32 @p2 $0x1  }
0x17: {  	s4 =	simm.s32 $0x1BF5;
	[smem:$0x3F9C] =	sst s0  }
0x18: {  	s0 =	sld [smem:$0x3F7F];
	_ =	swait.ge [sflag:s4], $0x0  }
0x19: {  	s7 =	sld [smem:$0x3F80]  }
0x1a: {  	s8 =	sadd.s32 $0xFFFFE003, lr  }
0x1b: {  	s9 =	sadd.s32 $0xFFFFFEF7, lr;
	s5 =	simm.s32 $0xFFFFFFFF;
	p2 =	slt.u32 s8, $0xFFFFF086  }
0x1c: {  	p1 =	slt.u32 s9, $0xF7A;
	s5 =	simm.s32 @!p2 $0x0  }
0x1d: {  	s5 =	simm.s32 @p1 $0x1;
	p0 =	seq.s32 s7, s2  }
0x1e: {  	s7 =	smul.u32 @!p0 $0xF7A, s2;
	p2 =	seq.s32 @!p0 s5, $0x0  }
0x1f: {  	s9 =	smul.u32 $0xF7A, s1;
	s8 =	simm.s32 @!p0 $0x1BF5;
	p2 =	por !p2, p0  }
0x20: {  	[sflag:s8] =	ssyncset.s32 @!p0 $0xFFFFF086;
	s6 =	sadd.s32 @!p0 s3, s7;
	s7 =	simm.s32 @!p0 $0x108  }
0x21: {  	s3 =	sadd.s32 s3, s9;
	s6 =	sadd.s32 @!p0 $0x88, s6;
	s7 =	simm.s32 @p2 $0x1082  }
0x22: {  	[simem:s7], [sflag:s8] =	dma.local @!p0 [hbm:s6], $0xF7A  }
0x23: {  	s9 =	sor.u32 $0xD0000000, s2;
	s6 =	simm.s32 $0x108;
	_ =	swait.ge @!p0 [sflag:s8], $0x0  }
0x24: {  	s3 =	sadd.s32 $0x88, s3;
	s6 =	simm.s32 @!p1 $0x1082;
	[sflag:s4] =	ssyncset.s32 $0xFFFFF086  }
0x25: {  	[simem:s6], [sflag:s4] =	dma.local [hbm:s3], $0xF7A  }
0x26: {  	[smem:$0x3F80] =	sst s1;
	(tag) =	ssettag s2;
	_ =	strace s9  }
0x27: {  	s1 =	sld [smem:$0x3F90]  }
0x28: {  	s2 =	sld [smem:$0x3F91]  }
0x29: {  	s4 =	sld [smem:$0x3F93]  }
0x2a: {  	p0 =	seq.s32 s5, $0x0;
	s5 =	sld [smem:$0x3F94]  }
0x2b: {  	s6 =	sld [smem:$0x3F95]  }
0x2c: {  	s7 =	sld [smem:$0x3F96]  }
0x2d: {  	s3 =	simm.s32 $0x108;
	s8 =	sld [smem:$0x3F97]  }
0x2e: {  	s3 =	simm.s32 @!p0 $0x1082;
	s9 =	sld [smem:$0x3F98]  }
0x2f: {  	lr =	sadd.s32 s0, s3;
	s0 =	sld [smem:$0x3F8F]  }
0x30: {  	s3 =	sld [smem:$0x3F92]  }
0x31: {  	[smem:$0x3F9B] =	sst s10  }
0x32: {  	s10 =	sld [smem:$0x3F99];
	_ =	sdelay $0x3  }
0x33: {  	p0 =	seq.s32 s10, $0x1;
	s10 =	sld [smem:$0x3F9B];
	_ =	sdelay $0x3  }
0x34: {  	[smem:$0x3F9B] =	sst s10  }
0x35: {  	s10 =	sld [smem:$0x3F9A];
	_ =	sdelay $0x3  }
0x36: {  	p1 =	seq.s32 s10, $0x1;
	s10 =	sld [smem:$0x3F9B];
	_ =	sdelay $0x3  }
0x37: {  	[smem:$0x3F9B] =	sst s10  }
0x38: {  	s10 =	sld [smem:$0x3F9C]  }
0x39: {  	_ = 	snop;
	(pc) =	sbr.ind lr, $3  }
0x3a: {  	_ = 	snop  }
0x3b: {  	_ = 	snop  }
0x3c: {  	p2 =	seq.s32 s10, $0x1;
	s10 =	sld [smem:$0x3F9B]  }
0x3d: {  	_ =	shalt  }
0x3e: {  	_ =	shalt  }
0x3f: {  	_ =	shalt  }
0x40: {  	_ =	shalt  }
0x41: {  	_ =	shalt  }
0x42: {  	_ =	shalt  }
0x43: {  	_ =	shalt  }
0x44: {  	_ =	shalt  }
0x45: {  	_ =	shalt  }
0x46: {  	_ =	shalt  }
0x47: {  	_ =	shalt  }
0x48: {  	_ =	shalt  }
0x49: {  	_ =	shalt  }
0x4a: {  	_ =	shalt  }
0x4b: {  	_ =	shalt  }
0x4c: {  	_ =	shalt  }
0x4d: {  	_ =	shalt  }
0x4e: {  	_ =	shalt  }
0x4f: {  	_ =	shalt  }
0x50: {  	_ =	shalt  }
0x51: {  	_ =	shalt  }
0x52: {  	_ =	shalt  }
0x53: {  	_ =	shalt  }
0x54: {  	_ =	shalt  }
0x55: {  	_ =	shalt  }
0x56: {  	_ =	shalt  }
0x57: {  	_ =	shalt  }
0x58: {  	_ =	shalt  }
0x59: {  	_ =	shalt  }
0x5a: {  	_ =	shalt  }
0x5b: {  	_ =	shalt  }
0x5c: {  	_ =	shalt  }
0x5d: {  	_ =	shalt  }
0x5e: {  	_ =	shalt  }
0x5f: {  	_ =	shalt  }
0x60: {  	_ =	shalt  }
0x61: {  	_ =	shalt  }
0x62: {  	_ =	shalt  }
0x63: {  	_ =	shalt  }
0x64: {  	_ =	shalt  }
0x65: {  	_ =	shalt  }
0x66: {  	_ =	shalt  }
0x67: {  	_ =	shalt  }
0x68: {  	_ =	shalt  }
0x69: {  	_ =	shalt  }
0x6a: {  	_ =	shalt  }
0x6b: {  	_ =	shalt  }
0x6c: {  	_ =	shalt  }
0x6d: {  	_ =	shalt  }
0x6e: {  	_ =	shalt  }
0x6f: {  	_ =	shalt  }
0x70: {  	_ =	shalt  }
0x71: {  	_ =	shalt  }
0x72: {  	_ =	shalt  }
0x73: {  	_ =	shalt  }
0x74: {  	_ =	shalt  }
0x75: {  	_ =	shalt  }
0x76: {  	_ =	shalt  }
0x77: {  	_ =	shalt  }
0x78: {  	_ =	shalt  }
0x79: {  	_ =	shalt  }
0x7a: {  	_ =	shalt  }
0x7b: {  	_ =	shalt  }
0x7c: {  	_ =	shalt  }
0x7d: {  	_ =	shalt  }
0x7e: {  	_ =	shalt  }
0x7f: {  	_ =	shalt  }
0x80: {  	_ =	shalt  }
0x81: {  	_ =	shalt  }
0x82: {  	_ =	shalt  }
0x83: {  	_ =	shalt  }
0x84: {  	_ =	shalt  }
0x85: {  	_ =	shalt  }
0x86: {  	_ =	shalt  }
0x87: {  	_ =	shalt  }
.Lfunc_end0:
.L_simem_size_0:
called_computation.1_lowered:
.L_overlay_start_0:
0x88: {  	s2 =	sld [smem:$0x3FD9]  }
0x89: {  	s3 =	sld [smem:$0x3FFE];
	_ =	sdelay $0x1  }
0x8a: {  	s1 =	srdreg.scid  }
0x8b: {  	s0 =	sand.u32 $0x1, s1  }
0x8c: {  	s16 =	sshll.u32 s0, $0xA;
	s2 =	sadd.s32 s3, s2  }
0x8d: {  	s2 =	sadd.s32 s2, s16  }
0x8e: {  	[smem:$0x3FA7] =	sst s2  }
0x8f: {  	_ = 	snop  }
0x90: {  	(tm) =	ssettm $0x1  }
0x91: {  	s17 =	sld [smem:$0x3FFB];
	_ =	sdelay $0x3  }
0x92: {  	_ =	strace s17  }
0x93: {  	s2 =	sld [smem:$0x3FFC];
	_ =	sdelay $0x3  }
0x94: {  	_ =	strace s2  }
0x95: {  	s2 =	sld [smem:$0x3FFD];
	_ =	sdelay $0x3  }
0x96: {  	_ =	strace s2  }
0x97: {  	_ =	strace $0x8FFFFFFF  }
0x98: {  	s18 =	sld [smem:$0x3FDB];
	_ =	sdelay $0x1  }
0x99: {  	s19 =	simm.s32 $_scs_section_size  }
0x9a: {  	s4 =	simm.s32 $_size__tile_overlayer_lowered;
	s5 =	simm.s32 $_tile_overlayer_lowered  }
0x9b: {  	s22 =	simm.s32 $0x1BFF;
	s21 =	sshll.u32 s5, $0x1;
	s2 =	sadd.s32 s19, s18  }
0x9c: {  	s6 =	simm.s32 $0x0;
	s20 =	sshll.u32 s4, $0x1;
	s4 =	sadd.s32 s21, s2  }
0x9d: {  	[timem:s6], [sflag:s22] =	dma.local [hbm:s4], s20  }
0x9e: {  	_ =	swait.ge [sflag:s22], s20  }
0x9f: {  	s3 =	ssub.s32 $0x0, s20;
	[sflag:s22] =	ssyncset.done $0x0  }
0xa0: {  	[sflag:s22] =	ssyncadd.s32 s3;
	_ =	sdelay $0x1  }
0xa1: {  	s23 =	simm.s32 $0x1B8B  }
0xa2: {  	_ =	swait.ge [sflag:s23], $0x1  }
0xa3: {  	[sflag:s23] =	ssyncset.done $0x0  }
0xa4: {  	s25 =	simm.s32 $0x1B8E;
	s24 =	sld [smem:$0x3FFE];
	[sflag:s23] =	ssyncadd.s32 $0xFFFFFFFF  }
0xa5: {  	s26 =	simm.s32 $execute0_lowered;
	[smem:$0x3FD2] =	sst s25  }
0xa6: {  	s4 =	sshll.u32 s26, $0x1;
	_ =	strace $0x80000049;
	[dreg:$0x1] =	wrdreg $0xFFFFFFFF  }
0xa7: {  	s28 =	simm.s32 $_size_execute0_lowered;
	s2 =	sadd.s32 s2, s4;
	[dreg:$0x0] =	wrdreg $0x0  }
0xa8: {  	s4 =	sshll.u32 s28, $0x1;
	[dreg:$0x2] =	wrdreg s2  }
0xa9: {  	[dreg:$0x3] =	wrdreg s4  }
0xaa: {  	[dreg:$0x4] =	wrdreg $0xC0  }
0xab: {  	_ =	task [dreg:s6], $0x5FFFF  }
0xac: {  	[dreg:$0x1] =	wrdreg $0xFFFFFFFF  }
0xad: {  	[dreg:$0x0] =	wrdreg $0x60  }
0xae: {  	[dreg:$0x2] =	wrdreg s24  }
0xaf: {  	[dreg:$0x3] =	wrdreg $0x9  }
0xb0: {  	_ =	task.clear_ibuf [dreg:s6], $0x4FFFF;
	_ =	strace $0x90000049  }
0xb1: {  	s29 =	simm.s32 $0x9;
	_ =	strace $0x8000004B  }
0xb2: {  	_ =	swait.ge [sflag:s29], $0x1  }
0xb3: {  	[sflag:s29] =	ssyncadd.s32 $0xFFFFFFFF  }
0xb4: {  	_ =	strace $0x9000004B  }
0xb5: {  	_ =	sfence  }
0xb6: {  	s30 =	sld [smem:$0x0];
	_ =	sdelay $0x2  }
0xb7: {  	s31 =	sshll.u32 s1, $0xD;
	s1 =	sshrl.u32 s1, $0x2  }
0xb8: {  	s3 =	sand.u32 $0x4000, s31;
	s1 =	sadd.s32 s1, s30  }
0xb9: {  	s0 =	sor.u32 s3, s0;
	s1 =	sshll.u32 s1, $0x11  }
0xba: {  	s0 =	sor.u32 s1, s0  }
0xbb: {  	s0 =	sadd.s32 $0x8F2B, s0  }
0xbc: {  	[sflag:s0] =	ssyncadd.remote.s32 $0x1  }
0xbd: {  	_ =	sfence.sel $0xFFFF  }
0xbe: {  	[dreg:$0x0] =	wrdreg $0xFFFFFFFF;
	(pc) =	sbr.abs _section_cstart, $3  }
0xbf: {  	[dreg:$0x1] =	wrdreg $0xFFFFFFFF  }
0xc0: {  	_ =	task.clear_ibuf [dreg:s6], $0x2FFFF;
	_ =	strace $0x9FFFFFFF  }
0xc1: {  	(tm) =	ssettm $0x7FFFFFFF  }
tec
execute0_lowered:
.L_overlay_start_1:
0x0: {  	(tag) =	ssettag $0x1  }
0x1: {  	s4 =	rddreg [dreg:$0x0]  }
0x2: {  	s0 =	rddreg [dreg:$0x1];
	s2 =	simm.s32 $0x0;
	s1 =	stileid.u32  }
0x3: {  	s3 =	srdreg.scid;
	s10 =	simm.s32 $0x0;
	s6 =	smul.u32 $0x1400, s1  }
0x4: {  	[smem:$0x7FF] =	sst s2;
	s5 =	sand.u32 $0x1, s3;
	s8 =	smul.u32 $0x14000, s1  }
0x5: {  	s3 =	sadd.s32 $0xC8E00, s4;
	s7 =	smul.u32 $0xA00, s5;
	s9 =	ssub.s32 $0x2, s5  }
0x6: {  	_ =	strace $0x8000004A;
	s5 =	smul.u32 $0xA000, s5;
	s31 =	sshrl.u32 s9, $0x1  }
0x7: {  	s8 =	sadd.s32 s8, s4;
	s6 =	sadd.s32 s7, s6;
	s7 =	ssub.s32 s9, s31  }
0x8: {  	s5 =	sadd.s32 s5, s8;
	s8 =	simm.s32 $0x80;
	s6 =	sshrl.u32 s6, $0x3  }
0x9: {  	s9 =	simm.s32 $0x1;
	s5 =	sadd.s32 $0x10B600, s5;
	s6 =	sadd.s32 s6, s4  }
0xa: {  	s4 =	smax.u32 s7, $0x1;
	s7 =	simm.s32 $0x2;
	s6 =	sadd.s32 $0x108E00, s6  }
.LBB2_1:
0xb: {  	s11 =	sadd.s32 $0x0, s6  }
0xc: {  	[tilespmem:s2], [sflag:$0x2] =	stream.linear.gather [hbm4b:s11+s2], $0x80, $0x38;
	[tilespmem:$0x4080] =	vst v63  }
0xd: {  	_ =	swait.ge [sflag:s7], $0x80  }
0xe: {  	[sflag:s7] =	ssyncset.done $0x0  }
0xf: {  	[sflag:s7] =	ssyncadd.s32 $0xFFFFFF80  }
0x10: {  	[tilespmem:s8], [sflag:$0x1] =	stream.indirect.gather [hbm4b:s3+s8], $0x80, s2, s8, $0xb8;
	[tilespmem:$0x4080] =	vst v63  }
0x11: {  	_ =	swait.ge [sflag:s9], $0x4000  }
0x12: {  	[sflag:s9] =	ssyncset.done $0x0  }
0x13: {  	[sflag:s9] =	ssyncadd.s32 $0xFFFFC000  }
0x14: {  	[hbm4b:s5+s2] =	stream.linear.scatter [tilespmem:s8], [sflag:$0x2], $0x4000, $0x38;
	[tilespmem:$0x4080] =	vst v63  }
0x15: {  	s12 =	simm.s32 $0x10;
	_ =	swait.ge [sflag:s7], $0x4000  }
0x16: {  	s13 =	simm.s32 $0x20;
	s11 =	sadd.s32 $0x800, s5;
	[sflag:s7] =	ssyncset.done $0x0  }
.LBB2_2:
0x17: {  	s14 =	sadd.s32 s12, s6  }
0x18: {  	[sflag:s7] =	ssyncadd.s32 $0xFFFFC000;
	s12 =	smov.u32 s13;
	s15 =	sadd.s32 $0x10, s13  }
0x19: {  	[tilespmem:s2], [sflag:$0x2] =	stream.linear.gather [hbm4b:s14+s2], $0x80, $0x38;
	[tilespmem:$0x4080] =	vst v63  }
0x1a: {  	p0 =	sne.s32 s13, $0x130;
	_ =	swait.ge [sflag:s7], $0x80  }
0x1b: {  	[sflag:s7] =	ssyncset.done $0x0  }
0x1c: {  	[sflag:s7] =	ssyncadd.s32 $0xFFFFFF80  }
0x1d: {  	[tilespmem:s8], [sflag:$0x1] =	stream.indirect.gather [hbm4b:s3+s8], $0x80, s2, s8, $0xb8;
	[tilespmem:$0x4080] =	vst v63  }
0x1e: {  	_ =	swait.ge [sflag:s9], $0x4000  }
.Ltmp0:
0x1f: {  	[sflag:s9] =	ssyncset.done $0x0;
	(pc) =	sbr.rel @p0 .LBB2_2-.Ltmp0, $4  }
0x20: {  	[sflag:s9] =	ssyncadd.s32 $0xFFFFC000  }
0x21: {  	[hbm4b:s11+s2] =	stream.linear.scatter [tilespmem:s8], [sflag:$0x2], $0x4000, $0x38;
	[tilespmem:$0x4080] =	vst v63  }
0x22: {  	_ =	swait.ge [sflag:s7], $0x4000  }
0x23: {  	s13 =	smov.u32 s15;
	s11 =	sadd.s32 $0x800, s11;
	[sflag:s7] =	ssyncset.done $0x0  }
0x24: {  	s12 =	sadd.s32 s12, s6;
	[sflag:s7] =	ssyncadd.s32 $0xFFFFC000  }
0x25: {  	[tilespmem:s2], [sflag:$0x2] =	stream.linear.gather [hbm4b:s12+s2], $0x80, $0x38;
	[tilespmem:$0x4080] =	vst v63  }
0x26: {  	_ =	swait.ge [sflag:s7], $0x80  }
0x27: {  	[sflag:s7] =	ssyncset.done $0x0  }
0x28: {  	[sflag:s7] =	ssyncadd.s32 $0xFFFFFF80  }
0x29: {  	[tilespmem:s8], [sflag:$0x1] =	stream.indirect.gather [hbm4b:s3+s8], $0x80, s2, s8, $0xb8;
	[tilespmem:$0x4080] =	vst v63  }
0x2a: {  	s10 =	sadd.s32 $0x1, s10;
	_ =	swait.ge [sflag:s9], $0x4000  }
0x2b: {  	p0 =	sne.s32 s10, s4;
	[sflag:s9] =	ssyncset.done $0x0  }
.Ltmp1:
0x2c: {  	[sflag:s9] =	ssyncadd.s32 $0xFFFFC000;
	(pc) =	sbr.rel @p0 .LBB2_1-.Ltmp1, $4  }
0x2d: {  	[hbm4b:s11+s2] =	stream.linear.scatter [tilespmem:s8], [sflag:$0x2], $0x4000, $0x38;
	[tilespmem:$0x4080] =	vst v63  }
0x2e: {  	_ =	swait.ge [sflag:s7], $0x4000  }
0x2f: {  	[sflag:s7] =	ssyncset.done $0x0  }
0x30: {  	[sflag:s7] =	ssyncadd.s32 $0xFFFFC000  }
0x31: {  	_ =	sfence.sel $0x180000  }
0x32: {  	[bflag:$0x0] =	sbarrier.arrive $0xFFFF  }
0x33: {  	p0 =	sne.s32 s1, $0x0;
	_ =	strace $0x9000004A  }
0x34: {  	s0 =	sadd.s32 @!p0 $0x100000, s0;
	[bflag:$0x2] =	sbarrier.arrive $0xFFFF  }
0x35: {  	[sflag:s0] =	ssyncadd.tile.s32 @!p0 $0x1;
	_ =	shalt  }
.Lfunc_end2:
_tile_overlayer_lowered:
.L_overlay_start_2:
0x36: {  	(tag) =	ssettag $0x2  }
0x37: {  	s0 =	rddreg [dreg:$0x0];
	s2 =	stileid.u32  }
0x38: {  	s1 =	rddreg [dreg:$0x1];
	p0 =	sne.s32 s2, $0x0  }
0x39: {  	s3 =	rddreg [dreg:$0x2];
	[bflag:$0x3] =	sbarrier.arrive $0xFFFF;
	s2 =	simm.s32 @!p0 $0x1C02  }
0x3a: {  	[timem:s3], [sflag:s2] =	dma.local @!p0 [hbm:s0], s1  }
0x3b: {  	s0 =	simm.s32 @!p0 $0x2  }
0x3c: {  	_ =	swait.ge @!p0 [sflag:s0], s1  }
0x3d: {  	s1 =	ssub.s32 @!p0 $0x0, s1;
	[sflag:s0] =	ssyncset.done @!p0 $0x0  }
0x3e: {  	[sflag:s0] =	ssyncadd.s32 @!p0 s1  }
0x3f: {  	[bflag:$0x3] =	sbarrier.arrive $0xFFFF  }
0x40: {  	_ =	shalt  }

// kernel: kernel.26.cloned.1.call-start
scs
__scs_entry_jumppad:
0x0: {  	(pc) =	sbr.rel $0x88, $3  }
0x1: {  	(tag) =	ssettag $0x0;
	lr =	simm.s32 $0x1  }
0x2: {  	[smem:$0x3F80] =	sst lr;
	_ =	strace $0xD0000000  }
0x3: {  	_ = 	snop  }
0x4: {  	_ = 	snop  }
0x5: {  	_ = 	snop  }
0x6: {  	_ = 	snop  }
0x7: {  	_ = 	snop  }
__scs_overlays_trampoline_lowered:
0x8: {  	[smem:$0x3F8F] =	sst s0  }
0x9: {  	[smem:$0x3F90] =	sst s1  }
0xa: {  	[smem:$0x3F91] =	sst s2  }
0xb: {  	[smem:$0x3F92] =	sst s3  }
0xc: {  	[smem:$0x3F93] =	sst s4  }
0xd: {  	[smem:$0x3F94] =	sst s5  }
0xe: {  	[smem:$0x3F95] =	sst s6  }
0xf: {  	[smem:$0x3F96] =	sst s7  }
0x10: {  	[smem:$0x3F97] =	sst s8  }
0x11: {  	[smem:$0x3F98] =	sst s9;
	s0 =	simm.s32 @!p0 $0x0  }
0x12: {  	s1 =	sld [smem:$0x3F7E];
	s0 =	simm.s32 @p0 $0x1  }
0x13: {  	[smem:$0x3F99] =	sst s0;
	s0 =	simm.s32 @!p1 $0x0  }
0x14: {  	s2 =	sld [smem:$0x3F7D];
	s0 =	simm.s32 @p1 $0x1  }
0x15: {  	[smem:$0x3F9A] =	sst s0;
	s0 =	simm.s32 @!p2 $0x0  }
0x16: {  	s3 =	sld [smem:$0x3FDB];
	s0 =	simm.s32 @p2 $0x1  }
0x17: {  	s4 =	simm.s32 $0x1BF5;
	[smem:$0x3F9C] =	sst s0  }
0x18: {  	s0 =	sld [smem:$0x3F7F];
	_ =	swait.ge [sflag:s4], $0x0  }
0x19: {  	s7 =	sld [smem:$0x3F80]  }
0x1a: {  	s8 =	sadd.s32 $0xFFFFE003, lr  }
0x1b: {  	s9 =	sadd.s32 $0xFFFFFEF7, lr;
	s5 =	simm.s32 $0xFFFFFFFF;
	p2 =	slt.u32 s8, $0xFFFFF086  }
0x1c: {  	p1 =	slt.u32 s9, $0xF7A;
	s5 =	simm.s32 @!p2 $0x0  }
0x1d: {  	s5 =	simm.s32 @p1 $0x1;
	p0 =	seq.s32 s7, s2  }
0x1e: {  	s7 =	smul.u32 @!p0 $0xF7A, s2;
	p2 =	seq.s32 @!p0 s5, $0x0  }
0x1f: {  	s9 =	smul.u32 $0xF7A, s1;
	s8 =	simm.s32 @!p0 $0x1BF5;
	p2 =	por !p2, p0  }
0x20: {  	[sflag:s8] =	ssyncset.s32 @!p0 $0xFFFFF086;
	s6 =	sadd.s32 @!p0 s3, s7;
	s7 =	simm.s32 @!p0 $0x108  }
0x21: {  	s3 =	sadd.s32 s3, s9;
	s6 =	sadd.s32 @!p0 $0x88, s6;
	s7 =	simm.s32 @p2 $0x1082  }
0x22: {  	[simem:s7], [sflag:s8] =	dma.local @!p0 [hbm:s6], $0xF7A  }
0x23: {  	s9 =	sor.u32 $0xD0000000, s2;
	s6 =	simm.s32 $0x108;
	_ =	swait.ge @!p0 [sflag:s8], $0x0  }
0x24: {  	s3 =	sadd.s32 $0x88, s3;
	s6 =	simm.s32 @!p1 $0x1082;
	[sflag:s4] =	ssyncset.s32 $0xFFFFF086  }
0x25: {  	[simem:s6], [sflag:s4] =	dma.local [hbm:s3], $0xF7A  }
0x26: {  	[smem:$0x3F80] =	sst s1;
	(tag) =	ssettag s2;
	_ =	strace s9  }
0x27: {  	s1 =	sld [smem:$0x3F90]  }
0x28: {  	s2 =	sld [smem:$0x3F91]  }
0x29: {  	s4 =	sld [smem:$0x3F93]  }
0x2a: {  	p0 =	seq.s32 s5, $0x0;
	s5 =	sld [smem:$0x3F94]  }
0x2b: {  	s6 =	sld [smem:$0x3F95]  }
0x2c: {  	s7 =	sld [smem:$0x3F96]  }
0x2d: {  	s3 =	simm.s32 $0x108;
	s8 =	sld [smem:$0x3F97]  }
0x2e: {  	s3 =	simm.s32 @!p0 $0x1082;
	s9 =	sld [smem:$0x3F98]  }
0x2f: {  	lr =	sadd.s32 s0, s3;
	s0 =	sld [smem:$0x3F8F]  }
0x30: {  	s3 =	sld [smem:$0x3F92]  }
0x31: {  	[smem:$0x3F9B] =	sst s10  }
0x32: {  	s10 =	sld [smem:$0x3F99];
	_ =	sdelay $0x3  }
0x33: {  	p0 =	seq.s32 s10, $0x1;
	s10 =	sld [smem:$0x3F9B];
	_ =	sdelay $0x3  }
0x34: {  	[smem:$0x3F9B] =	sst s10  }
0x35: {  	s10 =	sld [smem:$0x3F9A];
	_ =	sdelay $0x3  }
0x36: {  	p1 =	seq.s32 s10, $0x1;
	s10 =	sld [smem:$0x3F9B];
	_ =	sdelay $0x3  }
0x37: {  	[smem:$0x3F9B] =	sst s10  }
0x38: {  	s10 =	sld [smem:$0x3F9C]  }
0x39: {  	_ = 	snop;
	(pc) =	sbr.ind lr, $3  }
0x3a: {  	_ = 	snop  }
0x3b: {  	_ = 	snop  }
0x3c: {  	p2 =	seq.s32 s10, $0x1;
	s10 =	sld [smem:$0x3F9B]  }
0x3d: {  	_ =	shalt  }
0x3e: {  	_ =	shalt  }
0x3f: {  	_ =	shalt  }
0x40: {  	_ =	shalt  }
0x41: {  	_ =	shalt  }
0x42: {  	_ =	shalt  }
0x43: {  	_ =	shalt  }
0x44: {  	_ =	shalt  }
0x45: {  	_ =	shalt  }
0x46: {  	_ =	shalt  }
0x47: {  	_ =	shalt  }
0x48: {  	_ =	shalt  }
0x49: {  	_ =	shalt  }
0x4a: {  	_ =	shalt  }
0x4b: {  	_ =	shalt  }
0x4c: {  	_ =	shalt  }
0x4d: {  	_ =	shalt  }
0x4e: {  	_ =	shalt  }
0x4f: {  	_ =	shalt  }
0x50: {  	_ =	shalt  }
0x51: {  	_ =	shalt  }
0x52: {  	_ =	shalt  }
0x53: {  	_ =	shalt  }
0x54: {  	_ =	shalt  }
0x55: {  	_ =	shalt  }
0x56: {  	_ =	shalt  }
0x57: {  	_ =	shalt  }
0x58: {  	_ =	shalt  }
0x59: {  	_ =	shalt  }
0x5a: {  	_ =	shalt  }
0x5b: {  	_ =	shalt  }
0x5c: {  	_ =	shalt  }
0x5d: {  	_ =	shalt  }
0x5e: {  	_ =	shalt  }
0x5f: {  	_ =	shalt  }
0x60: {  	_ =	shalt  }
0x61: {  	_ =	shalt  }
0x62: {  	_ =	shalt  }
0x63: {  	_ =	shalt  }
0x64: {  	_ =	shalt  }
0x65: {  	_ =	shalt  }
0x66: {  	_ =	shalt  }
0x67: {  	_ =	shalt  }
0x68: {  	_ =	shalt  }
0x69: {  	_ =	shalt  }
0x6a: {  	_ =	shalt  }
0x6b: {  	_ =	shalt  }
0x6c: {  	_ =	shalt  }
0x6d: {  	_ =	shalt  }
0x6e: {  	_ =	shalt  }
0x6f: {  	_ =	shalt  }
0x70: {  	_ =	shalt  }
0x71: {  	_ =	shalt  }
0x72: {  	_ =	shalt  }
0x73: {  	_ =	shalt  }
0x74: {  	_ =	shalt  }
0x75: {  	_ =	shalt  }
0x76: {  	_ =	shalt  }
0x77: {  	_ =	shalt  }
0x78: {  	_ =	shalt  }
0x79: {  	_ =	shalt  }
0x7a: {  	_ =	shalt  }
0x7b: {  	_ =	shalt  }
0x7c: {  	_ =	shalt  }
0x7d: {  	_ =	shalt  }
0x7e: {  	_ =	shalt  }
0x7f: {  	_ =	shalt  }
0x80: {  	_ =	shalt  }
0x81: {  	_ =	shalt  }
0x82: {  	_ =	shalt  }
0x83: {  	_ =	shalt  }
0x84: {  	_ =	shalt  }
0x85: {  	_ =	shalt  }
0x86: {  	_ =	shalt  }
0x87: {  	_ =	shalt  }
.Lfunc_end0:
.L_simem_size_0:
called_computation.2_lowered:
.L_overlay_start_0:
0x88: {  	s2 =	sld [smem:$0x3FD9]  }
0x89: {  	s3 =	sld [smem:$0x3FFE];
	_ =	sdelay $0x1  }
0x8a: {  	s1 =	srdreg.scid  }
0x8b: {  	s0 =	sand.u32 $0x1, s1  }
0x8c: {  	s16 =	sshll.u32 s0, $0xA;
	s2 =	sadd.s32 s3, s2  }
0x8d: {  	s2 =	sadd.s32 s2, s16  }
0x8e: {  	[smem:$0x3FA7] =	sst s2  }
0x8f: {  	_ = 	snop  }
0x90: {  	(tm) =	ssettm $0x1  }
0x91: {  	s17 =	sld [smem:$0x3FFB];
	_ =	sdelay $0x3  }
0x92: {  	_ =	strace s17  }
0x93: {  	s2 =	sld [smem:$0x3FFC];
	_ =	sdelay $0x3  }
0x94: {  	_ =	strace s2  }
0x95: {  	s2 =	sld [smem:$0x3FFD];
	_ =	sdelay $0x3  }
0x96: {  	_ =	strace s2  }
0x97: {  	_ =	strace $0x8FFFFFFF  }
0x98: {  	s18 =	sld [smem:$0x3FDB];
	_ =	sdelay $0x1  }
0x99: {  	s19 =	simm.s32 $_scs_section_size  }
0x9a: {  	s4 =	simm.s32 $_size__tile_overlayer_lowered;
	s5 =	simm.s32 $_tile_overlayer_lowered  }
0x9b: {  	s22 =	simm.s32 $0x1BFF;
	s21 =	sshll.u32 s5, $0x1;
	s2 =	sadd.s32 s19, s18  }
0x9c: {  	s6 =	simm.s32 $0x0;
	s20 =	sshll.u32 s4, $0x1;
	s4 =	sadd.s32 s21, s2  }
0x9d: {  	[timem:s6], [sflag:s22] =	dma.local [hbm:s4], s20  }
0x9e: {  	_ =	swait.ge [sflag:s22], s20  }
0x9f: {  	s3 =	ssub.s32 $0x0, s20;
	[sflag:s22] =	ssyncset.done $0x0  }
0xa0: {  	[sflag:s22] =	ssyncadd.s32 s3;
	_ =	sdelay $0x1  }
0xa1: {  	s23 =	simm.s32 $0x1B8B  }
0xa2: {  	_ =	swait.ge [sflag:s23], $0x1  }
0xa3: {  	[sflag:s23] =	ssyncset.done $0x0  }
0xa4: {  	s25 =	simm.s32 $0x1B8E;
	s24 =	sld [smem:$0x3FFE];
	[sflag:s23] =	ssyncadd.s32 $0xFFFFFFFF  }
0xa5: {  	s26 =	simm.s32 $execute0_lowered;
	[smem:$0x3FD2] =	sst s25  }
0xa6: {  	s4 =	sshll.u32 s26, $0x1;
	_ =	strace $0x8000004C;
	[dreg:$0x1] =	wrdreg $0xFFFFFFFF  }
0xa7: {  	s28 =	simm.s32 $_size_execute0_lowered;
	s2 =	sadd.s32 s2, s4;
	[dreg:$0x0] =	wrdreg $0x0  }
0xa8: {  	s4 =	sshll.u32 s28, $0x1;
	[dreg:$0x2] =	wrdreg s2  }
0xa9: {  	[dreg:$0x3] =	wrdreg s4  }
0xaa: {  	[dreg:$0x4] =	wrdreg $0xC0  }
0xab: {  	_ =	task [dreg:s6], $0x5FFFF  }
0xac: {  	[dreg:$0x1] =	wrdreg $0xFFFFFFFF  }
0xad: {  	[dreg:$0x0] =	wrdreg $0x60  }
0xae: {  	[dreg:$0x2] =	wrdreg s24  }
0xaf: {  	[dreg:$0x3] =	wrdreg $0x9  }
0xb0: {  	_ =	task.clear_ibuf [dreg:s6], $0x4FFFF;
	_ =	strace $0x9000004C  }
0xb1: {  	s29 =	simm.s32 $0x9;
	_ =	strace $0x8000004E  }
0xb2: {  	_ =	swait.ge [sflag:s29], $0x1  }
0xb3: {  	[sflag:s29] =	ssyncadd.s32 $0xFFFFFFFF  }
0xb4: {  	_ =	strace $0x9000004E  }
0xb5: {  	_ =	sfence  }
0xb6: {  	s30 =	sld [smem:$0x0];
	_ =	sdelay $0x2  }
0xb7: {  	s31 =	sshll.u32 s1, $0xD;
	s1 =	sshrl.u32 s1, $0x2  }
0xb8: {  	s3 =	sand.u32 $0x4000, s31;
	s1 =	sadd.s32 s1, s30  }
0xb9: {  	s0 =	sor.u32 s3, s0;
	s1 =	sshll.u32 s1, $0x11  }
0xba: {  	s0 =	sor.u32 s1, s0  }
0xbb: {  	s0 =	sadd.s32 $0x8F2B, s0  }
0xbc: {  	[sflag:s0] =	ssyncadd.remote.s32 $0x1  }
0xbd: {  	_ =	sfence.sel $0xFFFF  }
0xbe: {  	[dreg:$0x0] =	wrdreg $0xFFFFFFFF;
	(pc) =	sbr.abs _section_cstart, $3  }
0xbf: {  	[dreg:$0x1] =	wrdreg $0xFFFFFFFF  }
0xc0: {  	_ =	task.clear_ibuf [dreg:s6], $0x2FFFF;
	_ =	strace $0x9FFFFFFF  }
0xc1: {  	(tm) =	ssettm $0x7FFFFFFF  }
tec
execute0_lowered:
.L_overlay_start_1:
0x0: {  	(tag) =	ssettag $0x1  }
0x1: {  	s4 =	rddreg [dreg:$0x0]  }
0x2: {  	s0 =	rddreg [dreg:$0x1];
	s2 =	simm.s32 $0x0;
	s1 =	stileid.u32  }
0x3: {  	s3 =	srdreg.scid;
	s10 =	simm.s32 $0x0;
	s6 =	smul.u32 $0x1400, s1  }
0x4: {  	[smem:$0x7FF] =	sst s2;
	s5 =	sand.u32 $0x1, s3;
	s8 =	smul.u32 $0x14000, s1  }
0x5: {  	s3 =	sadd.s32 $0x108E00, s4;
	s7 =	smul.u32 $0xA00, s5;
	s9 =	ssub.s32 $0x2, s5  }
0x6: {  	_ =	strace $0x8000004D;
	s5 =	smul.u32 $0xA000, s5;
	s31 =	sshrl.u32 s9, $0x1  }
0x7: {  	s8 =	sadd.s32 s8, s4;
	s6 =	sadd.s32 s7, s6;
	s7 =	ssub.s32 s9, s31  }
0x8: {  	s5 =	sadd.s32 s5, s8;
	s8 =	simm.s32 $0x80;
	s6 =	sshrl.u32 s6, $0x3  }
0x9: {  	s9 =	simm.s32 $0x1;
	s5 =	sadd.s32 $0x14B600, s5;
	s6 =	sadd.s32 s6, s4  }
0xa: {  	s4 =	smax.u32 s7, $0x1;
	s7 =	simm.s32 $0x2;
	s6 =	sadd.s32 $0x148E00, s6  }
.LBB2_1:
0xb: {  	s11 =	sadd.s32 $0x0, s6  }
0xc: {  	[tilespmem:s2], [sflag:$0x2] =	stream.linear.gather [hbm4b:s11+s2], $0x80, $0x38;
	[tilespmem:$0x4080] =	vst v63  }
0xd: {  	_ =	swait.ge [sflag:s7], $0x80  }
0xe: {  	[sflag:s7] =	ssyncset.done $0x0  }
0xf: {  	[sflag:s7] =	ssyncadd.s32 $0xFFFFFF80  }
0x10: {  	[tilespmem:s8], [sflag:$0x1] =	stream.indirect.gather [hbm4b:s3+s8], $0x80, s2, s8, $0xb8;
	[tilespmem:$0x4080] =	vst v63  }
0x11: {  	_ =	swait.ge [sflag:s9], $0x4000  }
0x12: {  	[sflag:s9] =	ssyncset.done $0x0  }
0x13: {  	[sflag:s9] =	ssyncadd.s32 $0xFFFFC000  }
0x14: {  	[hbm4b:s5+s2] =	stream.linear.scatter [tilespmem:s8], [sflag:$0x2], $0x4000, $0x38;
	[tilespmem:$0x4080] =	vst v63  }
0x15: {  	s12 =	simm.s32 $0x10;
	_ =	swait.ge [sflag:s7], $0x4000  }
0x16: {  	s13 =	simm.s32 $0x20;
	s11 =	sadd.s32 $0x800, s5;
	[sflag:s7] =	ssyncset.done $0x0  }
.LBB2_2:
0x17: {  	s14 =	sadd.s32 s12, s6  }
0x18: {  	[sflag:s7] =	ssyncadd.s32 $0xFFFFC000;
	s12 =	smov.u32 s13;
	s15 =	sadd.s32 $0x10, s13  }
0x19: {  	[tilespmem:s2], [sflag:$0x2] =	stream.linear.gather [hbm4b:s14+s2], $0x80, $0x38;
	[tilespmem:$0x4080] =	vst v63  }
0x1a: {  	p0 =	sne.s32 s13, $0x130;
	_ =	swait.ge [sflag:s7], $0x80  }
0x1b: {  	[sflag:s7] =	ssyncset.done $0x0  }
0x1c: {  	[sflag:s7] =	ssyncadd.s32 $0xFFFFFF80  }
0x1d: {  	[tilespmem:s8], [sflag:$0x1] =	stream.indirect.gather [hbm4b:s3+s8], $0x80, s2, s8, $0xb8;
	[tilespmem:$0x4080] =	vst v63  }
0x1e: {  	_ =	swait.ge [sflag:s9], $0x4000  }
.Ltmp0:
0x1f: {  	[sflag:s9] =	ssyncset.done $0x0;
	(pc) =	sbr.rel @p0 .LBB2_2-.Ltmp0, $4  }
0x20: {  	[sflag:s9] =	ssyncadd.s32 $0xFFFFC000  }
0x21: {  	[hbm4b:s11+s2] =	stream.linear.scatter [tilespmem:s8], [sflag:$0x2], $0x4000, $0x38;
	[tilespmem:$0x4080] =	vst v63  }
0x22: {  	_ =	swait.ge [sflag:s7], $0x4000  }
0x23: {  	s13 =	smov.u32 s15;
	s11 =	sadd.s32 $0x800, s11;
	[sflag:s7] =	ssyncset.done $0x0  }
0x24: {  	s12 =	sadd.s32 s12, s6;
	[sflag:s7] =	ssyncadd.s32 $0xFFFFC000  }
0x25: {  	[tilespmem:s2], [sflag:$0x2] =	stream.linear.gather [hbm4b:s12+s2], $0x80, $0x38;
	[tilespmem:$0x4080] =	vst v63  }
0x26: {  	_ =	swait.ge [sflag:s7], $0x80  }
0x27: {  	[sflag:s7] =	ssyncset.done $0x0  }
0x28: {  	[sflag:s7] =	ssyncadd.s32 $0xFFFFFF80  }
0x29: {  	[tilespmem:s8], [sflag:$0x1] =	stream.indirect.gather [hbm4b:s3+s8], $0x80, s2, s8, $0xb8;
	[tilespmem:$0x4080] =	vst v63  }
0x2a: {  	s10 =	sadd.s32 $0x1, s10;
	_ =	swait.ge [sflag:s9], $0x4000  }
0x2b: {  	p0 =	sne.s32 s10, s4;
	[sflag:s9] =	ssyncset.done $0x0  }
.Ltmp1:
0x2c: {  	[sflag:s9] =	ssyncadd.s32 $0xFFFFC000;
	(pc) =	sbr.rel @p0 .LBB2_1-.Ltmp1, $4  }
0x2d: {  	[hbm4b:s11+s2] =	stream.linear.scatter [tilespmem:s8], [sflag:$0x2], $0x4000, $0x38;
	[tilespmem:$0x4080] =	vst v63  }
0x2e: {  	_ =	swait.ge [sflag:s7], $0x4000  }
0x2f: {  	[sflag:s7] =	ssyncset.done $0x0  }
0x30: {  	[sflag:s7] =	ssyncadd.s32 $0xFFFFC000  }
0x31: {  	_ =	sfence.sel $0x180000  }
0x32: {  	[bflag:$0x0] =	sbarrier.arrive $0xFFFF  }
0x33: {  	p0 =	sne.s32 s1, $0x0;
	_ =	strace $0x9000004D  }
0x34: {  	s0 =	sadd.s32 @!p0 $0x100000, s0;
	[bflag:$0x2] =	sbarrier.arrive $0xFFFF  }
0x35: {  	[sflag:s0] =	ssyncadd.tile.s32 @!p0 $0x1;
	_ =	shalt  }
.Lfunc_end2:
_tile_overlayer_lowered:
.L_overlay_start_2:
0x36: {  	(tag) =	ssettag $0x2  }
0x37: {  	s0 =	rddreg [dreg:$0x0];
	s2 =	stileid.u32  }
0x38: {  	s1 =	rddreg [dreg:$0x1];
	p0 =	sne.s32 s2, $0x0  }
0x39: {  	s3 =	rddreg [dreg:$0x2];
	[bflag:$0x3] =	sbarrier.arrive $0xFFFF;
	s2 =	simm.s32 @!p0 $0x1C02  }
0x3a: {  	[timem:s3], [sflag:s2] =	dma.local @!p0 [hbm:s0], s1  }
0x3b: {  	s0 =	simm.s32 @!p0 $0x2  }
0x3c: {  	_ =	swait.ge @!p0 [sflag:s0], s1  }
0x3d: {  	s1 =	ssub.s32 @!p0 $0x0, s1;
	[sflag:s0] =	ssyncset.done @!p0 $0x0  }
0x3e: {  	[sflag:s0] =	ssyncadd.s32 @!p0 s1  }
0x3f: {  	[bflag:$0x3] =	sbarrier.arrive $0xFFFF  }
0x40: {  	_ =	shalt  }

// kernel: kernel.29.cloned.1.call-start
scs
__scs_entry_jumppad:
0x0: {  	(pc) =	sbr.rel $0x88, $3  }
0x1: {  	(tag) =	ssettag $0x0;
	lr =	simm.s32 $0x1  }
0x2: {  	[smem:$0x3F80] =	sst lr;
	_ =	strace $0xD0000000  }
0x3: {  	_ = 	snop  }
0x4: {  	_ = 	snop  }
0x5: {  	_ = 	snop  }
0x6: {  	_ = 	snop  }
0x7: {  	_ = 	snop  }
__scs_overlays_trampoline_lowered:
0x8: {  	[smem:$0x3F8F] =	sst s0  }
0x9: {  	[smem:$0x3F90] =	sst s1  }
0xa: {  	[smem:$0x3F91] =	sst s2  }
0xb: {  	[smem:$0x3F92] =	sst s3  }
0xc: {  	[smem:$0x3F93] =	sst s4  }
0xd: {  	[smem:$0x3F94] =	sst s5  }
0xe: {  	[smem:$0x3F95] =	sst s6  }
0xf: {  	[smem:$0x3F96] =	sst s7  }
0x10: {  	[smem:$0x3F97] =	sst s8  }
0x11: {  	[smem:$0x3F98] =	sst s9;
	s0 =	simm.s32 @!p0 $0x0  }
0x12: {  	s1 =	sld [smem:$0x3F7E];
	s0 =	simm.s32 @p0 $0x1  }
0x13: {  	[smem:$0x3F99] =	sst s0;
	s0 =	simm.s32 @!p1 $0x0  }
0x14: {  	s2 =	sld [smem:$0x3F7D];
	s0 =	simm.s32 @p1 $0x1  }
0x15: {  	[smem:$0x3F9A] =	sst s0;
	s0 =	simm.s32 @!p2 $0x0  }
0x16: {  	s3 =	sld [smem:$0x3FDB];
	s0 =	simm.s32 @p2 $0x1  }
0x17: {  	s4 =	simm.s32 $0x1BF5;
	[smem:$0x3F9C] =	sst s0  }
0x18: {  	s0 =	sld [smem:$0x3F7F];
	_ =	swait.ge [sflag:s4], $0x0  }
0x19: {  	s7 =	sld [smem:$0x3F80]  }
0x1a: {  	s8 =	sadd.s32 $0xFFFFE003, lr  }
0x1b: {  	s9 =	sadd.s32 $0xFFFFFEF7, lr;
	s5 =	simm.s32 $0xFFFFFFFF;
	p2 =	slt.u32 s8, $0xFFFFF086  }
0x1c: {  	p1 =	slt.u32 s9, $0xF7A;
	s5 =	simm.s32 @!p2 $0x0  }
0x1d: {  	s5 =	simm.s32 @p1 $0x1;
	p0 =	seq.s32 s7, s2  }
0x1e: {  	s7 =	smul.u32 @!p0 $0xF7A, s2;
	p2 =	seq.s32 @!p0 s5, $0x0  }
0x1f: {  	s9 =	smul.u32 $0xF7A, s1;
	s8 =	simm.s32 @!p0 $0x1BF5;
	p2 =	por !p2, p0  }
0x20: {  	[sflag:s8] =	ssyncset.s32 @!p0 $0xFFFFF086;
	s6 =	sadd.s32 @!p0 s3, s7;
	s7 =	simm.s32 @!p0 $0x108  }
0x21: {  	s3 =	sadd.s32 s3, s9;
	s6 =	sadd.s32 @!p0 $0x88, s6;
	s7 =	simm.s32 @p2 $0x1082  }
0x22: {  	[simem:s7], [sflag:s8] =	dma.local @!p0 [hbm:s6], $0xF7A  }
0x23: {  	s9 =	sor.u32 $0xD0000000, s2;
	s6 =	simm.s32 $0x108;
	_ =	swait.ge @!p0 [sflag:s8], $0x0  }
0x24: {  	s3 =	sadd.s32 $0x88, s3;
	s6 =	simm.s32 @!p1 $0x1082;
	[sflag:s4] =	ssyncset.s32 $0xFFFFF086  }
0x25: {  	[simem:s6], [sflag:s4] =	dma.local [hbm:s3], $0xF7A  }
0x26: {  	[smem:$0x3F80] =	sst s1;
	(tag) =	ssettag s2;
	_ =	strace s9  }
0x27: {  	s1 =	sld [smem:$0x3F90]  }
0x28: {  	s2 =	sld [smem:$0x3F91]  }
0x29: {  	s4 =	sld [smem:$0x3F93]  }
0x2a: {  	p0 =	seq.s32 s5, $0x0;
	s5 =	sld [smem:$0x3F94]  }
0x2b: {  	s6 =	sld [smem:$0x3F95]  }
0x2c: {  	s7 =	sld [smem:$0x3F96]  }
0x2d: {  	s3 =	simm.s32 $0x108;
	s8 =	sld [smem:$0x3F97]  }
0x2e: {  	s3 =	simm.s32 @!p0 $0x1082;
	s9 =	sld [smem:$0x3F98]  }
0x2f: {  	lr =	sadd.s32 s0, s3;
	s0 =	sld [smem:$0x3F8F]  }
0x30: {  	s3 =	sld [smem:$0x3F92]  }
0x31: {  	[smem:$0x3F9B] =	sst s10  }
0x32: {  	s10 =	sld [smem:$0x3F99];
	_ =	sdelay $0x3  }
0x33: {  	p0 =	seq.s32 s10, $0x1;
	s10 =	sld [smem:$0x3F9B];
	_ =	sdelay $0x3  }
0x34: {  	[smem:$0x3F9B] =	sst s10  }
0x35: {  	s10 =	sld [smem:$0x3F9A];
	_ =	sdelay $0x3  }
0x36: {  	p1 =	seq.s32 s10, $0x1;
	s10 =	sld [smem:$0x3F9B];
	_ =	sdelay $0x3  }
0x37: {  	[smem:$0x3F9B] =	sst s10  }
0x38: {  	s10 =	sld [smem:$0x3F9C]  }
0x39: {  	_ = 	snop;
	(pc) =	sbr.ind lr, $3  }
0x3a: {  	_ = 	snop  }
0x3b: {  	_ = 	snop  }
0x3c: {  	p2 =	seq.s32 s10, $0x1;
	s10 =	sld [smem:$0x3F9B]  }
0x3d: {  	_ =	shalt  }
0x3e: {  	_ =	shalt  }
0x3f: {  	_ =	shalt  }
0x40: {  	_ =	shalt  }
0x41: {  	_ =	shalt  }
0x42: {  	_ =	shalt  }
0x43: {  	_ =	shalt  }
0x44: {  	_ =	shalt  }
0x45: {  	_ =	shalt  }
0x46: {  	_ =	shalt  }
0x47: {  	_ =	shalt  }
0x48: {  	_ =	shalt  }
0x49: {  	_ =	shalt  }
0x4a: {  	_ =	shalt  }
0x4b: {  	_ =	shalt  }
0x4c: {  	_ =	shalt  }
0x4d: {  	_ =	shalt  }
0x4e: {  	_ =	shalt  }
0x4f: {  	_ =	shalt  }
0x50: {  	_ =	shalt  }
0x51: {  	_ =	shalt  }
0x52: {  	_ =	shalt  }
0x53: {  	_ =	shalt  }
0x54: {  	_ =	shalt  }
0x55: {  	_ =	shalt  }
0x56: {  	_ =	shalt  }
0x57: {  	_ =	shalt  }
0x58: {  	_ =	shalt  }
0x59: {  	_ =	shalt  }
0x5a: {  	_ =	shalt  }
0x5b: {  	_ =	shalt  }
0x5c: {  	_ =	shalt  }
0x5d: {  	_ =	shalt  }
0x5e: {  	_ =	shalt  }
0x5f: {  	_ =	shalt  }
0x60: {  	_ =	shalt  }
0x61: {  	_ =	shalt  }
0x62: {  	_ =	shalt  }
0x63: {  	_ =	shalt  }
0x64: {  	_ =	shalt  }
0x65: {  	_ =	shalt  }
0x66: {  	_ =	shalt  }
0x67: {  	_ =	shalt  }
0x68: {  	_ =	shalt  }
0x69: {  	_ =	shalt  }
0x6a: {  	_ =	shalt  }
0x6b: {  	_ =	shalt  }
0x6c: {  	_ =	shalt  }
0x6d: {  	_ =	shalt  }
0x6e: {  	_ =	shalt  }
0x6f: {  	_ =	shalt  }
0x70: {  	_ =	shalt  }
0x71: {  	_ =	shalt  }
0x72: {  	_ =	shalt  }
0x73: {  	_ =	shalt  }
0x74: {  	_ =	shalt  }
0x75: {  	_ =	shalt  }
0x76: {  	_ =	shalt  }
0x77: {  	_ =	shalt  }
0x78: {  	_ =	shalt  }
0x79: {  	_ =	shalt  }
0x7a: {  	_ =	shalt  }
0x7b: {  	_ =	shalt  }
0x7c: {  	_ =	shalt  }
0x7d: {  	_ =	shalt  }
0x7e: {  	_ =	shalt  }
0x7f: {  	_ =	shalt  }
0x80: {  	_ =	shalt  }
0x81: {  	_ =	shalt  }
0x82: {  	_ =	shalt  }
0x83: {  	_ =	shalt  }
0x84: {  	_ =	shalt  }
0x85: {  	_ =	shalt  }
0x86: {  	_ =	shalt  }
0x87: {  	_ =	shalt  }
.Lfunc_end0:
.L_simem_size_0:
called_computation.3_lowered:
.L_overlay_start_0:
0x88: {  	s2 =	sld [smem:$0x3FD9]  }
0x89: {  	s3 =	sld [smem:$0x3FFE];
	_ =	sdelay $0x1  }
0x8a: {  	s1 =	srdreg.scid  }
0x8b: {  	s0 =	sand.u32 $0x1, s1  }
0x8c: {  	s16 =	sshll.u32 s0, $0xA;
	s2 =	sadd.s32 s3, s2  }
0x8d: {  	s2 =	sadd.s32 s2, s16  }
0x8e: {  	[smem:$0x3FA7] =	sst s2  }
0x8f: {  	_ = 	snop  }
0x90: {  	(tm) =	ssettm $0x1  }
0x91: {  	s17 =	sld [smem:$0x3FFB];
	_ =	sdelay $0x3  }
0x92: {  	_ =	strace s17  }
0x93: {  	s2 =	sld [smem:$0x3FFC];
	_ =	sdelay $0x3  }
0x94: {  	_ =	strace s2  }
0x95: {  	s2 =	sld [smem:$0x3FFD];
	_ =	sdelay $0x3  }
0x96: {  	_ =	strace s2  }
0x97: {  	_ =	strace $0x8FFFFFFF  }
0x98: {  	s18 =	sld [smem:$0x3FDB];
	_ =	sdelay $0x1  }
0x99: {  	s19 =	simm.s32 $_scs_section_size  }
0x9a: {  	s4 =	simm.s32 $_size__tile_overlayer_lowered;
	s5 =	simm.s32 $_tile_overlayer_lowered  }
0x9b: {  	s22 =	simm.s32 $0x1BFF;
	s21 =	sshll.u32 s5, $0x1;
	s2 =	sadd.s32 s19, s18  }
0x9c: {  	s6 =	simm.s32 $0x0;
	s20 =	sshll.u32 s4, $0x1;
	s4 =	sadd.s32 s21, s2  }
0x9d: {  	[timem:s6], [sflag:s22] =	dma.local [hbm:s4], s20  }
0x9e: {  	_ =	swait.ge [sflag:s22], s20  }
0x9f: {  	s3 =	ssub.s32 $0x0, s20;
	[sflag:s22] =	ssyncset.done $0x0  }
0xa0: {  	[sflag:s22] =	ssyncadd.s32 s3;
	_ =	sdelay $0x1  }
0xa1: {  	s23 =	simm.s32 $0x1B8B  }
0xa2: {  	_ =	swait.ge [sflag:s23], $0x1  }
0xa3: {  	[sflag:s23] =	ssyncset.done $0x0  }
0xa4: {  	s25 =	simm.s32 $0x1B8E;
	s24 =	sld [smem:$0x3FFE];
	[sflag:s23] =	ssyncadd.s32 $0xFFFFFFFF  }
0xa5: {  	s26 =	simm.s32 $execute0_lowered;
	[smem:$0x3FD2] =	sst s25  }
0xa6: {  	s4 =	sshll.u32 s26, $0x1;
	_ =	strace $0x8000004F;
	[dreg:$0x1] =	wrdreg $0xFFFFFFFF  }
0xa7: {  	s28 =	simm.s32 $_size_execute0_lowered;
	s2 =	sadd.s32 s2, s4;
	[dreg:$0x0] =	wrdreg $0x0  }
0xa8: {  	s4 =	sshll.u32 s28, $0x1;
	[dreg:$0x2] =	wrdreg s2  }
0xa9: {  	[dreg:$0x3] =	wrdreg s4  }
0xaa: {  	[dreg:$0x4] =	wrdreg $0xC0  }
0xab: {  	_ =	task [dreg:s6], $0x5FFFF  }
0xac: {  	[dreg:$0x1] =	wrdreg $0xFFFFFFFF  }
0xad: {  	[dreg:$0x0] =	wrdreg $0x60  }
0xae: {  	[dreg:$0x2] =	wrdreg s24  }
0xaf: {  	[dreg:$0x3] =	wrdreg $0x9  }
0xb0: {  	_ =	task.clear_ibuf [dreg:s6], $0x4FFFF;
	_ =	strace $0x9000004F  }
0xb1: {  	s29 =	simm.s32 $0x9;
	_ =	strace $0x80000051  }
0xb2: {  	_ =	swait.ge [sflag:s29], $0x1  }
0xb3: {  	[sflag:s29] =	ssyncadd.s32 $0xFFFFFFFF  }
0xb4: {  	_ =	strace $0x90000051  }
0xb5: {  	_ =	sfence  }
0xb6: {  	s30 =	sld [smem:$0x0];
	_ =	sdelay $0x2  }
0xb7: {  	s31 =	sshll.u32 s1, $0xD;
	s1 =	sshrl.u32 s1, $0x2  }
0xb8: {  	s3 =	sand.u32 $0x4000, s31;
	s1 =	sadd.s32 s1, s30  }
0xb9: {  	s0 =	sor.u32 s3, s0;
	s1 =	sshll.u32 s1, $0x11  }
0xba: {  	s0 =	sor.u32 s1, s0  }
0xbb: {  	s0 =	sadd.s32 $0x8F2B, s0  }
0xbc: {  	[sflag:s0] =	ssyncadd.remote.s32 $0x1  }
0xbd: {  	_ =	sfence.sel $0xFFFF  }
0xbe: {  	[dreg:$0x0] =	wrdreg $0xFFFFFFFF;
	(pc) =	sbr.abs _section_cstart, $3  }
0xbf: {  	[dreg:$0x1] =	wrdreg $0xFFFFFFFF  }
0xc0: {  	_ =	task.clear_ibuf [dreg:s6], $0x2FFFF;
	_ =	strace $0x9FFFFFFF  }
0xc1: {  	(tm) =	ssettm $0x7FFFFFFF  }
tec
execute0_lowered:
.L_overlay_start_1:
0x0: {  	(tag) =	ssettag $0x1  }
0x1: {  	s4 =	rddreg [dreg:$0x0]  }
0x2: {  	s0 =	rddreg [dreg:$0x1];
	s2 =	simm.s32 $0x0;
	s1 =	stileid.u32  }
0x3: {  	s3 =	srdreg.scid;
	s10 =	simm.s32 $0x0;
	s6 =	smul.u32 $0x1400, s1  }
0x4: {  	[smem:$0x7FF] =	sst s2;
	s5 =	sand.u32 $0x1, s3;
	s8 =	smul.u32 $0x14000, s1  }
0x5: {  	s3 =	sadd.s32 $0x108E00, s4;
	s7 =	smul.u32 $0xA00, s5;
	s9 =	ssub.s32 $0x2, s5  }
0x6: {  	_ =	strace $0x80000050;
	s5 =	smul.u32 $0xA000, s5;
	s31 =	sshrl.u32 s9, $0x1  }
0x7: {  	s8 =	sadd.s32 s8, s4;
	s6 =	sadd.s32 s7, s6;
	s7 =	ssub.s32 s9, s31  }
0x8: {  	s5 =	sadd.s32 s5, s8;
	s8 =	simm.s32 $0x80;
	s6 =	sshrl.u32 s6, $0x3  }
0x9: {  	s9 =	simm.s32 $0x1;
	s5 =	sadd.s32 $0x148E00, s5;
	s6 =	sadd.s32 s6, s4  }
0xa: {  	s4 =	smax.u32 s7, $0x1;
	s7 =	simm.s32 $0x2;
	s6 =	sadd.s32 $0x47200, s6  }
.LBB2_1:
0xb: {  	s11 =	sadd.s32 $0x0, s6  }
0xc: {  	[tilespmem:s2], [sflag:$0x2] =	stream.linear.gather [hbm4b:s11+s2], $0x80, $0x38;
	[tilespmem:$0x4080] =	vst v63  }
0xd: {  	_ =	swait.ge [sflag:s7], $0x80  }
0xe: {  	[sflag:s7] =	ssyncset.done $0x0  }
0xf: {  	[sflag:s7] =	ssyncadd.s32 $0xFFFFFF80  }
0x10: {  	[tilespmem:s8], [sflag:$0x1] =	stream.indirect.gather [hbm4b:s3+s8], $0x80, s2, s8, $0xb8;
	[tilespmem:$0x4080] =	vst v63  }
0x11: {  	_ =	swait.ge [sflag:s9], $0x4000  }
0x12: {  	[sflag:s9] =	ssyncset.done $0x0  }
0x13: {  	[sflag:s9] =	ssyncadd.s32 $0xFFFFC000  }
0x14: {  	[hbm4b:s5+s2] =	stream.linear.scatter [tilespmem:s8], [sflag:$0x2], $0x4000, $0x38;
	[tilespmem:$0x4080] =	vst v63  }
0x15: {  	s12 =	simm.s32 $0x10;
	_ =	swait.ge [sflag:s7], $0x4000  }
0x16: {  	s13 =	simm.s32 $0x20;
	s11 =	sadd.s32 $0x800, s5;
	[sflag:s7] =	ssyncset.done $0x0  }
.LBB2_2:
0x17: {  	s14 =	sadd.s32 s12, s6  }
0x18: {  	[sflag:s7] =	ssyncadd.s32 $0xFFFFC000;
	s12 =	smov.u32 s13;
	s15 =	sadd.s32 $0x10, s13  }
0x19: {  	[tilespmem:s2], [sflag:$0x2] =	stream.linear.gather [hbm4b:s14+s2], $0x80, $0x38;
	[tilespmem:$0x4080] =	vst v63  }
0x1a: {  	p0 =	sne.s32 s13, $0x130;
	_ =	swait.ge [sflag:s7], $0x80  }
0x1b: {  	[sflag:s7] =	ssyncset.done $0x0  }
0x1c: {  	[sflag:s7] =	ssyncadd.s32 $0xFFFFFF80  }
0x1d: {  	[tilespmem:s8], [sflag:$0x1] =	stream.indirect.gather [hbm4b:s3+s8], $0x80, s2, s8, $0xb8;
	[tilespmem:$0x4080] =	vst v63  }
0x1e: {  	_ =	swait.ge [sflag:s9], $0x4000  }
.Ltmp0:
0x1f: {  	[sflag:s9] =	ssyncset.done $0x0;
	(pc) =	sbr.rel @p0 .LBB2_2-.Ltmp0, $4  }
0x20: {  	[sflag:s9] =	ssyncadd.s32 $0xFFFFC000  }
0x21: {  	[hbm4b:s11+s2] =	stream.linear.scatter [tilespmem:s8], [sflag:$0x2], $0x4000, $0x38;
	[tilespmem:$0x4080] =	vst v63  }
0x22: {  	_ =	swait.ge [sflag:s7], $0x4000  }
0x23: {  	s13 =	smov.u32 s15;
	s11 =	sadd.s32 $0x800, s11;
	[sflag:s7] =	ssyncset.done $0x0  }
0x24: {  	s12 =	sadd.s32 s12, s6;
	[sflag:s7] =	ssyncadd.s32 $0xFFFFC000  }
0x25: {  	[tilespmem:s2], [sflag:$0x2] =	stream.linear.gather [hbm4b:s12+s2], $0x80, $0x38;
	[tilespmem:$0x4080] =	vst v63  }
0x26: {  	_ =	swait.ge [sflag:s7], $0x80  }
0x27: {  	[sflag:s7] =	ssyncset.done $0x0  }
0x28: {  	[sflag:s7] =	ssyncadd.s32 $0xFFFFFF80  }
0x29: {  	[tilespmem:s8], [sflag:$0x1] =	stream.indirect.gather [hbm4b:s3+s8], $0x80, s2, s8, $0xb8;
	[tilespmem:$0x4080] =	vst v63  }
0x2a: {  	s10 =	sadd.s32 $0x1, s10;
	_ =	swait.ge [sflag:s9], $0x4000  }
0x2b: {  	p0 =	sne.s32 s10, s4;
	[sflag:s9] =	ssyncset.done $0x0  }
.Ltmp1:
0x2c: {  	[sflag:s9] =	ssyncadd.s32 $0xFFFFC000;
	(pc) =	sbr.rel @p0 .LBB2_1-.Ltmp1, $4  }
0x2d: {  	[hbm4b:s11+s2] =	stream.linear.scatter [tilespmem:s8], [sflag:$0x2], $0x4000, $0x38;
	[tilespmem:$0x4080] =	vst v63  }
0x2e: {  	_ =	swait.ge [sflag:s7], $0x4000  }
0x2f: {  	[sflag:s7] =	ssyncset.done $0x0  }
0x30: {  	[sflag:s7] =	ssyncadd.s32 $0xFFFFC000  }
0x31: {  	_ =	sfence.sel $0x180000  }
0x32: {  	[bflag:$0x0] =	sbarrier.arrive $0xFFFF  }
0x33: {  	p0 =	sne.s32 s1, $0x0;
	_ =	strace $0x90000050  }
0x34: {  	s0 =	sadd.s32 @!p0 $0x100000, s0;
	[bflag:$0x2] =	sbarrier.arrive $0xFFFF  }
0x35: {  	[sflag:s0] =	ssyncadd.tile.s32 @!p0 $0x1;
	_ =	shalt  }
.Lfunc_end2:
_tile_overlayer_lowered:
.L_overlay_start_2:
0x36: {  	(tag) =	ssettag $0x2  }
0x37: {  	s0 =	rddreg [dreg:$0x0];
	s2 =	stileid.u32  }
0x38: {  	s1 =	rddreg [dreg:$0x1];
	p0 =	sne.s32 s2, $0x0  }
0x39: {  	s3 =	rddreg [dreg:$0x2];
	[bflag:$0x3] =	sbarrier.arrive $0xFFFF;
	s2 =	simm.s32 @!p0 $0x1C02  }
0x3a: {  	[timem:s3], [sflag:s2] =	dma.local @!p0 [hbm:s0], s1  }
0x3b: {  	s0 =	simm.s32 @!p0 $0x2  }
0x3c: {  	_ =	swait.ge @!p0 [sflag:s0], s1  }
0x3d: {  	s1 =	ssub.s32 @!p0 $0x0, s1;
	[sflag:s0] =	ssyncset.done @!p0 $0x0  }
0x3e: {  	[sflag:s0] =	ssyncadd.s32 @!p0 s1  }
0x3f: {  	[bflag:$0x3] =	sbarrier.arrive $0xFFFF  }
0x40: {  	_ =	shalt  }

</sc_bundles>
